<compile_context>
chip_gen: v7x
topology: tpu7x:2x2x1
jax: 0.10.2.dev20260603
libtpu: 0.0.44.dev20260713+nightly
codegen_flags: <defaults>
</compile_context>

<pallas_src>
import jax
import jax.numpy as jnp
from jax import lax
from jax.experimental import pallas as pl
from jax.experimental.pallas import tpu as pltpu
from jax.experimental.pallas import tpu_sc as plsc

N_NODES = 10000
N_PAD = 10112
N_EDGES = 320000
D = 128
NUM_CLASSES = 64

NC = 2
NS = 16
NW = NC * NS
EPT = N_EDGES // NW
CHUNK = 125
NCH = EPT // CHUNK
NPASS = NCH // 2
ROWS_PT = N_PAD // NS

_f32 = jnp.float32


def _make_sc_agg(with_deg):
  mesh = plsc.VectorSubcoreMesh(core_axis_name="c", subcore_axis_name="s")

  out_type = [jax.ShapeDtypeStruct((NC, N_PAD, D), _f32)]
  scratch = [
      pltpu.VMEM((NPASS, CHUNK), jnp.int32),
      pltpu.VMEM((NPASS, CHUNK), jnp.int32),
      pltpu.VMEM((2, CHUNK, D), _f32),
      pltpu.VMEM_SHARED((N_PAD, D), _f32),
      pltpu.SemaphoreType.DMA,
  ]
  if with_deg:
    out_type.append(jax.ShapeDtypeStruct((NC * N_PAD,), _f32))
    scratch += [
        pltpu.VMEM((CHUNK,), _f32),
        pltpu.VMEM((ROWS_PT,), _f32),
        pltpu.VMEM_SHARED((N_PAD,), _f32),
    ]

  def body(table_hbm, src_hbm, dst_hbm, *rest):
    if with_deg:
      (zdeg_hbm, ones_hbm, agg_out, deg_out, src_t, dst_t, rows_v,
       agg_sh, sem_g, ones_v, zvec, deg_sh) = rest
    else:
      agg_out, src_t, dst_t, rows_v, agg_sh, sem_g = rest
    c = lax.axis_index("c")
    s = lax.axis_index("s")
    wid = s * NC + c
    r0 = s * ROWS_PT

    def zfill_row(i, _):
      def zfill_col(j, _):
        rows_v[0, i, pl.ds(j * 16, 16)] = jnp.zeros((16,), _f32)
        return 0
      return lax.fori_loop(0, D // 16, zfill_col, 0)
    lax.fori_loop(0, 8, zfill_row, 0)
    def zcopy(r, _):
      pltpu.sync_copy(rows_v.at[0, pl.ds(0, 8), :],
                      agg_sh.at[pl.ds(r0 + r * 8, 8), :])
      return 0
    lax.fori_loop(0, ROWS_PT // 8, zcopy, 0)
    if with_deg:
      pltpu.sync_copy(ones_hbm, ones_v)
      pltpu.sync_copy(zdeg_hbm, zvec)
      pltpu.sync_copy(zvec, deg_sh.at[pl.ds(r0, ROWS_PT)])

    plsc.subcore_barrier()

    def _scatter(k, b):
      pltpu.make_async_copy(table_hbm.at[src_t.at[k]], rows_v.at[b],
                            sem_g).wait()
      pltpu.sync_copy(rows_v.at[b], agg_sh.at[dst_t.at[k]], add=True)
      if with_deg:
        pltpu.sync_copy(ones_v, deg_sh.at[dst_t.at[k]], add=True)

    def _process(k, b, nb):
      pltpu.make_async_copy(table_hbm.at[src_t.at[k]], rows_v.at[b],
                            sem_g).wait()
      pltpu.async_copy(table_hbm.at[src_t.at[k + 1]], rows_v.at[nb], sem_g)
      pltpu.sync_copy(rows_v.at[b], agg_sh.at[dst_t.at[k]], add=True)
      if with_deg:
        pltpu.sync_copy(ones_v, deg_sh.at[dst_t.at[k]], add=True)

    for p in range(NCH // NPASS):
      pltpu.sync_copy(src_hbm.at[wid, pl.ds(p * NPASS, NPASS), :], src_t)
      pltpu.sync_copy(dst_hbm.at[wid, pl.ds(p * NPASS, NPASS), :], dst_t)
      pltpu.async_copy(table_hbm.at[src_t.at[0]], rows_v.at[0], sem_g)

      def step(j, _):
        _process(2 * j, 0, 1)
        _process(2 * j + 1, 1, 0)
        return 0
      lax.fori_loop(0, NPASS // 2 - 1, step, 0)
      _process(NPASS - 2, 0, 1)
      _scatter(NPASS - 1, 1)

    plsc.subcore_barrier()

    pltpu.sync_copy(agg_sh.at[pl.ds(r0, ROWS_PT), :],
                    agg_out.at[c, pl.ds(r0, ROWS_PT), :])
    if with_deg:
      pltpu.sync_copy(deg_sh.at[pl.ds(r0, ROWS_PT)], zvec)
      pltpu.sync_copy(zvec, deg_out.at[pl.ds(c * N_PAD + r0, ROWS_PT)])

  return pl.kernel(body, out_type=out_type, mesh=mesh, scratch_types=scratch)


_sc_agg_deg = _make_sc_agg(True)
_sc_agg = _make_sc_agg(False)

ROWS_B = 400
GRID = N_NODES // ROWS_B


def _tc1_body(p_ref, d_ref, w_ref, b_ref, o_ref):
  a = p_ref[0] + p_ref[1]
  d = jnp.maximum(d_ref[0] + d_ref[1], 1.0)
  a = a / d
  h = jnp.dot(a, w_ref[...], preferred_element_type=_f32) + b_ref[...]
  o_ref[...] = jnp.maximum(h, 0.0)


_tc1 = pl.pallas_call(
    _tc1_body,
    grid=(GRID,),
    in_specs=[
        pl.BlockSpec((NC, ROWS_B, D), lambda j: (0, j, 0)),
        pl.BlockSpec((NC, ROWS_B, 1), lambda j: (0, j, 0)),
        pl.BlockSpec((D, D), lambda j: (0, 0)),
        pl.BlockSpec((1, D), lambda j: (0, 0)),
    ],
    out_specs=pl.BlockSpec((ROWS_B, D), lambda j: (j, 0)),
    out_shape=jax.ShapeDtypeStruct((N_NODES, D), _f32),
)


def _tc2_body(p_ref, d_ref, w2_ref, b2_ref, wd_ref, bd_ref, o_ref):
  a = p_ref[0] + p_ref[1]
  d = jnp.maximum(d_ref[0] + d_ref[1], 1.0)
  a = a / d
  h = jnp.maximum(
      jnp.dot(a, w2_ref[...], preferred_element_type=_f32) + b2_ref[...], 0.0)
  lg = jnp.dot(h, wd_ref[...], preferred_element_type=_f32) + bd_ref[...]
  m = jnp.max(lg, axis=-1, keepdims=True)
  e = jnp.exp(lg - m)
  o_ref[...] = e / jnp.sum(e, axis=-1, keepdims=True)


_tc2 = pl.pallas_call(
    _tc2_body,
    grid=(GRID,),
    in_specs=[
        pl.BlockSpec((NC, ROWS_B, D), lambda j: (0, j, 0)),
        pl.BlockSpec((NC, ROWS_B, 1), lambda j: (0, j, 0)),
        pl.BlockSpec((D, D), lambda j: (0, 0)),
        pl.BlockSpec((1, D), lambda j: (0, 0)),
        pl.BlockSpec((D, NUM_CLASSES), lambda j: (0, 0)),
        pl.BlockSpec((1, NUM_CLASSES), lambda j: (0, 0)),
    ],
    out_specs=pl.BlockSpec((ROWS_B, NUM_CLASSES), lambda j: (j, 0)),
    out_shape=jax.ShapeDtypeStruct((N_NODES, NUM_CLASSES), _f32),
)


def kernel(x, edge_index, W1, b1, W2, b2, Wd, bd):
  src = edge_index[0].reshape(NW, NCH, CHUNK)
  dst = edge_index[1].reshape(NW, NCH, CHUNK)
  zdeg = jnp.zeros((ROWS_PT,), _f32)
  ones1 = jnp.ones((CHUNK,), _f32)
  agg1p, degf = _sc_agg_deg(x, src, dst, zdeg, ones1)
  degp = degf.reshape(NC, N_PAD, 1)
  h1 = _tc1(agg1p, degp, W1, b1.reshape(1, D))
  agg2p, = _sc_agg(h1, src, dst)
  out = _tc2(agg2p, degp, W2, b2.reshape(1, D), Wd, bd.reshape(1, NUM_CLASSES))
  return out

# --- scband reference (transcript-rebuilt; emitter-appended) ---
"""Pipeline reference for scband-gcnmodel-55817394978866 (READ-ONLY COPY).

The authoritative reference and input builder live on the scoring server;
editing this copy changes nothing except your own understanding.
"""

import jax, jax.numpy as jnp
import numpy as np

N_NODES = 10000
N_EDGES = 320000
D_FEAT = 128
HIDDEN = 128
NUM_CLASSES = 64


def setup_inputs(seed: int = 0) -> dict:
    key = jax.random.key(seed)
    k = jax.random.split(key, 8)
    x = jax.random.normal(k[0], (N_NODES, D_FEAT), dtype=jnp.float32)
    edge_index = jax.random.randint(k[1], (2, N_EDGES), 0, N_NODES, dtype=jnp.int64 if jax.config.jax_enable_x64 else jnp.int32).astype(jnp.int32)
    W1 = jax.random.normal(k[2], (D_FEAT, HIDDEN), dtype=jnp.float32) * (1.0 / np.sqrt(D_FEAT))
    b1 = jnp.zeros((HIDDEN,), dtype=jnp.float32)
    W2 = jax.random.normal(k[3], (HIDDEN, HIDDEN), dtype=jnp.float32) * (1.0 / np.sqrt(HIDDEN))
    b2 = jnp.zeros((HIDDEN,), dtype=jnp.float32)
    Wd = jax.random.normal(k[4], (HIDDEN, NUM_CLASSES), dtype=jnp.float32) * (1.0 / np.sqrt(HIDDEN))
    bd = jnp.zeros((NUM_CLASSES,), dtype=jnp.float32)
    return {"x": x, "edge_index": edge_index, "W1": W1, "b1": b1, "W2": W2, "b2": b2, "Wd": Wd, "bd": bd}


def _graph_conv(h, src, dst, deg, W, b):
    # gather source node features along edges (SparseCore gather)
    msgs = jnp.take(h, src, axis=0)
    # scatter-add messages to destination nodes (SparseCore scatter-add)
    agg = jax.ops.segment_sum(msgs, dst, num_segments=N_NODES)
    # mean aggregation (degree normalization)
    agg = agg / deg[:, None]
    return agg @ W + b


def reference(x, edge_index, W1, b1, W2, b2, Wd, bd):
    src = edge_index[0]
    dst = edge_index[1]
    deg = jax.ops.segment_sum(jnp.ones((N_EDGES,), dtype=jnp.float32), dst, num_segments=N_NODES)
    deg = jnp.maximum(deg, 1.0)
    h = _graph_conv(x, src, dst, deg, W1, b1)
    h = jax.nn.relu(h)
    h = _graph_conv(h, src, dst, deg, W2, b2)
    h = jax.nn.relu(h)
    logits = h @ Wd + bd
    return jax.nn.softmax(logits, axis=-1)

if __name__ == "__main__":
    import jax
    _d = setup_inputs()
    print(jax.jit(kernel)(*tuple(_d.values())))

</pallas_src>

<mosaic_0001>
#map = affine_map<(d0, d1) -> (0, 0)>
#map1 = affine_map<(d0, d1) -> (0, 0, 0)>
#map2 = affine_map<(d0, d1) -> (0)>
module attributes {stable_mosaic.version = 14 : i64} {
  func.func @body(%arg0: i32, %arg1: i32, %arg2: memref<10000x128xf32, #tpu.memory_space<hbm>>, %arg3: memref<32x80x125xi32, #tpu.memory_space<hbm>>, %arg4: memref<32x80x125xi32, #tpu.memory_space<hbm>>, %arg5: memref<632xf32, #tpu.memory_space<hbm>>, %arg6: memref<125xf32, #tpu.memory_space<hbm>>, %arg7: memref<2x10112x128xf32, #tpu.memory_space<hbm>>, %arg8: memref<20224xf32, #tpu.memory_space<hbm>>, %arg9: memref<40x125xi32, #tpu.memory_space<vmem>>, %arg10: memref<40x125xi32, #tpu.memory_space<vmem>>, %arg11: memref<2x125x128xf32, #tpu.memory_space<vmem>>, %arg12: memref<10112x128xf32, #tpu.memory_space<vmem_shared>>, %arg13: memref<!tpu.dma_semaphore, #tpu.memory_space<semaphore_mem>>, %arg14: memref<125xf32, #tpu.memory_space<vmem>>, %arg15: memref<632xf32, #tpu.memory_space<vmem>>, %arg16: memref<10112xf32, #tpu.memory_space<vmem_shared>>) attributes {dimension_semantics = [#tpu.dimension_semantics<core_parallel>, #tpu.dimension_semantics<subcore_parallel>], iteration_bounds = array<i64: 2, 16>, scalar_prefetch = 0 : i64, scratch_operands = 8 : i64, tpu.core_type = #tpu.core_type<sc_vector_subcore>, window_params = [{transform_indices = #map}, {transform_indices = #map1}, {transform_indices = #map1}, {transform_indices = #map2}, {transform_indices = #map2}, {transform_indices = #map1}, {transform_indices = #map2}]} {
    %mul3A = arith.constant 2 : i32
    %mul3A_0 = arith.muli %arg1, %mul3A : i32
    %add3A = arith.addi %mul3A_0, %arg0 : i32
    %mul3A_1 = arith.constant 632 : i32
    %mul3A_2 = arith.muli %arg1, %mul3A_1 : i32
    %scan3A = arith.constant 0 : i32
    %scan3A_3 = arith.constant 0 : i32
    %scan3A_4 = arith.constant 8 : i32
    %scan3A_5 = arith.addi %scan3A_3, %scan3A_4 : i32
    %scan3A_6 = arith.constant 1 : i32
    %scan3A_7 = scf.for %scan3A_139 = %scan3A_3 to %scan3A_5 step %scan3A_6 iter_args(%scan3A_140 = %scan3A) -> (i32)  : i32 {
      %scan3A_141 = arith.constant 0 : i32
      %scan3A_142 = arith.constant 0 : i32
      %scan3A_143 = arith.constant 8 : i32
      %scan3A_144 = arith.addi %scan3A_142, %scan3A_143 : i32
      %scan3A_145 = arith.constant 1 : i32
      %scan3A_146 = scf.for %scan3A_148 = %scan3A_142 to %scan3A_144 step %scan3A_145 iter_args(%scan3A_149 = %scan3A_141) -> (i32)  : i32 {
        %broadcast_in_dim3A = arith.constant 0.000000e+00 : f32
        %broadcast_in_dim3A_150 = vector.broadcast %broadcast_in_dim3A : f32 to vector<16xf32>
        %mul3A_151 = arith.constant 16 : i32
        %mul3A_152 = arith.muli %scan3A_148, %mul3A_151 : i32
        %swap3A = arith.constant 0 : i32
        %swap3A_153 = arith.index_cast %swap3A : i32 to index
        %swap3A_154 = arith.index_cast %scan3A_139 : i32 to index
        %swap3A_155 = arith.index_cast %mul3A_152 : i32 to index
        %swap3A_156 = tpu.vector_load %arg11[%swap3A_153, %swap3A_154, %swap3A_155] {strides = array<i32>} : memref<2x125x128xf32, #tpu.memory_space<vmem>>, vector<1x1x16xf32>,
        %swap3A_157 = vector.shape_cast %swap3A_156 : vector<1x1x16xf32> to vector<16xf32>
        %swap3A_158 = vector.shape_cast %broadcast_in_dim3A_150 : vector<16xf32> to vector<1x1x16xf32>
        tpu.vector_store %arg11[%swap3A_153, %swap3A_154, %swap3A_155], %swap3A_158 {strides = array<i32>} : memref<2x125x128xf32, #tpu.memory_space<vmem>>, vector<1x1x16xf32>,
        %scan3A_159 = arith.constant 0 : i32
        scf.yield %scan3A_159 : i32
      }
      %scan3A_147 = arith.constant 8 : i32
      scf.yield %scan3A_146 : i32
    }
    %scan3A_8 = arith.constant 8 : i32
    %scan3A_9 = arith.constant 0 : i32
    %scan3A_10 = arith.constant 0 : i32
    %scan3A_11 = arith.constant 79 : i32
    %scan3A_12 = arith.addi %scan3A_10, %scan3A_11 : i32
    %scan3A_13 = arith.constant 1 : i32
    %scan3A_14 = scf.for %scan3A_139 = %scan3A_10 to %scan3A_12 step %scan3A_13 iter_args(%scan3A_140 = %scan3A_9) -> (i32)  : i32 {
      %mul3A_141 = arith.constant 8 : i32
      %mul3A_142 = arith.muli %scan3A_139, %mul3A_141 : i32
      %add3A_143 = arith.addi %mul3A_2, %mul3A_142 : i32
      %run_scoped3A_144 = arith.constant 0 : i32
      "tpu.region"() ({
        %run_scoped3A_146 = tpu.sem_alloc : memref<!tpu.dma_semaphore, #tpu.memory_space<semaphore_mem>>
        %dma_start3A_147 = arith.constant 0 : i32
        %dma_start3A_148 = arith.constant 0 : i32
        %dma_start3A_149 = tpu.memref_slice %arg11[%run_scoped3A_144, %dma_start3A_147, %dma_start3A_148] : memref<2x125x128xf32, #tpu.memory_space<vmem>> -> memref<1x8x128xf32, #tpu.memory_space<vmem>>
        %dma_start3A_150 = tpu.memref_squeeze %dma_start3A_149 : memref<1x8x128xf32, #tpu.memory_space<vmem>> -> memref<8x128xf32, #tpu.memory_space<vmem>>
        %dma_start3A_151 = arith.constant 0 : i32
        %dma_start3A_152 = tpu.memref_slice %arg12[%add3A_143, %dma_start3A_151] : memref<10112x128xf32, #tpu.memory_space<vmem_shared>> -> memref<8x128xf32, #tpu.memory_space<vmem_shared>>
        %dma_start3A_153 = arith.constant 0 : i32
        %dma_start3A_154 = tpu.memref_slice %arg12[%add3A_143, %dma_start3A_153] : memref<10112x128xf32, #tpu.memory_space<vmem_shared>> -> memref<8x128xf32, #tpu.memory_space<vmem_shared>>
        %dma_start3A_155 = arith.constant 0 : i32
        %dma_start3A_156 = arith.constant 0 : i32
        %dma_start3A_157 = tpu.memref_slice %arg11[%run_scoped3A_144, %dma_start3A_155, %dma_start3A_156] : memref<2x125x128xf32, #tpu.memory_space<vmem>> -> memref<1x8x128xf32, #tpu.memory_space<vmem>>
        %dma_start3A_158 = tpu.memref_squeeze %dma_start3A_157 : memref<1x8x128xf32, #tpu.memory_space<vmem>> -> memref<8x128xf32, #tpu.memory_space<vmem>>
        tpu.enqueue_dma source(%dma_start3A_158 : memref<8x128xf32, #tpu.memory_space<vmem>>) target(%dma_start3A_154 : memref<8x128xf32, #tpu.memory_space<vmem_shared>>) target_semaphore(%run_scoped3A_146 : memref<!tpu.dma_semaphore, #tpu.memory_space<semaphore_mem>>)
        %dma_wait3A_159 = arith.constant 0 : i32
        %dma_wait3A_160 = arith.constant 0 : i32
        %dma_wait3A_161 = tpu.memref_slice %arg11[%run_scoped3A_144, %dma_wait3A_159, %dma_wait3A_160] : memref<2x125x128xf32, #tpu.memory_space<vmem>> -> memref<1x8x128xf32, #tpu.memory_space<vmem>>
        %dma_wait3A_162 = tpu.memref_squeeze %dma_wait3A_161 : memref<1x8x128xf32, #tpu.memory_space<vmem>> -> memref<8x128xf32, #tpu.memory_space<vmem>>
        %dma_wait3A_163 = arith.constant 0 : i32
        %dma_wait3A_164 = tpu.memref_slice %arg12[%add3A_143, %dma_wait3A_163] : memref<10112x128xf32, #tpu.memory_space<vmem_shared>> -> memref<8x128xf32, #tpu.memory_space<vmem_shared>>
        %dma_wait3A_165 = arith.constant 0 : i32
        %dma_wait3A_166 = tpu.memref_slice %arg12[%add3A_143, %dma_wait3A_165] : memref<10112x128xf32, #tpu.memory_space<vmem_shared>> -> memref<8x128xf32, #tpu.memory_space<vmem_shared>>
        %dma_wait3A_167 = arith.constant 0 : i32
        %dma_wait3A_168 = arith.constant 0 : i32
        %dma_wait3A_169 = tpu.memref_slice %arg11[%run_scoped3A_144, %dma_wait3A_167, %dma_wait3A_168] : memref<2x125x128xf32, #tpu.memory_space<vmem>> -> memref<1x8x128xf32, #tpu.memory_space<vmem>>
        %dma_wait3A_170 = tpu.memref_squeeze %dma_wait3A_169 : memref<1x8x128xf32, #tpu.memory_space<vmem>> -> memref<8x128xf32, #tpu.memory_space<vmem>>
        tpu.wait_dma2 semaphore(%run_scoped3A_146 : memref<!tpu.dma_semaphore, #tpu.memory_space<semaphore_mem>>) src(%dma_wait3A_170 : memref<8x128xf32, #tpu.memory_space<vmem>>) dst(%dma_wait3A_166 : memref<8x128xf32, #tpu.memory_space<vmem_shared>>)
        tpu.yield
      }) : () -> ()
      %scan3A_145 = arith.constant 0 : i32
      scf.yield %scan3A_145 : i32
    }
    %scan3A_15 = arith.constant 79 : i32
    "tpu.region"() ({
      %run_scoped3A_139 = tpu.sem_alloc : memref<!tpu.dma_semaphore, #tpu.memory_space<semaphore_mem>>
      tpu.enqueue_dma source(%arg6 : memref<125xf32, #tpu.memory_space<hbm>>) target(%arg14 : memref<125xf32, #tpu.memory_space<vmem>>) target_semaphore(%run_scoped3A_139 : memref<!tpu.dma_semaphore, #tpu.memory_space<semaphore_mem>>)
      tpu.wait_dma2 semaphore(%run_scoped3A_139 : memref<!tpu.dma_semaphore, #tpu.memory_space<semaphore_mem>>) src(%arg6 : memref<125xf32, #tpu.memory_space<hbm>>) dst(%arg14 : memref<125xf32, #tpu.memory_space<vmem>>)
      tpu.yield
    }) : () -> ()
    "tpu.region"() ({
      %run_scoped3A_139 = tpu.sem_alloc : memref<!tpu.dma_semaphore, #tpu.memory_space<semaphore_mem>>
      tpu.enqueue_dma source(%arg5 : memref<632xf32, #tpu.memory_space<hbm>>) target(%arg15 : memref<632xf32, #tpu.memory_space<vmem>>) target_semaphore(%run_scoped3A_139 : memref<!tpu.dma_semaphore, #tpu.memory_space<semaphore_mem>>)
      tpu.wait_dma2 semaphore(%run_scoped3A_139 : memref<!tpu.dma_semaphore, #tpu.memory_space<semaphore_mem>>) src(%arg5 : memref<632xf32, #tpu.memory_space<hbm>>) dst(%arg15 : memref<632xf32, #tpu.memory_space<vmem>>)
      tpu.yield
    }) : () -> ()
    "tpu.region"() ({
      %run_scoped3A_139 = tpu.sem_alloc : memref<!tpu.dma_semaphore, #tpu.memory_space<semaphore_mem>>
      %dma_start3A_140 = tpu.memref_slice %arg16[%mul3A_2] : memref<10112xf32, #tpu.memory_space<vmem_shared>> -> memref<632xf32, #tpu.memory_space<vmem_shared>>
      %dma_start3A_141 = tpu.memref_slice %arg16[%mul3A_2] : memref<10112xf32, #tpu.memory_space<vmem_shared>> -> memref<632xf32, #tpu.memory_space<vmem_shared>>
      tpu.enqueue_dma source(%arg15 : memref<632xf32, #tpu.memory_space<vmem>>) target(%dma_start3A_141 : memref<632xf32, #tpu.memory_space<vmem_shared>>) target_semaphore(%run_scoped3A_139 : memref<!tpu.dma_semaphore, #tpu.memory_space<semaphore_mem>>)
      %dma_wait3A_142 = tpu.memref_slice %arg16[%mul3A_2] : memref<10112xf32, #tpu.memory_space<vmem_shared>> -> memref<632xf32, #tpu.memory_space<vmem_shared>>
      %dma_wait3A_143 = tpu.memref_slice %arg16[%mul3A_2] : memref<10112xf32, #tpu.memory_space<vmem_shared>> -> memref<632xf32, #tpu.memory_space<vmem_shared>>
      tpu.wait_dma2 semaphore(%run_scoped3A_139 : memref<!tpu.dma_semaphore, #tpu.memory_space<semaphore_mem>>) src(%arg15 : memref<632xf32, #tpu.memory_space<vmem>>) dst(%dma_wait3A_143 : memref<632xf32, #tpu.memory_space<vmem_shared>>)
      tpu.yield
    }) : () -> ()
    %barrier3A = arith.constant 0 : index
    tpu.barrier barrier_id(%barrier3A)
    "tpu.region"() ({
      %run_scoped3A_139 = tpu.sem_alloc : memref<!tpu.dma_semaphore, #tpu.memory_space<semaphore_mem>>
      %dma_start3A_140 = arith.constant 0 : i32
      %dma_start3A_141 = arith.constant 0 : i32
      %dma_start3A_142 = tpu.memref_slice %arg3[%add3A, %dma_start3A_140, %dma_start3A_141] : memref<32x80x125xi32, #tpu.memory_space<hbm>> -> memref<1x40x125xi32, #tpu.memory_space<hbm>>
      %dma_start3A_143 = tpu.memref_squeeze %dma_start3A_142 : memref<1x40x125xi32, #tpu.memory_space<hbm>> -> memref<40x125xi32, #tpu.memory_space<hbm>>
      %dma_start3A_144 = arith.constant 0 : i32
      %dma_start3A_145 = arith.constant 0 : i32
      %dma_start3A_146 = tpu.memref_slice %arg3[%add3A, %dma_start3A_144, %dma_start3A_145] : memref<32x80x125xi32, #tpu.memory_space<hbm>> -> memref<1x40x125xi32, #tpu.memory_space<hbm>>
      %dma_start3A_147 = tpu.memref_squeeze %dma_start3A_146 : memref<1x40x125xi32, #tpu.memory_space<hbm>> -> memref<40x125xi32, #tpu.memory_space<hbm>>
      tpu.enqueue_dma source(%dma_start3A_147 : memref<40x125xi32, #tpu.memory_space<hbm>>) target(%arg9 : memref<40x125xi32, #tpu.memory_space<vmem>>) target_semaphore(%run_scoped3A_139 : memref<!tpu.dma_semaphore, #tpu.memory_space<semaphore_mem>>)
      %dma_wait3A_148 = arith.constant 0 : i32
      %dma_wait3A_149 = arith.constant 0 : i32
      %dma_wait3A_150 = tpu.memref_slice %arg3[%add3A, %dma_wait3A_148, %dma_wait3A_149] : memref<32x80x125xi32, #tpu.memory_space<hbm>> -> memref<1x40x125xi32, #tpu.memory_space<hbm>>
      %dma_wait3A_151 = tpu.memref_squeeze %dma_wait3A_150 : memref<1x40x125xi32, #tpu.memory_space<hbm>> -> memref<40x125xi32, #tpu.memory_space<hbm>>
      %dma_wait3A_152 = arith.constant 0 : i32
      %dma_wait3A_153 = arith.constant 0 : i32
      %dma_wait3A_154 = tpu.memref_slice %arg3[%add3A, %dma_wait3A_152, %dma_wait3A_153] : memref<32x80x125xi32, #tpu.memory_space<hbm>> -> memref<1x40x125xi32, #tpu.memory_space<hbm>>
      %dma_wait3A_155 = tpu.memref_squeeze %dma_wait3A_154 : memref<1x40x125xi32, #tpu.memory_space<hbm>> -> memref<40x125xi32, #tpu.memory_space<hbm>>
      tpu.wait_dma2 semaphore(%run_scoped3A_139 : memref<!tpu.dma_semaphore, #tpu.memory_space<semaphore_mem>>) src(%dma_wait3A_155 : memref<40x125xi32, #tpu.memory_space<hbm>>) dst(%arg9 : memref<40x125xi32, #tpu.memory_space<vmem>>)
      tpu.yield
    }) : () -> ()
    "tpu.region"() ({
      %run_scoped3A_139 = tpu.sem_alloc : memref<!tpu.dma_semaphore, #tpu.memory_space<semaphore_mem>>
      %dma_start3A_140 = arith.constant 0 : i32
      %dma_start3A_141 = arith.constant 0 : i32
      %dma_start3A_142 = tpu.memref_slice %arg4[%add3A, %dma_start3A_140, %dma_start3A_141] : memref<32x80x125xi32, #tpu.memory_space<hbm>> -> memref<1x40x125xi32, #tpu.memory_space<hbm>>
      %dma_start3A_143 = tpu.memref_squeeze %dma_start3A_142 : memref<1x40x125xi32, #tpu.memory_space<hbm>> -> memref<40x125xi32, #tpu.memory_space<hbm>>
      %dma_start3A_144 = arith.constant 0 : i32
      %dma_start3A_145 = arith.constant 0 : i32
      %dma_start3A_146 = tpu.memref_slice %arg4[%add3A, %dma_start3A_144, %dma_start3A_145] : memref<32x80x125xi32, #tpu.memory_space<hbm>> -> memref<1x40x125xi32, #tpu.memory_space<hbm>>
      %dma_start3A_147 = tpu.memref_squeeze %dma_start3A_146 : memref<1x40x125xi32, #tpu.memory_space<hbm>> -> memref<40x125xi32, #tpu.memory_space<hbm>>
      tpu.enqueue_dma source(%dma_start3A_147 : memref<40x125xi32, #tpu.memory_space<hbm>>) target(%arg10 : memref<40x125xi32, #tpu.memory_space<vmem>>) target_semaphore(%run_scoped3A_139 : memref<!tpu.dma_semaphore, #tpu.memory_space<semaphore_mem>>)
      %dma_wait3A_148 = arith.constant 0 : i32
      %dma_wait3A_149 = arith.constant 0 : i32
      %dma_wait3A_150 = tpu.memref_slice %arg4[%add3A, %dma_wait3A_148, %dma_wait3A_149] : memref<32x80x125xi32, #tpu.memory_space<hbm>> -> memref<1x40x125xi32, #tpu.memory_space<hbm>>
      %dma_wait3A_151 = tpu.memref_squeeze %dma_wait3A_150 : memref<1x40x125xi32, #tpu.memory_space<hbm>> -> memref<40x125xi32, #tpu.memory_space<hbm>>
      %dma_wait3A_152 = arith.constant 0 : i32
      %dma_wait3A_153 = arith.constant 0 : i32
      %dma_wait3A_154 = tpu.memref_slice %arg4[%add3A, %dma_wait3A_152, %dma_wait3A_153] : memref<32x80x125xi32, #tpu.memory_space<hbm>> -> memref<1x40x125xi32, #tpu.memory_space<hbm>>
      %dma_wait3A_155 = tpu.memref_squeeze %dma_wait3A_154 : memref<1x40x125xi32, #tpu.memory_space<hbm>> -> memref<40x125xi32, #tpu.memory_space<hbm>>
      tpu.wait_dma2 semaphore(%run_scoped3A_139 : memref<!tpu.dma_semaphore, #tpu.memory_space<semaphore_mem>>) src(%dma_wait3A_155 : memref<40x125xi32, #tpu.memory_space<hbm>>) dst(%arg10 : memref<40x125xi32, #tpu.memory_space<vmem>>)
      tpu.yield
    }) : () -> ()
    %dma_start3A = arith.constant 0 : i32
    %dma_start3A_16 = arith.constant 0 : i32
    %dma_start3A_17 = arith.constant 0 : i32
    %dma_start3A_18 = arith.constant 0 : i32
    %dma_start3A_19 = tpu.memref_slice %arg11[%dma_start3A_16, %dma_start3A_17, %dma_start3A_18] : memref<2x125x128xf32, #tpu.memory_space<vmem>> -> memref<1x125x128xf32, #tpu.memory_space<vmem>>
    %dma_start3A_20 = tpu.memref_squeeze %dma_start3A_19 : memref<1x125x128xf32, #tpu.memory_space<vmem>> -> memref<125x128xf32, #tpu.memory_space<vmem>>
    %dma_start3A_21 = arith.constant 0 : i32
    %dma_start3A_22 = tpu.memref_slice %arg9[%dma_start3A, %dma_start3A_21] : memref<40x125xi32, #tpu.memory_space<vmem>> -> memref<1x125xi32, #tpu.memory_space<vmem>>
    %dma_start3A_23 = tpu.memref_squeeze %dma_start3A_22 : memref<1x125xi32, #tpu.memory_space<vmem>> -> memref<125xi32, #tpu.memory_space<vmem>>
    %dma_start3A_24 = arith.constant 0 : i32
    %dma_start3A_25 = arith.constant 0 : i32
    %dma_start3A_26 = tpu.memref_slice %arg2[%dma_start3A_24, %dma_start3A_25] : memref<10000x128xf32, #tpu.memory_space<hbm>> -> memref<10000x128xf32, #tpu.memory_space<hbm>>
    tpu.enqueue_indirect_dma source(%dma_start3A_26 : memref<10000x128xf32, #tpu.memory_space<hbm>>) target(%dma_start3A_20 : memref<125x128xf32, #tpu.memory_space<vmem>>) offsets(%dma_start3A_23 : memref<125xi32, #tpu.memory_space<vmem>>) semaphore(%arg13 : memref<!tpu.dma_semaphore, #tpu.memory_space<semaphore_mem>>)
    %scan3A_27 = arith.constant 0 : i32
    %scan3A_28 = arith.constant 0 : i32
    %scan3A_29 = arith.constant 19 : i32
    %scan3A_30 = arith.addi %scan3A_28, %scan3A_29 : i32
    %scan3A_31 = arith.constant 1 : i32
    %scan3A_32 = scf.for %scan3A_139 = %scan3A_28 to %scan3A_30 step %scan3A_31 iter_args(%scan3A_140 = %scan3A_27) -> (i32)  : i32 {
      %mul3A_141 = arith.constant 2 : i32
      %mul3A_142 = arith.muli %mul3A_141, %scan3A_139 : i32
      %dma_wait3A_143 = arith.constant 0 : i32
      %dma_wait3A_144 = arith.constant 0 : i32
      %dma_wait3A_145 = arith.constant 0 : i32
      %dma_wait3A_146 = tpu.memref_slice %arg11[%dma_wait3A_143, %dma_wait3A_144, %dma_wait3A_145] : memref<2x125x128xf32, #tpu.memory_space<vmem>> -> memref<1x125x128xf32, #tpu.memory_space<vmem>>
      %dma_wait3A_147 = tpu.memref_squeeze %dma_wait3A_146 : memref<1x125x128xf32, #tpu.memory_space<vmem>> -> memref<125x128xf32, #tpu.memory_space<vmem>>
      %dma_wait3A_148 = arith.constant 0 : i32
      %dma_wait3A_149 = tpu.memref_slice %arg9[%mul3A_142, %dma_wait3A_148] : memref<40x125xi32, #tpu.memory_space<vmem>> -> memref<1x125xi32, #tpu.memory_space<vmem>>
      %dma_wait3A_150 = tpu.memref_squeeze %dma_wait3A_149 : memref<1x125xi32, #tpu.memory_space<vmem>> -> memref<125xi32, #tpu.memory_space<vmem>>
      %dma_wait3A_151 = arith.constant 0 : i32
      %dma_wait3A_152 = arith.constant 0 : i32
      %dma_wait3A_153 = tpu.memref_slice %arg2[%dma_wait3A_151, %dma_wait3A_152] : memref<10000x128xf32, #tpu.memory_space<hbm>> -> memref<10000x128xf32, #tpu.memory_space<hbm>>
      tpu.wait_indirect_dma semaphore(%arg13 : memref<!tpu.dma_semaphore, #tpu.memory_space<semaphore_mem>>) src(%dma_wait3A_153 : memref<10000x128xf32, #tpu.memory_space<hbm>>) dst(%dma_wait3A_147 : memref<125x128xf32, #tpu.memory_space<vmem>>)
      %add3A_154 = arith.constant 1 : i32
      %add3A_155 = arith.addi %mul3A_142, %add3A_154 : i32
      %dma_start3A_156 = arith.constant 1 : i32
      %dma_start3A_157 = arith.constant 0 : i32
      %dma_start3A_158 = arith.constant 0 : i32
      %dma_start3A_159 = tpu.memref_slice %arg11[%dma_start3A_156, %dma_start3A_157, %dma_start3A_158] : memref<2x125x128xf32, #tpu.memory_space<vmem>> -> memref<1x125x128xf32, #tpu.memory_space<vmem>>
      %dma_start3A_160 = tpu.memref_squeeze %dma_start3A_159 : memref<1x125x128xf32, #tpu.memory_space<vmem>> -> memref<125x128xf32, #tpu.memory_space<vmem>>
      %dma_start3A_161 = arith.constant 0 : i32
      %dma_start3A_162 = tpu.memref_slice %arg9[%add3A_155, %dma_start3A_161] : memref<40x125xi32, #tpu.memory_space<vmem>> -> memref<1x125xi32, #tpu.memory_space<vmem>>
      %dma_start3A_163 = tpu.memref_squeeze %dma_start3A_162 : memref<1x125xi32, #tpu.memory_space<vmem>> -> memref<125xi32, #tpu.memory_space<vmem>>
      %dma_start3A_164 = arith.constant 0 : i32
      %dma_start3A_165 = arith.constant 0 : i32
      %dma_start3A_166 = tpu.memref_slice %arg2[%dma_start3A_164, %dma_start3A_165] : memref<10000x128xf32, #tpu.memory_space<hbm>> -> memref<10000x128xf32, #tpu.memory_space<hbm>>
      tpu.enqueue_indirect_dma source(%dma_start3A_166 : memref<10000x128xf32, #tpu.memory_space<hbm>>) target(%dma_start3A_160 : memref<125x128xf32, #tpu.memory_space<vmem>>) offsets(%dma_start3A_163 : memref<125xi32, #tpu.memory_space<vmem>>) semaphore(%arg13 : memref<!tpu.dma_semaphore, #tpu.memory_space<semaphore_mem>>)
      %run_scoped3A_167 = arith.constant 0 : i32
      "tpu.region"() ({
        %run_scoped3A_198 = tpu.sem_alloc : memref<!tpu.dma_semaphore, #tpu.memory_space<semaphore_mem>>
        %dma_start3A_199 = arith.constant 0 : i32
        %dma_start3A_200 = arith.constant 0 : i32
        %dma_start3A_201 = tpu.memref_slice %arg11[%run_scoped3A_167, %dma_start3A_199, %dma_start3A_200] : memref<2x125x128xf32, #tpu.memory_space<vmem>> -> memref<1x125x128xf32, #tpu.memory_space<vmem>>
        %dma_start3A_202 = tpu.memref_squeeze %dma_start3A_201 : memref<1x125x128xf32, #tpu.memory_space<vmem>> -> memref<125x128xf32, #tpu.memory_space<vmem>>
        %dma_start3A_203 = arith.constant 0 : i32
        %dma_start3A_204 = tpu.memref_slice %arg10[%mul3A_142, %dma_start3A_203] : memref<40x125xi32, #tpu.memory_space<vmem>> -> memref<1x125xi32, #tpu.memory_space<vmem>>
        %dma_start3A_205 = tpu.memref_squeeze %dma_start3A_204 : memref<1x125xi32, #tpu.memory_space<vmem>> -> memref<125xi32, #tpu.memory_space<vmem>>
        %dma_start3A_206 = arith.constant 0 : i32
        %dma_start3A_207 = arith.constant 0 : i32
        %dma_start3A_208 = tpu.memref_slice %arg12[%dma_start3A_206, %dma_start3A_207] : memref<10112x128xf32, #tpu.memory_space<vmem_shared>> -> memref<10112x128xf32, #tpu.memory_space<vmem_shared>>
        tpu.enqueue_indirect_dma source(%dma_start3A_202 : memref<125x128xf32, #tpu.memory_space<vmem>>) target(%dma_start3A_208 : memref<10112x128xf32, #tpu.memory_space<vmem_shared>>) offsets(%dma_start3A_205 : memref<125xi32, #tpu.memory_space<vmem>>) semaphore(%run_scoped3A_198 : memref<!tpu.dma_semaphore, #tpu.memory_space<semaphore_mem>>) {add = true}
        %dma_wait3A_209 = arith.constant 0 : i32
        %dma_wait3A_210 = arith.constant 0 : i32
        %dma_wait3A_211 = tpu.memref_slice %arg11[%run_scoped3A_167, %dma_wait3A_209, %dma_wait3A_210] : memref<2x125x128xf32, #tpu.memory_space<vmem>> -> memref<1x125x128xf32, #tpu.memory_space<vmem>>
        %dma_wait3A_212 = tpu.memref_squeeze %dma_wait3A_211 : memref<1x125x128xf32, #tpu.memory_space<vmem>> -> memref<125x128xf32, #tpu.memory_space<vmem>>
        %dma_wait3A_213 = arith.constant 0 : i32
        %dma_wait3A_214 = tpu.memref_slice %arg10[%mul3A_142, %dma_wait3A_213] : memref<40x125xi32, #tpu.memory_space<vmem>> -> memref<1x125xi32, #tpu.memory_space<vmem>>
        %dma_wait3A_215 = tpu.memref_squeeze %dma_wait3A_214 : memref<1x125xi32, #tpu.memory_space<vmem>> -> memref<125xi32, #tpu.memory_space<vmem>>
        %dma_wait3A_216 = arith.constant 0 : i32
        %dma_wait3A_217 = arith.constant 0 : i32
        %dma_wait3A_218 = tpu.memref_slice %arg12[%dma_wait3A_216, %dma_wait3A_217] : memref<10112x128xf32, #tpu.memory_space<vmem_shared>> -> memref<10112x128xf32, #tpu.memory_space<vmem_shared>>
        tpu.wait_indirect_dma semaphore(%run_scoped3A_198 : memref<!tpu.dma_semaphore, #tpu.memory_space<semaphore_mem>>) src(%dma_wait3A_212 : memref<125x128xf32, #tpu.memory_space<vmem>>) dst(%dma_wait3A_218 : memref<10112x128xf32, #tpu.memory_space<vmem_shared>>)
        tpu.yield
      }) : () -> ()
      "tpu.region"() ({
        %run_scoped3A_198 = tpu.sem_alloc : memref<!tpu.dma_semaphore, #tpu.memory_space<semaphore_mem>>
        %dma_start3A_199 = arith.constant 0 : i32
        %dma_start3A_200 = tpu.memref_slice %arg10[%mul3A_142, %dma_start3A_199] : memref<40x125xi32, #tpu.memory_space<vmem>> -> memref<1x125xi32, #tpu.memory_space<vmem>>
        %dma_start3A_201 = tpu.memref_squeeze %dma_start3A_200 : memref<1x125xi32, #tpu.memory_space<vmem>> -> memref<125xi32, #tpu.memory_space<vmem>>
        %dma_start3A_202 = arith.constant 0 : i32
        %dma_start3A_203 = tpu.memref_slice %arg16[%dma_start3A_202] : memref<10112xf32, #tpu.memory_space<vmem_shared>> -> memref<10112xf32, #tpu.memory_space<vmem_shared>>
        tpu.enqueue_indirect_dma source(%arg14 : memref<125xf32, #tpu.memory_space<vmem>>) target(%dma_start3A_203 : memref<10112xf32, #tpu.memory_space<vmem_shared>>) offsets(%dma_start3A_201 : memref<125xi32, #tpu.memory_space<vmem>>) semaphore(%run_scoped3A_198 : memref<!tpu.dma_semaphore, #tpu.memory_space<semaphore_mem>>) {add = true}
        %dma_wait3A_204 = arith.constant 0 : i32
        %dma_wait3A_205 = tpu.memref_slice %arg10[%mul3A_142, %dma_wait3A_204] : memref<40x125xi32, #tpu.memory_space<vmem>> -> memref<1x125xi32, #tpu.memory_space<vmem>>
        %dma_wait3A_206 = tpu.memref_squeeze %dma_wait3A_205 : memref<1x125xi32, #tpu.memory_space<vmem>> -> memref<125xi32, #tpu.memory_space<vmem>>
        %dma_wait3A_207 = arith.constant 0 : i32
        %dma_wait3A_208 = tpu.memref_slice %arg16[%dma_wait3A_207] : memref<10112xf32, #tpu.memory_space<vmem_shared>> -> memref<10112xf32, #tpu.memory_space<vmem_shared>>
        tpu.wait_indirect_dma semaphore(%run_scoped3A_198 : memref<!tpu.dma_semaphore, #tpu.memory_space<semaphore_mem>>) src(%arg14 : memref<125xf32, #tpu.memory_space<vmem>>) dst(%dma_wait3A_208 : memref<10112xf32, #tpu.memory_space<vmem_shared>>)
        tpu.yield
      }) : () -> ()
      %mul3A_168 = arith.constant 2 : i32
      %mul3A_169 = arith.muli %mul3A_168, %scan3A_139 : i32
      %add3A_170 = arith.constant 1 : i32
      %add3A_171 = arith.addi %mul3A_169, %add3A_170 : i32
      %dma_wait3A_172 = arith.constant 1 : i32
      %dma_wait3A_173 = arith.constant 0 : i32
      %dma_wait3A_174 = arith.constant 0 : i32
      %dma_wait3A_175 = tpu.memref_slice %arg11[%dma_wait3A_172, %dma_wait3A_173, %dma_wait3A_174] : memref<2x125x128xf32, #tpu.memory_space<vmem>> -> memref<1x125x128xf32, #tpu.memory_space<vmem>>
      %dma_wait3A_176 = tpu.memref_squeeze %dma_wait3A_175 : memref<1x125x128xf32, #tpu.memory_space<vmem>> -> memref<125x128xf32, #tpu.memory_space<vmem>>
      %dma_wait3A_177 = arith.constant 0 : i32
      %dma_wait3A_178 = tpu.memref_slice %arg9[%add3A_171, %dma_wait3A_177] : memref<40x125xi32, #tpu.memory_space<vmem>> -> memref<1x125xi32, #tpu.memory_space<vmem>>
      %dma_wait3A_179 = tpu.memref_squeeze %dma_wait3A_178 : memref<1x125xi32, #tpu.memory_space<vmem>> -> memref<125xi32, #tpu.memory_space<vmem>>
      %dma_wait3A_180 = arith.constant 0 : i32
      %dma_wait3A_181 = arith.constant 0 : i32
      %dma_wait3A_182 = tpu.memref_slice %arg2[%dma_wait3A_180, %dma_wait3A_181] : memref<10000x128xf32, #tpu.memory_space<hbm>> -> memref<10000x128xf32, #tpu.memory_space<hbm>>
      tpu.wait_indirect_dma semaphore(%arg13 : memref<!tpu.dma_semaphore, #tpu.memory_space<semaphore_mem>>) src(%dma_wait3A_182 : memref<10000x128xf32, #tpu.memory_space<hbm>>) dst(%dma_wait3A_176 : memref<125x128xf32, #tpu.memory_space<vmem>>)
      %add3A_183 = arith.constant 1 : i32
      %add3A_184 = arith.addi %add3A_171, %add3A_183 : i32
      %dma_start3A_185 = arith.constant 0 : i32
      %dma_start3A_186 = arith.constant 0 : i32
      %dma_start3A_187 = arith.constant 0 : i32
      %dma_start3A_188 = tpu.memref_slice %arg11[%dma_start3A_185, %dma_start3A_186, %dma_start3A_187] : memref<2x125x128xf32, #tpu.memory_space<vmem>> -> memref<1x125x128xf32, #tpu.memory_space<vmem>>
      %dma_start3A_189 = tpu.memref_squeeze %dma_start3A_188 : memref<1x125x128xf32, #tpu.memory_space<vmem>> -> memref<125x128xf32, #tpu.memory_space<vmem>>
      %dma_start3A_190 = arith.constant 0 : i32
      %dma_start3A_191 = tpu.memref_slice %arg9[%add3A_184, %dma_start3A_190] : memref<40x125xi32, #tpu.memory_space<vmem>> -> memref<1x125xi32, #tpu.memory_space<vmem>>
      %dma_start3A_192 = tpu.memref_squeeze %dma_start3A_191 : memref<1x125xi32, #tpu.memory_space<vmem>> -> memref<125xi32, #tpu.memory_space<vmem>>
      %dma_start3A_193 = arith.constant 0 : i32
      %dma_start3A_194 = arith.constant 0 : i32
      %dma_start3A_195 = tpu.memref_slice %arg2[%dma_start3A_193, %dma_start3A_194] : memref<10000x128xf32, #tpu.memory_space<hbm>> -> memref<10000x128xf32, #tpu.memory_space<hbm>>
      tpu.enqueue_indirect_dma source(%dma_start3A_195 : memref<10000x128xf32, #tpu.memory_space<hbm>>) target(%dma_start3A_189 : memref<125x128xf32, #tpu.memory_space<vmem>>) offsets(%dma_start3A_192 : memref<125xi32, #tpu.memory_space<vmem>>) semaphore(%arg13 : memref<!tpu.dma_semaphore, #tpu.memory_space<semaphore_mem>>)
      %run_scoped3A_196 = arith.constant 1 : i32
      "tpu.region"() ({
        %run_scoped3A_198 = tpu.sem_alloc : memref<!tpu.dma_semaphore, #tpu.memory_space<semaphore_mem>>
        %dma_start3A_199 = arith.constant 0 : i32
        %dma_start3A_200 = arith.constant 0 : i32
        %dma_start3A_201 = tpu.memref_slice %arg11[%run_scoped3A_196, %dma_start3A_199, %dma_start3A_200] : memref<2x125x128xf32, #tpu.memory_space<vmem>> -> memref<1x125x128xf32, #tpu.memory_space<vmem>>
        %dma_start3A_202 = tpu.memref_squeeze %dma_start3A_201 : memref<1x125x128xf32, #tpu.memory_space<vmem>> -> memref<125x128xf32, #tpu.memory_space<vmem>>
        %dma_start3A_203 = arith.constant 0 : i32
        %dma_start3A_204 = tpu.memref_slice %arg10[%add3A_171, %dma_start3A_203] : memref<40x125xi32, #tpu.memory_space<vmem>> -> memref<1x125xi32, #tpu.memory_space<vmem>>
        %dma_start3A_205 = tpu.memref_squeeze %dma_start3A_204 : memref<1x125xi32, #tpu.memory_space<vmem>> -> memref<125xi32, #tpu.memory_space<vmem>>
        %dma_start3A_206 = arith.constant 0 : i32
        %dma_start3A_207 = arith.constant 0 : i32
        %dma_start3A_208 = tpu.memref_slice %arg12[%dma_start3A_206, %dma_start3A_207] : memref<10112x128xf32, #tpu.memory_space<vmem_shared>> -> memref<10112x128xf32, #tpu.memory_space<vmem_shared>>
        tpu.enqueue_indirect_dma source(%dma_start3A_202 : memref<125x128xf32, #tpu.memory_space<vmem>>) target(%dma_start3A_208 : memref<10112x128xf32, #tpu.memory_space<vmem_shared>>) offsets(%dma_start3A_205 : memref<125xi32, #tpu.memory_space<vmem>>) semaphore(%run_scoped3A_198 : memref<!tpu.dma_semaphore, #tpu.memory_space<semaphore_mem>>) {add = true}
        %dma_wait3A_209 = arith.constant 0 : i32
        %dma_wait3A_210 = arith.constant 0 : i32
        %dma_wait3A_211 = tpu.memref_slice %arg11[%run_scoped3A_196, %dma_wait3A_209, %dma_wait3A_210] : memref<2x125x128xf32, #tpu.memory_space<vmem>> -> memref<1x125x128xf32, #tpu.memory_space<vmem>>
        %dma_wait3A_212 = tpu.memref_squeeze %dma_wait3A_211 : memref<1x125x128xf32, #tpu.memory_space<vmem>> -> memref<125x128xf32, #tpu.memory_space<vmem>>
        %dma_wait3A_213 = arith.constant 0 : i32
        %dma_wait3A_214 = tpu.memref_slice %arg10[%add3A_171, %dma_wait3A_213] : memref<40x125xi32, #tpu.memory_space<vmem>> -> memref<1x125xi32, #tpu.memory_space<vmem>>
        %dma_wait3A_215 = tpu.memref_squeeze %dma_wait3A_214 : memref<1x125xi32, #tpu.memory_space<vmem>> -> memref<125xi32, #tpu.memory_space<vmem>>
        %dma_wait3A_216 = arith.constant 0 : i32
        %dma_wait3A_217 = arith.constant 0 : i32
        %dma_wait3A_218 = tpu.memref_slice %arg12[%dma_wait3A_216, %dma_wait3A_217] : memref<10112x128xf32, #tpu.memory_space<vmem_shared>> -> memref<10112x128xf32, #tpu.memory_space<vmem_shared>>
        tpu.wait_indirect_dma semaphore(%run_scoped3A_198 : memref<!tpu.dma_semaphore, #tpu.memory_space<semaphore_mem>>) src(%dma_wait3A_212 : memref<125x128xf32, #tpu.memory_space<vmem>>) dst(%dma_wait3A_218 : memref<10112x128xf32, #tpu.memory_space<vmem_shared>>)
        tpu.yield
      }) : () -> ()
      "tpu.region"() ({
        %run_scoped3A_198 = tpu.sem_alloc : memref<!tpu.dma_semaphore, #tpu.memory_space<semaphore_mem>>
        %dma_start3A_199 = arith.constant 0 : i32
        %dma_start3A_200 = tpu.memref_slice %arg10[%add3A_171, %dma_start3A_199] : memref<40x125xi32, #tpu.memory_space<vmem>> -> memref<1x125xi32, #tpu.memory_space<vmem>>
        %dma_start3A_201 = tpu.memref_squeeze %dma_start3A_200 : memref<1x125xi32, #tpu.memory_space<vmem>> -> memref<125xi32, #tpu.memory_space<vmem>>
        %dma_start3A_202 = arith.constant 0 : i32
        %dma_start3A_203 = tpu.memref_slice %arg16[%dma_start3A_202] : memref<10112xf32, #tpu.memory_space<vmem_shared>> -> memref<10112xf32, #tpu.memory_space<vmem_shared>>
        tpu.enqueue_indirect_dma source(%arg14 : memref<125xf32, #tpu.memory_space<vmem>>) target(%dma_start3A_203 : memref<10112xf32, #tpu.memory_space<vmem_shared>>) offsets(%dma_start3A_201 : memref<125xi32, #tpu.memory_space<vmem>>) semaphore(%run_scoped3A_198 : memref<!tpu.dma_semaphore, #tpu.memory_space<semaphore_mem>>) {add = true}
        %dma_wait3A_204 = arith.constant 0 : i32
        %dma_wait3A_205 = tpu.memref_slice %arg10[%add3A_171, %dma_wait3A_204] : memref<40x125xi32, #tpu.memory_space<vmem>> -> memref<1x125xi32, #tpu.memory_space<vmem>>
        %dma_wait3A_206 = tpu.memref_squeeze %dma_wait3A_205 : memref<1x125xi32, #tpu.memory_space<vmem>> -> memref<125xi32, #tpu.memory_space<vmem>>
        %dma_wait3A_207 = arith.constant 0 : i32
        %dma_wait3A_208 = tpu.memref_slice %arg16[%dma_wait3A_207] : memref<10112xf32, #tpu.memory_space<vmem_shared>> -> memref<10112xf32, #tpu.memory_space<vmem_shared>>
        tpu.wait_indirect_dma semaphore(%run_scoped3A_198 : memref<!tpu.dma_semaphore, #tpu.memory_space<semaphore_mem>>) src(%arg14 : memref<125xf32, #tpu.memory_space<vmem>>) dst(%dma_wait3A_208 : memref<10112xf32, #tpu.memory_space<vmem_shared>>)
        tpu.yield
      }) : () -> ()
      %scan3A_197 = arith.constant 0 : i32
      scf.yield %scan3A_197 : i32
    }
    %scan3A_33 = arith.constant 19 : i32
    %dma_wait3A = arith.constant 38 : i32
    %dma_wait3A_34 = arith.constant 0 : i32
    %dma_wait3A_35 = arith.constant 0 : i32
    %dma_wait3A_36 = arith.constant 0 : i32
    %dma_wait3A_37 = tpu.memref_slice %arg11[%dma_wait3A_34, %dma_wait3A_35, %dma_wait3A_36] : memref<2x125x128xf32, #tpu.memory_space<vmem>> -> memref<1x125x128xf32, #tpu.memory_space<vmem>>
    %dma_wait3A_38 = tpu.memref_squeeze %dma_wait3A_37 : memref<1x125x128xf32, #tpu.memory_space<vmem>> -> memref<125x128xf32, #tpu.memory_space<vmem>>
    %dma_wait3A_39 = arith.constant 0 : i32
    %dma_wait3A_40 = tpu.memref_slice %arg9[%dma_wait3A, %dma_wait3A_39] : memref<40x125xi32, #tpu.memory_space<vmem>> -> memref<1x125xi32, #tpu.memory_space<vmem>>
    %dma_wait3A_41 = tpu.memref_squeeze %dma_wait3A_40 : memref<1x125xi32, #tpu.memory_space<vmem>> -> memref<125xi32, #tpu.memory_space<vmem>>
    %dma_wait3A_42 = arith.constant 0 : i32
    %dma_wait3A_43 = arith.constant 0 : i32
    %dma_wait3A_44 = tpu.memref_slice %arg2[%dma_wait3A_42, %dma_wait3A_43] : memref<10000x128xf32, #tpu.memory_space<hbm>> -> memref<10000x128xf32, #tpu.memory_space<hbm>>
    tpu.wait_indirect_dma semaphore(%arg13 : memref<!tpu.dma_semaphore, #tpu.memory_space<semaphore_mem>>) src(%dma_wait3A_44 : memref<10000x128xf32, #tpu.memory_space<hbm>>) dst(%dma_wait3A_38 : memref<125x128xf32, #tpu.memory_space<vmem>>)
    %dma_start3A_45 = arith.constant 39 : i32
    %dma_start3A_46 = arith.constant 1 : i32
    %dma_start3A_47 = arith.constant 0 : i32
    %dma_start3A_48 = arith.constant 0 : i32
    %dma_start3A_49 = tpu.memref_slice %arg11[%dma_start3A_46, %dma_start3A_47, %dma_start3A_48] : memref<2x125x128xf32, #tpu.memory_space<vmem>> -> memref<1x125x128xf32, #tpu.memory_space<vmem>>
    %dma_start3A_50 = tpu.memref_squeeze %dma_start3A_49 : memref<1x125x128xf32, #tpu.memory_space<vmem>> -> memref<125x128xf32, #tpu.memory_space<vmem>>
    %dma_start3A_51 = arith.constant 0 : i32
    %dma_start3A_52 = tpu.memref_slice %arg9[%dma_start3A_45, %dma_start3A_51] : memref<40x125xi32, #tpu.memory_space<vmem>> -> memref<1x125xi32, #tpu.memory_space<vmem>>
    %dma_start3A_53 = tpu.memref_squeeze %dma_start3A_52 : memref<1x125xi32, #tpu.memory_space<vmem>> -> memref<125xi32, #tpu.memory_space<vmem>>
    %dma_start3A_54 = arith.constant 0 : i32
    %dma_start3A_55 = arith.constant 0 : i32
    %dma_start3A_56 = tpu.memref_slice %arg2[%dma_start3A_54, %dma_start3A_55] : memref<10000x128xf32, #tpu.memory_space<hbm>> -> memref<10000x128xf32, #tpu.memory_space<hbm>>
    tpu.enqueue_indirect_dma source(%dma_start3A_56 : memref<10000x128xf32, #tpu.memory_space<hbm>>) target(%dma_start3A_50 : memref<125x128xf32, #tpu.memory_space<vmem>>) offsets(%dma_start3A_53 : memref<125xi32, #tpu.memory_space<vmem>>) semaphore(%arg13 : memref<!tpu.dma_semaphore, #tpu.memory_space<semaphore_mem>>)
    %run_scoped3A = arith.constant 0 : i32
    %run_scoped3A_57 = arith.constant 38 : i32
    "tpu.region"() ({
      %run_scoped3A_139 = tpu.sem_alloc : memref<!tpu.dma_semaphore, #tpu.memory_space<semaphore_mem>>
      %dma_start3A_140 = arith.constant 0 : i32
      %dma_start3A_141 = arith.constant 0 : i32
      %dma_start3A_142 = tpu.memref_slice %arg11[%run_scoped3A, %dma_start3A_140, %dma_start3A_141] : memref<2x125x128xf32, #tpu.memory_space<vmem>> -> memref<1x125x128xf32, #tpu.memory_space<vmem>>
      %dma_start3A_143 = tpu.memref_squeeze %dma_start3A_142 : memref<1x125x128xf32, #tpu.memory_space<vmem>> -> memref<125x128xf32, #tpu.memory_space<vmem>>
      %dma_start3A_144 = arith.constant 0 : i32
      %dma_start3A_145 = tpu.memref_slice %arg10[%run_scoped3A_57, %dma_start3A_144] : memref<40x125xi32, #tpu.memory_space<vmem>> -> memref<1x125xi32, #tpu.memory_space<vmem>>
      %dma_start3A_146 = tpu.memref_squeeze %dma_start3A_145 : memref<1x125xi32, #tpu.memory_space<vmem>> -> memref<125xi32, #tpu.memory_space<vmem>>
      %dma_start3A_147 = arith.constant 0 : i32
      %dma_start3A_148 = arith.constant 0 : i32
      %dma_start3A_149 = tpu.memref_slice %arg12[%dma_start3A_147, %dma_start3A_148] : memref<10112x128xf32, #tpu.memory_space<vmem_shared>> -> memref<10112x128xf32, #tpu.memory_space<vmem_shared>>
      tpu.enqueue_indirect_dma source(%dma_start3A_143 : memref<125x128xf32, #tpu.memory_space<vmem>>) target(%dma_start3A_149 : memref<10112x128xf32, #tpu.memory_space<vmem_shared>>) offsets(%dma_start3A_146 : memref<125xi32, #tpu.memory_space<vmem>>) semaphore(%run_scoped3A_139 : memref<!tpu.dma_semaphore, #tpu.memory_space<semaphore_mem>>) {add = true}
      %dma_wait3A_150 = arith.constant 0 : i32
      %dma_wait3A_151 = arith.constant 0 : i32
      %dma_wait3A_152 = tpu.memref_slice %arg11[%run_scoped3A, %dma_wait3A_150, %dma_wait3A_151] : memref<2x125x128xf32, #tpu.memory_space<vmem>> -> memref<1x125x128xf32, #tpu.memory_space<vmem>>
      %dma_wait3A_153 = tpu.memref_squeeze %dma_wait3A_152 : memref<1x125x128xf32, #tpu.memory_space<vmem>> -> memref<125x128xf32, #tpu.memory_space<vmem>>
      %dma_wait3A_154 = arith.constant 0 : i32
      %dma_wait3A_155 = tpu.memref_slice %arg10[%run_scoped3A_57, %dma_wait3A_154] : memref<40x125xi32, #tpu.memory_space<vmem>> -> memref<1x125xi32, #tpu.memory_space<vmem>>
      %dma_wait3A_156 = tpu.memref_squeeze %dma_wait3A_155 : memref<1x125xi32, #tpu.memory_space<vmem>> -> memref<125xi32, #tpu.memory_space<vmem>>
      %dma_wait3A_157 = arith.constant 0 : i32
      %dma_wait3A_158 = arith.constant 0 : i32
      %dma_wait3A_159 = tpu.memref_slice %arg12[%dma_wait3A_157, %dma_wait3A_158] : memref<10112x128xf32, #tpu.memory_space<vmem_shared>> -> memref<10112x128xf32, #tpu.memory_space<vmem_shared>>
      tpu.wait_indirect_dma semaphore(%run_scoped3A_139 : memref<!tpu.dma_semaphore, #tpu.memory_space<semaphore_mem>>) src(%dma_wait3A_153 : memref<125x128xf32, #tpu.memory_space<vmem>>) dst(%dma_wait3A_159 : memref<10112x128xf32, #tpu.memory_space<vmem_shared>>)
      tpu.yield
    }) : () -> ()
    %run_scoped3A_58 = arith.constant 38 : i32
    "tpu.region"() ({
      %run_scoped3A_139 = tpu.sem_alloc : memref<!tpu.dma_semaphore, #tpu.memory_space<semaphore_mem>>
      %dma_start3A_140 = arith.constant 0 : i32
      %dma_start3A_141 = tpu.memref_slice %arg10[%run_scoped3A_58, %dma_start3A_140] : memref<40x125xi32, #tpu.memory_space<vmem>> -> memref<1x125xi32, #tpu.memory_space<vmem>>
      %dma_start3A_142 = tpu.memref_squeeze %dma_start3A_141 : memref<1x125xi32, #tpu.memory_space<vmem>> -> memref<125xi32, #tpu.memory_space<vmem>>
      %dma_start3A_143 = arith.constant 0 : i32
      %dma_start3A_144 = tpu.memref_slice %arg16[%dma_start3A_143] : memref<10112xf32, #tpu.memory_space<vmem_shared>> -> memref<10112xf32, #tpu.memory_space<vmem_shared>>
      tpu.enqueue_indirect_dma source(%arg14 : memref<125xf32, #tpu.memory_space<vmem>>) target(%dma_start3A_144 : memref<10112xf32, #tpu.memory_space<vmem_shared>>) offsets(%dma_start3A_142 : memref<125xi32, #tpu.memory_space<vmem>>) semaphore(%run_scoped3A_139 : memref<!tpu.dma_semaphore, #tpu.memory_space<semaphore_mem>>) {add = true}
      %dma_wait3A_145 = arith.constant 0 : i32
      %dma_wait3A_146 = tpu.memref_slice %arg10[%run_scoped3A_58, %dma_wait3A_145] : memref<40x125xi32, #tpu.memory_space<vmem>> -> memref<1x125xi32, #tpu.memory_space<vmem>>
      %dma_wait3A_147 = tpu.memref_squeeze %dma_wait3A_146 : memref<1x125xi32, #tpu.memory_space<vmem>> -> memref<125xi32, #tpu.memory_space<vmem>>
      %dma_wait3A_148 = arith.constant 0 : i32
      %dma_wait3A_149 = tpu.memref_slice %arg16[%dma_wait3A_148] : memref<10112xf32, #tpu.memory_space<vmem_shared>> -> memref<10112xf32, #tpu.memory_space<vmem_shared>>
      tpu.wait_indirect_dma semaphore(%run_scoped3A_139 : memref<!tpu.dma_semaphore, #tpu.memory_space<semaphore_mem>>) src(%arg14 : memref<125xf32, #tpu.memory_space<vmem>>) dst(%dma_wait3A_149 : memref<10112xf32, #tpu.memory_space<vmem_shared>>)
      tpu.yield
    }) : () -> ()
    %dma_wait3A_59 = arith.constant 39 : i32
    %dma_wait3A_60 = arith.constant 1 : i32
    %dma_wait3A_61 = arith.constant 0 : i32
    %dma_wait3A_62 = arith.constant 0 : i32
    %dma_wait3A_63 = tpu.memref_slice %arg11[%dma_wait3A_60, %dma_wait3A_61, %dma_wait3A_62] : memref<2x125x128xf32, #tpu.memory_space<vmem>> -> memref<1x125x128xf32, #tpu.memory_space<vmem>>
    %dma_wait3A_64 = tpu.memref_squeeze %dma_wait3A_63 : memref<1x125x128xf32, #tpu.memory_space<vmem>> -> memref<125x128xf32, #tpu.memory_space<vmem>>
    %dma_wait3A_65 = arith.constant 0 : i32
    %dma_wait3A_66 = tpu.memref_slice %arg9[%dma_wait3A_59, %dma_wait3A_65] : memref<40x125xi32, #tpu.memory_space<vmem>> -> memref<1x125xi32, #tpu.memory_space<vmem>>
    %dma_wait3A_67 = tpu.memref_squeeze %dma_wait3A_66 : memref<1x125xi32, #tpu.memory_space<vmem>> -> memref<125xi32, #tpu.memory_space<vmem>>
    %dma_wait3A_68 = arith.constant 0 : i32
    %dma_wait3A_69 = arith.constant 0 : i32
    %dma_wait3A_70 = tpu.memref_slice %arg2[%dma_wait3A_68, %dma_wait3A_69] : memref<10000x128xf32, #tpu.memory_space<hbm>> -> memref<10000x128xf32, #tpu.memory_space<hbm>>
    tpu.wait_indirect_dma semaphore(%arg13 : memref<!tpu.dma_semaphore, #tpu.memory_space<semaphore_mem>>) src(%dma_wait3A_70 : memref<10000x128xf32, #tpu.memory_space<hbm>>) dst(%dma_wait3A_64 : memref<125x128xf32, #tpu.memory_space<vmem>>)
    %run_scoped3A_71 = arith.constant 1 : i32
    %run_scoped3A_72 = arith.constant 39 : i32
    "tpu.region"() ({
      %run_scoped3A_139 = tpu.sem_alloc : memref<!tpu.dma_semaphore, #tpu.memory_space<semaphore_mem>>
      %dma_start3A_140 = arith.constant 0 : i32
      %dma_start3A_141 = arith.constant 0 : i32
      %dma_start3A_142 = tpu.memref_slice %arg11[%run_scoped3A_71, %dma_start3A_140, %dma_start3A_141] : memref<2x125x128xf32, #tpu.memory_space<vmem>> -> memref<1x125x128xf32, #tpu.memory_space<vmem>>
      %dma_start3A_143 = tpu.memref_squeeze %dma_start3A_142 : memref<1x125x128xf32, #tpu.memory_space<vmem>> -> memref<125x128xf32, #tpu.memory_space<vmem>>
      %dma_start3A_144 = arith.constant 0 : i32
      %dma_start3A_145 = tpu.memref_slice %arg10[%run_scoped3A_72, %dma_start3A_144] : memref<40x125xi32, #tpu.memory_space<vmem>> -> memref<1x125xi32, #tpu.memory_space<vmem>>
      %dma_start3A_146 = tpu.memref_squeeze %dma_start3A_145 : memref<1x125xi32, #tpu.memory_space<vmem>> -> memref<125xi32, #tpu.memory_space<vmem>>
      %dma_start3A_147 = arith.constant 0 : i32
      %dma_start3A_148 = arith.constant 0 : i32
      %dma_start3A_149 = tpu.memref_slice %arg12[%dma_start3A_147, %dma_start3A_148] : memref<10112x128xf32, #tpu.memory_space<vmem_shared>> -> memref<10112x128xf32, #tpu.memory_space<vmem_shared>>
      tpu.enqueue_indirect_dma source(%dma_start3A_143 : memref<125x128xf32, #tpu.memory_space<vmem>>) target(%dma_start3A_149 : memref<10112x128xf32, #tpu.memory_space<vmem_shared>>) offsets(%dma_start3A_146 : memref<125xi32, #tpu.memory_space<vmem>>) semaphore(%run_scoped3A_139 : memref<!tpu.dma_semaphore, #tpu.memory_space<semaphore_mem>>) {add = true}
      %dma_wait3A_150 = arith.constant 0 : i32
      %dma_wait3A_151 = arith.constant 0 : i32
      %dma_wait3A_152 = tpu.memref_slice %arg11[%run_scoped3A_71, %dma_wait3A_150, %dma_wait3A_151] : memref<2x125x128xf32, #tpu.memory_space<vmem>> -> memref<1x125x128xf32, #tpu.memory_space<vmem>>
      %dma_wait3A_153 = tpu.memref_squeeze %dma_wait3A_152 : memref<1x125x128xf32, #tpu.memory_space<vmem>> -> memref<125x128xf32, #tpu.memory_space<vmem>>
      %dma_wait3A_154 = arith.constant 0 : i32
      %dma_wait3A_155 = tpu.memref_slice %arg10[%run_scoped3A_72, %dma_wait3A_154] : memref<40x125xi32, #tpu.memory_space<vmem>> -> memref<1x125xi32, #tpu.memory_space<vmem>>
      %dma_wait3A_156 = tpu.memref_squeeze %dma_wait3A_155 : memref<1x125xi32, #tpu.memory_space<vmem>> -> memref<125xi32, #tpu.memory_space<vmem>>
      %dma_wait3A_157 = arith.constant 0 : i32
      %dma_wait3A_158 = arith.constant 0 : i32
      %dma_wait3A_159 = tpu.memref_slice %arg12[%dma_wait3A_157, %dma_wait3A_158] : memref<10112x128xf32, #tpu.memory_space<vmem_shared>> -> memref<10112x128xf32, #tpu.memory_space<vmem_shared>>
      tpu.wait_indirect_dma semaphore(%run_scoped3A_139 : memref<!tpu.dma_semaphore, #tpu.memory_space<semaphore_mem>>) src(%dma_wait3A_153 : memref<125x128xf32, #tpu.memory_space<vmem>>) dst(%dma_wait3A_159 : memref<10112x128xf32, #tpu.memory_space<vmem_shared>>)
      tpu.yield
    }) : () -> ()
    %run_scoped3A_73 = arith.constant 39 : i32
    "tpu.region"() ({
      %run_scoped3A_139 = tpu.sem_alloc : memref<!tpu.dma_semaphore, #tpu.memory_space<semaphore_mem>>
      %dma_start3A_140 = arith.constant 0 : i32
      %dma_start3A_141 = tpu.memref_slice %arg10[%run_scoped3A_73, %dma_start3A_140] : memref<40x125xi32, #tpu.memory_space<vmem>> -> memref<1x125xi32, #tpu.memory_space<vmem>>
      %dma_start3A_142 = tpu.memref_squeeze %dma_start3A_141 : memref<1x125xi32, #tpu.memory_space<vmem>> -> memref<125xi32, #tpu.memory_space<vmem>>
      %dma_start3A_143 = arith.constant 0 : i32
      %dma_start3A_144 = tpu.memref_slice %arg16[%dma_start3A_143] : memref<10112xf32, #tpu.memory_space<vmem_shared>> -> memref<10112xf32, #tpu.memory_space<vmem_shared>>
      tpu.enqueue_indirect_dma source(%arg14 : memref<125xf32, #tpu.memory_space<vmem>>) target(%dma_start3A_144 : memref<10112xf32, #tpu.memory_space<vmem_shared>>) offsets(%dma_start3A_142 : memref<125xi32, #tpu.memory_space<vmem>>) semaphore(%run_scoped3A_139 : memref<!tpu.dma_semaphore, #tpu.memory_space<semaphore_mem>>) {add = true}
      %dma_wait3A_145 = arith.constant 0 : i32
      %dma_wait3A_146 = tpu.memref_slice %arg10[%run_scoped3A_73, %dma_wait3A_145] : memref<40x125xi32, #tpu.memory_space<vmem>> -> memref<1x125xi32, #tpu.memory_space<vmem>>
      %dma_wait3A_147 = tpu.memref_squeeze %dma_wait3A_146 : memref<1x125xi32, #tpu.memory_space<vmem>> -> memref<125xi32, #tpu.memory_space<vmem>>
      %dma_wait3A_148 = arith.constant 0 : i32
      %dma_wait3A_149 = tpu.memref_slice %arg16[%dma_wait3A_148] : memref<10112xf32, #tpu.memory_space<vmem_shared>> -> memref<10112xf32, #tpu.memory_space<vmem_shared>>
      tpu.wait_indirect_dma semaphore(%run_scoped3A_139 : memref<!tpu.dma_semaphore, #tpu.memory_space<semaphore_mem>>) src(%arg14 : memref<125xf32, #tpu.memory_space<vmem>>) dst(%dma_wait3A_149 : memref<10112xf32, #tpu.memory_space<vmem_shared>>)
      tpu.yield
    }) : () -> ()
    "tpu.region"() ({
      %run_scoped3A_139 = tpu.sem_alloc : memref<!tpu.dma_semaphore, #tpu.memory_space<semaphore_mem>>
      %dma_start3A_140 = arith.constant 40 : i32
      %dma_start3A_141 = arith.constant 0 : i32
      %dma_start3A_142 = tpu.memref_slice %arg3[%add3A, %dma_start3A_140, %dma_start3A_141] : memref<32x80x125xi32, #tpu.memory_space<hbm>> -> memref<1x40x125xi32, #tpu.memory_space<hbm>>
      %dma_start3A_143 = tpu.memref_squeeze %dma_start3A_142 : memref<1x40x125xi32, #tpu.memory_space<hbm>> -> memref<40x125xi32, #tpu.memory_space<hbm>>
      %dma_start3A_144 = arith.constant 40 : i32
      %dma_start3A_145 = arith.constant 0 : i32
      %dma_start3A_146 = tpu.memref_slice %arg3[%add3A, %dma_start3A_144, %dma_start3A_145] : memref<32x80x125xi32, #tpu.memory_space<hbm>> -> memref<1x40x125xi32, #tpu.memory_space<hbm>>
      %dma_start3A_147 = tpu.memref_squeeze %dma_start3A_146 : memref<1x40x125xi32, #tpu.memory_space<hbm>> -> memref<40x125xi32, #tpu.memory_space<hbm>>
      tpu.enqueue_dma source(%dma_start3A_147 : memref<40x125xi32, #tpu.memory_space<hbm>>) target(%arg9 : memref<40x125xi32, #tpu.memory_space<vmem>>) target_semaphore(%run_scoped3A_139 : memref<!tpu.dma_semaphore, #tpu.memory_space<semaphore_mem>>)
      %dma_wait3A_148 = arith.constant 40 : i32
      %dma_wait3A_149 = arith.constant 0 : i32
      %dma_wait3A_150 = tpu.memref_slice %arg3[%add3A, %dma_wait3A_148, %dma_wait3A_149] : memref<32x80x125xi32, #tpu.memory_space<hbm>> -> memref<1x40x125xi32, #tpu.memory_space<hbm>>
      %dma_wait3A_151 = tpu.memref_squeeze %dma_wait3A_150 : memref<1x40x125xi32, #tpu.memory_space<hbm>> -> memref<40x125xi32, #tpu.memory_space<hbm>>
      %dma_wait3A_152 = arith.constant 40 : i32
      %dma_wait3A_153 = arith.constant 0 : i32
      %dma_wait3A_154 = tpu.memref_slice %arg3[%add3A, %dma_wait3A_152, %dma_wait3A_153] : memref<32x80x125xi32, #tpu.memory_space<hbm>> -> memref<1x40x125xi32, #tpu.memory_space<hbm>>
      %dma_wait3A_155 = tpu.memref_squeeze %dma_wait3A_154 : memref<1x40x125xi32, #tpu.memory_space<hbm>> -> memref<40x125xi32, #tpu.memory_space<hbm>>
      tpu.wait_dma2 semaphore(%run_scoped3A_139 : memref<!tpu.dma_semaphore, #tpu.memory_space<semaphore_mem>>) src(%dma_wait3A_155 : memref<40x125xi32, #tpu.memory_space<hbm>>) dst(%arg9 : memref<40x125xi32, #tpu.memory_space<vmem>>)
      tpu.yield
    }) : () -> ()
    "tpu.region"() ({
      %run_scoped3A_139 = tpu.sem_alloc : memref<!tpu.dma_semaphore, #tpu.memory_space<semaphore_mem>>
      %dma_start3A_140 = arith.constant 40 : i32
      %dma_start3A_141 = arith.constant 0 : i32
      %dma_start3A_142 = tpu.memref_slice %arg4[%add3A, %dma_start3A_140, %dma_start3A_141] : memref<32x80x125xi32, #tpu.memory_space<hbm>> -> memref<1x40x125xi32, #tpu.memory_space<hbm>>
      %dma_start3A_143 = tpu.memref_squeeze %dma_start3A_142 : memref<1x40x125xi32, #tpu.memory_space<hbm>> -> memref<40x125xi32, #tpu.memory_space<hbm>>
      %dma_start3A_144 = arith.constant 40 : i32
      %dma_start3A_145 = arith.constant 0 : i32
      %dma_start3A_146 = tpu.memref_slice %arg4[%add3A, %dma_start3A_144, %dma_start3A_145] : memref<32x80x125xi32, #tpu.memory_space<hbm>> -> memref<1x40x125xi32, #tpu.memory_space<hbm>>
      %dma_start3A_147 = tpu.memref_squeeze %dma_start3A_146 : memref<1x40x125xi32, #tpu.memory_space<hbm>> -> memref<40x125xi32, #tpu.memory_space<hbm>>
      tpu.enqueue_dma source(%dma_start3A_147 : memref<40x125xi32, #tpu.memory_space<hbm>>) target(%arg10 : memref<40x125xi32, #tpu.memory_space<vmem>>) target_semaphore(%run_scoped3A_139 : memref<!tpu.dma_semaphore, #tpu.memory_space<semaphore_mem>>)
      %dma_wait3A_148 = arith.constant 40 : i32
      %dma_wait3A_149 = arith.constant 0 : i32
      %dma_wait3A_150 = tpu.memref_slice %arg4[%add3A, %dma_wait3A_148, %dma_wait3A_149] : memref<32x80x125xi32, #tpu.memory_space<hbm>> -> memref<1x40x125xi32, #tpu.memory_space<hbm>>
      %dma_wait3A_151 = tpu.memref_squeeze %dma_wait3A_150 : memref<1x40x125xi32, #tpu.memory_space<hbm>> -> memref<40x125xi32, #tpu.memory_space<hbm>>
      %dma_wait3A_152 = arith.constant 40 : i32
      %dma_wait3A_153 = arith.constant 0 : i32
      %dma_wait3A_154 = tpu.memref_slice %arg4[%add3A, %dma_wait3A_152, %dma_wait3A_153] : memref<32x80x125xi32, #tpu.memory_space<hbm>> -> memref<1x40x125xi32, #tpu.memory_space<hbm>>
      %dma_wait3A_155 = tpu.memref_squeeze %dma_wait3A_154 : memref<1x40x125xi32, #tpu.memory_space<hbm>> -> memref<40x125xi32, #tpu.memory_space<hbm>>
      tpu.wait_dma2 semaphore(%run_scoped3A_139 : memref<!tpu.dma_semaphore, #tpu.memory_space<semaphore_mem>>) src(%dma_wait3A_155 : memref<40x125xi32, #tpu.memory_space<hbm>>) dst(%arg10 : memref<40x125xi32, #tpu.memory_space<vmem>>)
      tpu.yield
    }) : () -> ()
    %dma_start3A_74 = arith.constant 0 : i32
    %dma_start3A_75 = arith.constant 0 : i32
    %dma_start3A_76 = arith.constant 0 : i32
    %dma_start3A_77 = arith.constant 0 : i32
    %dma_start3A_78 = tpu.memref_slice %arg11[%dma_start3A_75, %dma_start3A_76, %dma_start3A_77] : memref<2x125x128xf32, #tpu.memory_space<vmem>> -> memref<1x125x128xf32, #tpu.memory_space<vmem>>
    %dma_start3A_79 = tpu.memref_squeeze %dma_start3A_78 : memref<1x125x128xf32, #tpu.memory_space<vmem>> -> memref<125x128xf32, #tpu.memory_space<vmem>>
    %dma_start3A_80 = arith.constant 0 : i32
    %dma_start3A_81 = tpu.memref_slice %arg9[%dma_start3A_74, %dma_start3A_80] : memref<40x125xi32, #tpu.memory_space<vmem>> -> memref<1x125xi32, #tpu.memory_space<vmem>>
    %dma_start3A_82 = tpu.memref_squeeze %dma_start3A_81 : memref<1x125xi32, #tpu.memory_space<vmem>> -> memref<125xi32, #tpu.memory_space<vmem>>
    %dma_start3A_83 = arith.constant 0 : i32
    %dma_start3A_84 = arith.constant 0 : i32
    %dma_start3A_85 = tpu.memref_slice %arg2[%dma_start3A_83, %dma_start3A_84] : memref<10000x128xf32, #tpu.memory_space<hbm>> -> memref<10000x128xf32, #tpu.memory_space<hbm>>
    tpu.enqueue_indirect_dma source(%dma_start3A_85 : memref<10000x128xf32, #tpu.memory_space<hbm>>) target(%dma_start3A_79 : memref<125x128xf32, #tpu.memory_space<vmem>>) offsets(%dma_start3A_82 : memref<125xi32, #tpu.memory_space<vmem>>) semaphore(%arg13 : memref<!tpu.dma_semaphore, #tpu.memory_space<semaphore_mem>>)
    %scan3A_86 = arith.constant 0 : i32
    %scan3A_87 = arith.constant 0 : i32
    %scan3A_88 = arith.constant 19 : i32
    %scan3A_89 = arith.addi %scan3A_87, %scan3A_88 : i32
    %scan3A_90 = arith.constant 1 : i32
    %scan3A_91 = scf.for %scan3A_139 = %scan3A_87 to %scan3A_89 step %scan3A_90 iter_args(%scan3A_140 = %scan3A_86) -> (i32)  : i32 {
      %mul3A_141 = arith.constant 2 : i32
      %mul3A_142 = arith.muli %mul3A_141, %scan3A_139 : i32
      %dma_wait3A_143 = arith.constant 0 : i32
      %dma_wait3A_144 = arith.constant 0 : i32
      %dma_wait3A_145 = arith.constant 0 : i32
      %dma_wait3A_146 = tpu.memref_slice %arg11[%dma_wait3A_143, %dma_wait3A_144, %dma_wait3A_145] : memref<2x125x128xf32, #tpu.memory_space<vmem>> -> memref<1x125x128xf32, #tpu.memory_space<vmem>>
      %dma_wait3A_147 = tpu.memref_squeeze %dma_wait3A_146 : memref<1x125x128xf32, #tpu.memory_space<vmem>> -> memref<125x128xf32, #tpu.memory_space<vmem>>
      %dma_wait3A_148 = arith.constant 0 : i32
      %dma_wait3A_149 = tpu.memref_slice %arg9[%mul3A_142, %dma_wait3A_148] : memref<40x125xi32, #tpu.memory_space<vmem>> -> memref<1x125xi32, #tpu.memory_space<vmem>>
      %dma_wait3A_150 = tpu.memref_squeeze %dma_wait3A_149 : memref<1x125xi32, #tpu.memory_space<vmem>> -> memref<125xi32, #tpu.memory_space<vmem>>
      %dma_wait3A_151 = arith.constant 0 : i32
      %dma_wait3A_152 = arith.constant 0 : i32
      %dma_wait3A_153 = tpu.memref_slice %arg2[%dma_wait3A_151, %dma_wait3A_152] : memref<10000x128xf32, #tpu.memory_space<hbm>> -> memref<10000x128xf32, #tpu.memory_space<hbm>>
      tpu.wait_indirect_dma semaphore(%arg13 : memref<!tpu.dma_semaphore, #tpu.memory_space<semaphore_mem>>) src(%dma_wait3A_153 : memref<10000x128xf32, #tpu.memory_space<hbm>>) dst(%dma_wait3A_147 : memref<125x128xf32, #tpu.memory_space<vmem>>)
      %add3A_154 = arith.constant 1 : i32
      %add3A_155 = arith.addi %mul3A_142, %add3A_154 : i32
      %dma_start3A_156 = arith.constant 1 : i32
      %dma_start3A_157 = arith.constant 0 : i32
      %dma_start3A_158 = arith.constant 0 : i32
      %dma_start3A_159 = tpu.memref_slice %arg11[%dma_start3A_156, %dma_start3A_157, %dma_start3A_158] : memref<2x125x128xf32, #tpu.memory_space<vmem>> -> memref<1x125x128xf32, #tpu.memory_space<vmem>>
      %dma_start3A_160 = tpu.memref_squeeze %dma_start3A_159 : memref<1x125x128xf32, #tpu.memory_space<vmem>> -> memref<125x128xf32, #tpu.memory_space<vmem>>
      %dma_start3A_161 = arith.constant 0 : i32
      %dma_start3A_162 = tpu.memref_slice %arg9[%add3A_155, %dma_start3A_161] : memref<40x125xi32, #tpu.memory_space<vmem>> -> memref<1x125xi32, #tpu.memory_space<vmem>>
      %dma_start3A_163 = tpu.memref_squeeze %dma_start3A_162 : memref<1x125xi32, #tpu.memory_space<vmem>> -> memref<125xi32, #tpu.memory_space<vmem>>
      %dma_start3A_164 = arith.constant 0 : i32
      %dma_start3A_165 = arith.constant 0 : i32
      %dma_start3A_166 = tpu.memref_slice %arg2[%dma_start3A_164, %dma_start3A_165] : memref<10000x128xf32, #tpu.memory_space<hbm>> -> memref<10000x128xf32, #tpu.memory_space<hbm>>
      tpu.enqueue_indirect_dma source(%dma_start3A_166 : memref<10000x128xf32, #tpu.memory_space<hbm>>) target(%dma_start3A_160 : memref<125x128xf32, #tpu.memory_space<vmem>>) offsets(%dma_start3A_163 : memref<125xi32, #tpu.memory_space<vmem>>) semaphore(%arg13 : memref<!tpu.dma_semaphore, #tpu.memory_space<semaphore_mem>>)
      %run_scoped3A_167 = arith.constant 0 : i32
      "tpu.region"() ({
        %run_scoped3A_198 = tpu.sem_alloc : memref<!tpu.dma_semaphore, #tpu.memory_space<semaphore_mem>>
        %dma_start3A_199 = arith.constant 0 : i32
        %dma_start3A_200 = arith.constant 0 : i32
        %dma_start3A_201 = tpu.memref_slice %arg11[%run_scoped3A_167, %dma_start3A_199, %dma_start3A_200] : memref<2x125x128xf32, #tpu.memory_space<vmem>> -> memref<1x125x128xf32, #tpu.memory_space<vmem>>
        %dma_start3A_202 = tpu.memref_squeeze %dma_start3A_201 : memref<1x125x128xf32, #tpu.memory_space<vmem>> -> memref<125x128xf32, #tpu.memory_space<vmem>>
        %dma_start3A_203 = arith.constant 0 : i32
        %dma_start3A_204 = tpu.memref_slice %arg10[%mul3A_142, %dma_start3A_203] : memref<40x125xi32, #tpu.memory_space<vmem>> -> memref<1x125xi32, #tpu.memory_space<vmem>>
        %dma_start3A_205 = tpu.memref_squeeze %dma_start3A_204 : memref<1x125xi32, #tpu.memory_space<vmem>> -> memref<125xi32, #tpu.memory_space<vmem>>
        %dma_start3A_206 = arith.constant 0 : i32
        %dma_start3A_207 = arith.constant 0 : i32
        %dma_start3A_208 = tpu.memref_slice %arg12[%dma_start3A_206, %dma_start3A_207] : memref<10112x128xf32, #tpu.memory_space<vmem_shared>> -> memref<10112x128xf32, #tpu.memory_space<vmem_shared>>
        tpu.enqueue_indirect_dma source(%dma_start3A_202 : memref<125x128xf32, #tpu.memory_space<vmem>>) target(%dma_start3A_208 : memref<10112x128xf32, #tpu.memory_space<vmem_shared>>) offsets(%dma_start3A_205 : memref<125xi32, #tpu.memory_space<vmem>>) semaphore(%run_scoped3A_198 : memref<!tpu.dma_semaphore, #tpu.memory_space<semaphore_mem>>) {add = true}
        %dma_wait3A_209 = arith.constant 0 : i32
        %dma_wait3A_210 = arith.constant 0 : i32
        %dma_wait3A_211 = tpu.memref_slice %arg11[%run_scoped3A_167, %dma_wait3A_209, %dma_wait3A_210] : memref<2x125x128xf32, #tpu.memory_space<vmem>> -> memref<1x125x128xf32, #tpu.memory_space<vmem>>
        %dma_wait3A_212 = tpu.memref_squeeze %dma_wait3A_211 : memref<1x125x128xf32, #tpu.memory_space<vmem>> -> memref<125x128xf32, #tpu.memory_space<vmem>>
        %dma_wait3A_213 = arith.constant 0 : i32
        %dma_wait3A_214 = tpu.memref_slice %arg10[%mul3A_142, %dma_wait3A_213] : memref<40x125xi32, #tpu.memory_space<vmem>> -> memref<1x125xi32, #tpu.memory_space<vmem>>
        %dma_wait3A_215 = tpu.memref_squeeze %dma_wait3A_214 : memref<1x125xi32, #tpu.memory_space<vmem>> -> memref<125xi32, #tpu.memory_space<vmem>>
        %dma_wait3A_216 = arith.constant 0 : i32
        %dma_wait3A_217 = arith.constant 0 : i32
        %dma_wait3A_218 = tpu.memref_slice %arg12[%dma_wait3A_216, %dma_wait3A_217] : memref<10112x128xf32, #tpu.memory_space<vmem_shared>> -> memref<10112x128xf32, #tpu.memory_space<vmem_shared>>
        tpu.wait_indirect_dma semaphore(%run_scoped3A_198 : memref<!tpu.dma_semaphore, #tpu.memory_space<semaphore_mem>>) src(%dma_wait3A_212 : memref<125x128xf32, #tpu.memory_space<vmem>>) dst(%dma_wait3A_218 : memref<10112x128xf32, #tpu.memory_space<vmem_shared>>)
        tpu.yield
      }) : () -> ()
      "tpu.region"() ({
        %run_scoped3A_198 = tpu.sem_alloc : memref<!tpu.dma_semaphore, #tpu.memory_space<semaphore_mem>>
        %dma_start3A_199 = arith.constant 0 : i32
        %dma_start3A_200 = tpu.memref_slice %arg10[%mul3A_142, %dma_start3A_199] : memref<40x125xi32, #tpu.memory_space<vmem>> -> memref<1x125xi32, #tpu.memory_space<vmem>>
        %dma_start3A_201 = tpu.memref_squeeze %dma_start3A_200 : memref<1x125xi32, #tpu.memory_space<vmem>> -> memref<125xi32, #tpu.memory_space<vmem>>
        %dma_start3A_202 = arith.constant 0 : i32
        %dma_start3A_203 = tpu.memref_slice %arg16[%dma_start3A_202] : memref<10112xf32, #tpu.memory_space<vmem_shared>> -> memref<10112xf32, #tpu.memory_space<vmem_shared>>
        tpu.enqueue_indirect_dma source(%arg14 : memref<125xf32, #tpu.memory_space<vmem>>) target(%dma_start3A_203 : memref<10112xf32, #tpu.memory_space<vmem_shared>>) offsets(%dma_start3A_201 : memref<125xi32, #tpu.memory_space<vmem>>) semaphore(%run_scoped3A_198 : memref<!tpu.dma_semaphore, #tpu.memory_space<semaphore_mem>>) {add = true}
        %dma_wait3A_204 = arith.constant 0 : i32
        %dma_wait3A_205 = tpu.memref_slice %arg10[%mul3A_142, %dma_wait3A_204] : memref<40x125xi32, #tpu.memory_space<vmem>> -> memref<1x125xi32, #tpu.memory_space<vmem>>
        %dma_wait3A_206 = tpu.memref_squeeze %dma_wait3A_205 : memref<1x125xi32, #tpu.memory_space<vmem>> -> memref<125xi32, #tpu.memory_space<vmem>>
        %dma_wait3A_207 = arith.constant 0 : i32
        %dma_wait3A_208 = tpu.memref_slice %arg16[%dma_wait3A_207] : memref<10112xf32, #tpu.memory_space<vmem_shared>> -> memref<10112xf32, #tpu.memory_space<vmem_shared>>
        tpu.wait_indirect_dma semaphore(%run_scoped3A_198 : memref<!tpu.dma_semaphore, #tpu.memory_space<semaphore_mem>>) src(%arg14 : memref<125xf32, #tpu.memory_space<vmem>>) dst(%dma_wait3A_208 : memref<10112xf32, #tpu.memory_space<vmem_shared>>)
        tpu.yield
      }) : () -> ()
      %mul3A_168 = arith.constant 2 : i32
      %mul3A_169 = arith.muli %mul3A_168, %scan3A_139 : i32
      %add3A_170 = arith.constant 1 : i32
      %add3A_171 = arith.addi %mul3A_169, %add3A_170 : i32
      %dma_wait3A_172 = arith.constant 1 : i32
      %dma_wait3A_173 = arith.constant 0 : i32
      %dma_wait3A_174 = arith.constant 0 : i32
      %dma_wait3A_175 = tpu.memref_slice %arg11[%dma_wait3A_172, %dma_wait3A_173, %dma_wait3A_174] : memref<2x125x128xf32, #tpu.memory_space<vmem>> -> memref<1x125x128xf32, #tpu.memory_space<vmem>>
      %dma_wait3A_176 = tpu.memref_squeeze %dma_wait3A_175 : memref<1x125x128xf32, #tpu.memory_space<vmem>> -> memref<125x128xf32, #tpu.memory_space<vmem>>
      %dma_wait3A_177 = arith.constant 0 : i32
      %dma_wait3A_178 = tpu.memref_slice %arg9[%add3A_171, %dma_wait3A_177] : memref<40x125xi32, #tpu.memory_space<vmem>> -> memref<1x125xi32, #tpu.memory_space<vmem>>
      %dma_wait3A_179 = tpu.memref_squeeze %dma_wait3A_178 : memref<1x125xi32, #tpu.memory_space<vmem>> -> memref<125xi32, #tpu.memory_space<vmem>>
      %dma_wait3A_180 = arith.constant 0 : i32
      %dma_wait3A_181 = arith.constant 0 : i32
      %dma_wait3A_182 = tpu.memref_slice %arg2[%dma_wait3A_180, %dma_wait3A_181] : memref<10000x128xf32, #tpu.memory_space<hbm>> -> memref<10000x128xf32, #tpu.memory_space<hbm>>
      tpu.wait_indirect_dma semaphore(%arg13 : memref<!tpu.dma_semaphore, #tpu.memory_space<semaphore_mem>>) src(%dma_wait3A_182 : memref<10000x128xf32, #tpu.memory_space<hbm>>) dst(%dma_wait3A_176 : memref<125x128xf32, #tpu.memory_space<vmem>>)
      %add3A_183 = arith.constant 1 : i32
      %add3A_184 = arith.addi %add3A_171, %add3A_183 : i32
      %dma_start3A_185 = arith.constant 0 : i32
      %dma_start3A_186 = arith.constant 0 : i32
      %dma_start3A_187 = arith.constant 0 : i32
      %dma_start3A_188 = tpu.memref_slice %arg11[%dma_start3A_185, %dma_start3A_186, %dma_start3A_187] : memref<2x125x128xf32, #tpu.memory_space<vmem>> -> memref<1x125x128xf32, #tpu.memory_space<vmem>>
      %dma_start3A_189 = tpu.memref_squeeze %dma_start3A_188 : memref<1x125x128xf32, #tpu.memory_space<vmem>> -> memref<125x128xf32, #tpu.memory_space<vmem>>
      %dma_start3A_190 = arith.constant 0 : i32
      %dma_start3A_191 = tpu.memref_slice %arg9[%add3A_184, %dma_start3A_190] : memref<40x125xi32, #tpu.memory_space<vmem>> -> memref<1x125xi32, #tpu.memory_space<vmem>>
      %dma_start3A_192 = tpu.memref_squeeze %dma_start3A_191 : memref<1x125xi32, #tpu.memory_space<vmem>> -> memref<125xi32, #tpu.memory_space<vmem>>
      %dma_start3A_193 = arith.constant 0 : i32
      %dma_start3A_194 = arith.constant 0 : i32
      %dma_start3A_195 = tpu.memref_slice %arg2[%dma_start3A_193, %dma_start3A_194] : memref<10000x128xf32, #tpu.memory_space<hbm>> -> memref<10000x128xf32, #tpu.memory_space<hbm>>
      tpu.enqueue_indirect_dma source(%dma_start3A_195 : memref<10000x128xf32, #tpu.memory_space<hbm>>) target(%dma_start3A_189 : memref<125x128xf32, #tpu.memory_space<vmem>>) offsets(%dma_start3A_192 : memref<125xi32, #tpu.memory_space<vmem>>) semaphore(%arg13 : memref<!tpu.dma_semaphore, #tpu.memory_space<semaphore_mem>>)
      %run_scoped3A_196 = arith.constant 1 : i32
      "tpu.region"() ({
        %run_scoped3A_198 = tpu.sem_alloc : memref<!tpu.dma_semaphore, #tpu.memory_space<semaphore_mem>>
        %dma_start3A_199 = arith.constant 0 : i32
        %dma_start3A_200 = arith.constant 0 : i32
        %dma_start3A_201 = tpu.memref_slice %arg11[%run_scoped3A_196, %dma_start3A_199, %dma_start3A_200] : memref<2x125x128xf32, #tpu.memory_space<vmem>> -> memref<1x125x128xf32, #tpu.memory_space<vmem>>
        %dma_start3A_202 = tpu.memref_squeeze %dma_start3A_201 : memref<1x125x128xf32, #tpu.memory_space<vmem>> -> memref<125x128xf32, #tpu.memory_space<vmem>>
        %dma_start3A_203 = arith.constant 0 : i32
        %dma_start3A_204 = tpu.memref_slice %arg10[%add3A_171, %dma_start3A_203] : memref<40x125xi32, #tpu.memory_space<vmem>> -> memref<1x125xi32, #tpu.memory_space<vmem>>
        %dma_start3A_205 = tpu.memref_squeeze %dma_start3A_204 : memref<1x125xi32, #tpu.memory_space<vmem>> -> memref<125xi32, #tpu.memory_space<vmem>>
        %dma_start3A_206 = arith.constant 0 : i32
        %dma_start3A_207 = arith.constant 0 : i32
        %dma_start3A_208 = tpu.memref_slice %arg12[%dma_start3A_206, %dma_start3A_207] : memref<10112x128xf32, #tpu.memory_space<vmem_shared>> -> memref<10112x128xf32, #tpu.memory_space<vmem_shared>>
        tpu.enqueue_indirect_dma source(%dma_start3A_202 : memref<125x128xf32, #tpu.memory_space<vmem>>) target(%dma_start3A_208 : memref<10112x128xf32, #tpu.memory_space<vmem_shared>>) offsets(%dma_start3A_205 : memref<125xi32, #tpu.memory_space<vmem>>) semaphore(%run_scoped3A_198 : memref<!tpu.dma_semaphore, #tpu.memory_space<semaphore_mem>>) {add = true}
        %dma_wait3A_209 = arith.constant 0 : i32
        %dma_wait3A_210 = arith.constant 0 : i32
        %dma_wait3A_211 = tpu.memref_slice %arg11[%run_scoped3A_196, %dma_wait3A_209, %dma_wait3A_210] : memref<2x125x128xf32, #tpu.memory_space<vmem>> -> memref<1x125x128xf32, #tpu.memory_space<vmem>>
        %dma_wait3A_212 = tpu.memref_squeeze %dma_wait3A_211 : memref<1x125x128xf32, #tpu.memory_space<vmem>> -> memref<125x128xf32, #tpu.memory_space<vmem>>
        %dma_wait3A_213 = arith.constant 0 : i32
        %dma_wait3A_214 = tpu.memref_slice %arg10[%add3A_171, %dma_wait3A_213] : memref<40x125xi32, #tpu.memory_space<vmem>> -> memref<1x125xi32, #tpu.memory_space<vmem>>
        %dma_wait3A_215 = tpu.memref_squeeze %dma_wait3A_214 : memref<1x125xi32, #tpu.memory_space<vmem>> -> memref<125xi32, #tpu.memory_space<vmem>>
        %dma_wait3A_216 = arith.constant 0 : i32
        %dma_wait3A_217 = arith.constant 0 : i32
        %dma_wait3A_218 = tpu.memref_slice %arg12[%dma_wait3A_216, %dma_wait3A_217] : memref<10112x128xf32, #tpu.memory_space<vmem_shared>> -> memref<10112x128xf32, #tpu.memory_space<vmem_shared>>
        tpu.wait_indirect_dma semaphore(%run_scoped3A_198 : memref<!tpu.dma_semaphore, #tpu.memory_space<semaphore_mem>>) src(%dma_wait3A_212 : memref<125x128xf32, #tpu.memory_space<vmem>>) dst(%dma_wait3A_218 : memref<10112x128xf32, #tpu.memory_space<vmem_shared>>)
        tpu.yield
      }) : () -> ()
      "tpu.region"() ({
        %run_scoped3A_198 = tpu.sem_alloc : memref<!tpu.dma_semaphore, #tpu.memory_space<semaphore_mem>>
        %dma_start3A_199 = arith.constant 0 : i32
        %dma_start3A_200 = tpu.memref_slice %arg10[%add3A_171, %dma_start3A_199] : memref<40x125xi32, #tpu.memory_space<vmem>> -> memref<1x125xi32, #tpu.memory_space<vmem>>
        %dma_start3A_201 = tpu.memref_squeeze %dma_start3A_200 : memref<1x125xi32, #tpu.memory_space<vmem>> -> memref<125xi32, #tpu.memory_space<vmem>>
        %dma_start3A_202 = arith.constant 0 : i32
        %dma_start3A_203 = tpu.memref_slice %arg16[%dma_start3A_202] : memref<10112xf32, #tpu.memory_space<vmem_shared>> -> memref<10112xf32, #tpu.memory_space<vmem_shared>>
        tpu.enqueue_indirect_dma source(%arg14 : memref<125xf32, #tpu.memory_space<vmem>>) target(%dma_start3A_203 : memref<10112xf32, #tpu.memory_space<vmem_shared>>) offsets(%dma_start3A_201 : memref<125xi32, #tpu.memory_space<vmem>>) semaphore(%run_scoped3A_198 : memref<!tpu.dma_semaphore, #tpu.memory_space<semaphore_mem>>) {add = true}
        %dma_wait3A_204 = arith.constant 0 : i32
        %dma_wait3A_205 = tpu.memref_slice %arg10[%add3A_171, %dma_wait3A_204] : memref<40x125xi32, #tpu.memory_space<vmem>> -> memref<1x125xi32, #tpu.memory_space<vmem>>
        %dma_wait3A_206 = tpu.memref_squeeze %dma_wait3A_205 : memref<1x125xi32, #tpu.memory_space<vmem>> -> memref<125xi32, #tpu.memory_space<vmem>>
        %dma_wait3A_207 = arith.constant 0 : i32
        %dma_wait3A_208 = tpu.memref_slice %arg16[%dma_wait3A_207] : memref<10112xf32, #tpu.memory_space<vmem_shared>> -> memref<10112xf32, #tpu.memory_space<vmem_shared>>
        tpu.wait_indirect_dma semaphore(%run_scoped3A_198 : memref<!tpu.dma_semaphore, #tpu.memory_space<semaphore_mem>>) src(%arg14 : memref<125xf32, #tpu.memory_space<vmem>>) dst(%dma_wait3A_208 : memref<10112xf32, #tpu.memory_space<vmem_shared>>)
        tpu.yield
      }) : () -> ()
      %scan3A_197 = arith.constant 0 : i32
      scf.yield %scan3A_197 : i32
    }
    %scan3A_92 = arith.constant 19 : i32
    %dma_wait3A_93 = arith.constant 38 : i32
    %dma_wait3A_94 = arith.constant 0 : i32
    %dma_wait3A_95 = arith.constant 0 : i32
    %dma_wait3A_96 = arith.constant 0 : i32
    %dma_wait3A_97 = tpu.memref_slice %arg11[%dma_wait3A_94, %dma_wait3A_95, %dma_wait3A_96] : memref<2x125x128xf32, #tpu.memory_space<vmem>> -> memref<1x125x128xf32, #tpu.memory_space<vmem>>
    %dma_wait3A_98 = tpu.memref_squeeze %dma_wait3A_97 : memref<1x125x128xf32, #tpu.memory_space<vmem>> -> memref<125x128xf32, #tpu.memory_space<vmem>>
    %dma_wait3A_99 = arith.constant 0 : i32
    %dma_wait3A_100 = tpu.memref_slice %arg9[%dma_wait3A_93, %dma_wait3A_99] : memref<40x125xi32, #tpu.memory_space<vmem>> -> memref<1x125xi32, #tpu.memory_space<vmem>>
    %dma_wait3A_101 = tpu.memref_squeeze %dma_wait3A_100 : memref<1x125xi32, #tpu.memory_space<vmem>> -> memref<125xi32, #tpu.memory_space<vmem>>
    %dma_wait3A_102 = arith.constant 0 : i32
    %dma_wait3A_103 = arith.constant 0 : i32
    %dma_wait3A_104 = tpu.memref_slice %arg2[%dma_wait3A_102, %dma_wait3A_103] : memref<10000x128xf32, #tpu.memory_space<hbm>> -> memref<10000x128xf32, #tpu.memory_space<hbm>>
    tpu.wait_indirect_dma semaphore(%arg13 : memref<!tpu.dma_semaphore, #tpu.memory_space<semaphore_mem>>) src(%dma_wait3A_104 : memref<10000x128xf32, #tpu.memory_space<hbm>>) dst(%dma_wait3A_98 : memref<125x128xf32, #tpu.memory_space<vmem>>)
    %dma_start3A_105 = arith.constant 39 : i32
    %dma_start3A_106 = arith.constant 1 : i32
    %dma_start3A_107 = arith.constant 0 : i32
    %dma_start3A_108 = arith.constant 0 : i32
    %dma_start3A_109 = tpu.memref_slice %arg11[%dma_start3A_106, %dma_start3A_107, %dma_start3A_108] : memref<2x125x128xf32, #tpu.memory_space<vmem>> -> memref<1x125x128xf32, #tpu.memory_space<vmem>>
    %dma_start3A_110 = tpu.memref_squeeze %dma_start3A_109 : memref<1x125x128xf32, #tpu.memory_space<vmem>> -> memref<125x128xf32, #tpu.memory_space<vmem>>
    %dma_start3A_111 = arith.constant 0 : i32
    %dma_start3A_112 = tpu.memref_slice %arg9[%dma_start3A_105, %dma_start3A_111] : memref<40x125xi32, #tpu.memory_space<vmem>> -> memref<1x125xi32, #tpu.memory_space<vmem>>
    %dma_start3A_113 = tpu.memref_squeeze %dma_start3A_112 : memref<1x125xi32, #tpu.memory_space<vmem>> -> memref<125xi32, #tpu.memory_space<vmem>>
    %dma_start3A_114 = arith.constant 0 : i32
    %dma_start3A_115 = arith.constant 0 : i32
    %dma_start3A_116 = tpu.memref_slice %arg2[%dma_start3A_114, %dma_start3A_115] : memref<10000x128xf32, #tpu.memory_space<hbm>> -> memref<10000x128xf32, #tpu.memory_space<hbm>>
    tpu.enqueue_indirect_dma source(%dma_start3A_116 : memref<10000x128xf32, #tpu.memory_space<hbm>>) target(%dma_start3A_110 : memref<125x128xf32, #tpu.memory_space<vmem>>) offsets(%dma_start3A_113 : memref<125xi32, #tpu.memory_space<vmem>>) semaphore(%arg13 : memref<!tpu.dma_semaphore, #tpu.memory_space<semaphore_mem>>)
    %run_scoped3A_117 = arith.constant 0 : i32
    %run_scoped3A_118 = arith.constant 38 : i32
    "tpu.region"() ({
      %run_scoped3A_139 = tpu.sem_alloc : memref<!tpu.dma_semaphore, #tpu.memory_space<semaphore_mem>>
      %dma_start3A_140 = arith.constant 0 : i32
      %dma_start3A_141 = arith.constant 0 : i32
      %dma_start3A_142 = tpu.memref_slice %arg11[%run_scoped3A_117, %dma_start3A_140, %dma_start3A_141] : memref<2x125x128xf32, #tpu.memory_space<vmem>> -> memref<1x125x128xf32, #tpu.memory_space<vmem>>
      %dma_start3A_143 = tpu.memref_squeeze %dma_start3A_142 : memref<1x125x128xf32, #tpu.memory_space<vmem>> -> memref<125x128xf32, #tpu.memory_space<vmem>>
      %dma_start3A_144 = arith.constant 0 : i32
      %dma_start3A_145 = tpu.memref_slice %arg10[%run_scoped3A_118, %dma_start3A_144] : memref<40x125xi32, #tpu.memory_space<vmem>> -> memref<1x125xi32, #tpu.memory_space<vmem>>
      %dma_start3A_146 = tpu.memref_squeeze %dma_start3A_145 : memref<1x125xi32, #tpu.memory_space<vmem>> -> memref<125xi32, #tpu.memory_space<vmem>>
      %dma_start3A_147 = arith.constant 0 : i32
      %dma_start3A_148 = arith.constant 0 : i32
      %dma_start3A_149 = tpu.memref_slice %arg12[%dma_start3A_147, %dma_start3A_148] : memref<10112x128xf32, #tpu.memory_space<vmem_shared>> -> memref<10112x128xf32, #tpu.memory_space<vmem_shared>>
      tpu.enqueue_indirect_dma source(%dma_start3A_143 : memref<125x128xf32, #tpu.memory_space<vmem>>) target(%dma_start3A_149 : memref<10112x128xf32, #tpu.memory_space<vmem_shared>>) offsets(%dma_start3A_146 : memref<125xi32, #tpu.memory_space<vmem>>) semaphore(%run_scoped3A_139 : memref<!tpu.dma_semaphore, #tpu.memory_space<semaphore_mem>>) {add = true}
      %dma_wait3A_150 = arith.constant 0 : i32
      %dma_wait3A_151 = arith.constant 0 : i32
      %dma_wait3A_152 = tpu.memref_slice %arg11[%run_scoped3A_117, %dma_wait3A_150, %dma_wait3A_151] : memref<2x125x128xf32, #tpu.memory_space<vmem>> -> memref<1x125x128xf32, #tpu.memory_space<vmem>>
      %dma_wait3A_153 = tpu.memref_squeeze %dma_wait3A_152 : memref<1x125x128xf32, #tpu.memory_space<vmem>> -> memref<125x128xf32, #tpu.memory_space<vmem>>
      %dma_wait3A_154 = arith.constant 0 : i32
      %dma_wait3A_155 = tpu.memref_slice %arg10[%run_scoped3A_118, %dma_wait3A_154] : memref<40x125xi32, #tpu.memory_space<vmem>> -> memref<1x125xi32, #tpu.memory_space<vmem>>
      %dma_wait3A_156 = tpu.memref_squeeze %dma_wait3A_155 : memref<1x125xi32, #tpu.memory_space<vmem>> -> memref<125xi32, #tpu.memory_space<vmem>>
      %dma_wait3A_157 = arith.constant 0 : i32
      %dma_wait3A_158 = arith.constant 0 : i32
      %dma_wait3A_159 = tpu.memref_slice %arg12[%dma_wait3A_157, %dma_wait3A_158] : memref<10112x128xf32, #tpu.memory_space<vmem_shared>> -> memref<10112x128xf32, #tpu.memory_space<vmem_shared>>
      tpu.wait_indirect_dma semaphore(%run_scoped3A_139 : memref<!tpu.dma_semaphore, #tpu.memory_space<semaphore_mem>>) src(%dma_wait3A_153 : memref<125x128xf32, #tpu.memory_space<vmem>>) dst(%dma_wait3A_159 : memref<10112x128xf32, #tpu.memory_space<vmem_shared>>)
      tpu.yield
    }) : () -> ()
    %run_scoped3A_119 = arith.constant 38 : i32
    "tpu.region"() ({
      %run_scoped3A_139 = tpu.sem_alloc : memref<!tpu.dma_semaphore, #tpu.memory_space<semaphore_mem>>
      %dma_start3A_140 = arith.constant 0 : i32
      %dma_start3A_141 = tpu.memref_slice %arg10[%run_scoped3A_119, %dma_start3A_140] : memref<40x125xi32, #tpu.memory_space<vmem>> -> memref<1x125xi32, #tpu.memory_space<vmem>>
      %dma_start3A_142 = tpu.memref_squeeze %dma_start3A_141 : memref<1x125xi32, #tpu.memory_space<vmem>> -> memref<125xi32, #tpu.memory_space<vmem>>
      %dma_start3A_143 = arith.constant 0 : i32
      %dma_start3A_144 = tpu.memref_slice %arg16[%dma_start3A_143] : memref<10112xf32, #tpu.memory_space<vmem_shared>> -> memref<10112xf32, #tpu.memory_space<vmem_shared>>
      tpu.enqueue_indirect_dma source(%arg14 : memref<125xf32, #tpu.memory_space<vmem>>) target(%dma_start3A_144 : memref<10112xf32, #tpu.memory_space<vmem_shared>>) offsets(%dma_start3A_142 : memref<125xi32, #tpu.memory_space<vmem>>) semaphore(%run_scoped3A_139 : memref<!tpu.dma_semaphore, #tpu.memory_space<semaphore_mem>>) {add = true}
      %dma_wait3A_145 = arith.constant 0 : i32
      %dma_wait3A_146 = tpu.memref_slice %arg10[%run_scoped3A_119, %dma_wait3A_145] : memref<40x125xi32, #tpu.memory_space<vmem>> -> memref<1x125xi32, #tpu.memory_space<vmem>>
      %dma_wait3A_147 = tpu.memref_squeeze %dma_wait3A_146 : memref<1x125xi32, #tpu.memory_space<vmem>> -> memref<125xi32, #tpu.memory_space<vmem>>
      %dma_wait3A_148 = arith.constant 0 : i32
      %dma_wait3A_149 = tpu.memref_slice %arg16[%dma_wait3A_148] : memref<10112xf32, #tpu.memory_space<vmem_shared>> -> memref<10112xf32, #tpu.memory_space<vmem_shared>>
      tpu.wait_indirect_dma semaphore(%run_scoped3A_139 : memref<!tpu.dma_semaphore, #tpu.memory_space<semaphore_mem>>) src(%arg14 : memref<125xf32, #tpu.memory_space<vmem>>) dst(%dma_wait3A_149 : memref<10112xf32, #tpu.memory_space<vmem_shared>>)
      tpu.yield
    }) : () -> ()
    %dma_wait3A_120 = arith.constant 39 : i32
    %dma_wait3A_121 = arith.constant 1 : i32
    %dma_wait3A_122 = arith.constant 0 : i32
    %dma_wait3A_123 = arith.constant 0 : i32
    %dma_wait3A_124 = tpu.memref_slice %arg11[%dma_wait3A_121, %dma_wait3A_122, %dma_wait3A_123] : memref<2x125x128xf32, #tpu.memory_space<vmem>> -> memref<1x125x128xf32, #tpu.memory_space<vmem>>
    %dma_wait3A_125 = tpu.memref_squeeze %dma_wait3A_124 : memref<1x125x128xf32, #tpu.memory_space<vmem>> -> memref<125x128xf32, #tpu.memory_space<vmem>>
    %dma_wait3A_126 = arith.constant 0 : i32
    %dma_wait3A_127 = tpu.memref_slice %arg9[%dma_wait3A_120, %dma_wait3A_126] : memref<40x125xi32, #tpu.memory_space<vmem>> -> memref<1x125xi32, #tpu.memory_space<vmem>>
    %dma_wait3A_128 = tpu.memref_squeeze %dma_wait3A_127 : memref<1x125xi32, #tpu.memory_space<vmem>> -> memref<125xi32, #tpu.memory_space<vmem>>
    %dma_wait3A_129 = arith.constant 0 : i32
    %dma_wait3A_130 = arith.constant 0 : i32
    %dma_wait3A_131 = tpu.memref_slice %arg2[%dma_wait3A_129, %dma_wait3A_130] : memref<10000x128xf32, #tpu.memory_space<hbm>> -> memref<10000x128xf32, #tpu.memory_space<hbm>>
    tpu.wait_indirect_dma semaphore(%arg13 : memref<!tpu.dma_semaphore, #tpu.memory_space<semaphore_mem>>) src(%dma_wait3A_131 : memref<10000x128xf32, #tpu.memory_space<hbm>>) dst(%dma_wait3A_125 : memref<125x128xf32, #tpu.memory_space<vmem>>)
    %run_scoped3A_132 = arith.constant 1 : i32
    %run_scoped3A_133 = arith.constant 39 : i32
    "tpu.region"() ({
      %run_scoped3A_139 = tpu.sem_alloc : memref<!tpu.dma_semaphore, #tpu.memory_space<semaphore_mem>>
      %dma_start3A_140 = arith.constant 0 : i32
      %dma_start3A_141 = arith.constant 0 : i32
      %dma_start3A_142 = tpu.memref_slice %arg11[%run_scoped3A_132, %dma_start3A_140, %dma_start3A_141] : memref<2x125x128xf32, #tpu.memory_space<vmem>> -> memref<1x125x128xf32, #tpu.memory_space<vmem>>
      %dma_start3A_143 = tpu.memref_squeeze %dma_start3A_142 : memref<1x125x128xf32, #tpu.memory_space<vmem>> -> memref<125x128xf32, #tpu.memory_space<vmem>>
      %dma_start3A_144 = arith.constant 0 : i32
      %dma_start3A_145 = tpu.memref_slice %arg10[%run_scoped3A_133, %dma_start3A_144] : memref<40x125xi32, #tpu.memory_space<vmem>> -> memref<1x125xi32, #tpu.memory_space<vmem>>
      %dma_start3A_146 = tpu.memref_squeeze %dma_start3A_145 : memref<1x125xi32, #tpu.memory_space<vmem>> -> memref<125xi32, #tpu.memory_space<vmem>>
      %dma_start3A_147 = arith.constant 0 : i32
      %dma_start3A_148 = arith.constant 0 : i32
      %dma_start3A_149 = tpu.memref_slice %arg12[%dma_start3A_147, %dma_start3A_148] : memref<10112x128xf32, #tpu.memory_space<vmem_shared>> -> memref<10112x128xf32, #tpu.memory_space<vmem_shared>>
      tpu.enqueue_indirect_dma source(%dma_start3A_143 : memref<125x128xf32, #tpu.memory_space<vmem>>) target(%dma_start3A_149 : memref<10112x128xf32, #tpu.memory_space<vmem_shared>>) offsets(%dma_start3A_146 : memref<125xi32, #tpu.memory_space<vmem>>) semaphore(%run_scoped3A_139 : memref<!tpu.dma_semaphore, #tpu.memory_space<semaphore_mem>>) {add = true}
      %dma_wait3A_150 = arith.constant 0 : i32
      %dma_wait3A_151 = arith.constant 0 : i32
      %dma_wait3A_152 = tpu.memref_slice %arg11[%run_scoped3A_132, %dma_wait3A_150, %dma_wait3A_151] : memref<2x125x128xf32, #tpu.memory_space<vmem>> -> memref<1x125x128xf32, #tpu.memory_space<vmem>>
      %dma_wait3A_153 = tpu.memref_squeeze %dma_wait3A_152 : memref<1x125x128xf32, #tpu.memory_space<vmem>> -> memref<125x128xf32, #tpu.memory_space<vmem>>
      %dma_wait3A_154 = arith.constant 0 : i32
      %dma_wait3A_155 = tpu.memref_slice %arg10[%run_scoped3A_133, %dma_wait3A_154] : memref<40x125xi32, #tpu.memory_space<vmem>> -> memref<1x125xi32, #tpu.memory_space<vmem>>
      %dma_wait3A_156 = tpu.memref_squeeze %dma_wait3A_155 : memref<1x125xi32, #tpu.memory_space<vmem>> -> memref<125xi32, #tpu.memory_space<vmem>>
      %dma_wait3A_157 = arith.constant 0 : i32
      %dma_wait3A_158 = arith.constant 0 : i32
      %dma_wait3A_159 = tpu.memref_slice %arg12[%dma_wait3A_157, %dma_wait3A_158] : memref<10112x128xf32, #tpu.memory_space<vmem_shared>> -> memref<10112x128xf32, #tpu.memory_space<vmem_shared>>
      tpu.wait_indirect_dma semaphore(%run_scoped3A_139 : memref<!tpu.dma_semaphore, #tpu.memory_space<semaphore_mem>>) src(%dma_wait3A_153 : memref<125x128xf32, #tpu.memory_space<vmem>>) dst(%dma_wait3A_159 : memref<10112x128xf32, #tpu.memory_space<vmem_shared>>)
      tpu.yield
    }) : () -> ()
    %run_scoped3A_134 = arith.constant 39 : i32
    "tpu.region"() ({
      %run_scoped3A_139 = tpu.sem_alloc : memref<!tpu.dma_semaphore, #tpu.memory_space<semaphore_mem>>
      %dma_start3A_140 = arith.constant 0 : i32
      %dma_start3A_141 = tpu.memref_slice %arg10[%run_scoped3A_134, %dma_start3A_140] : memref<40x125xi32, #tpu.memory_space<vmem>> -> memref<1x125xi32, #tpu.memory_space<vmem>>
      %dma_start3A_142 = tpu.memref_squeeze %dma_start3A_141 : memref<1x125xi32, #tpu.memory_space<vmem>> -> memref<125xi32, #tpu.memory_space<vmem>>
      %dma_start3A_143 = arith.constant 0 : i32
      %dma_start3A_144 = tpu.memref_slice %arg16[%dma_start3A_143] : memref<10112xf32, #tpu.memory_space<vmem_shared>> -> memref<10112xf32, #tpu.memory_space<vmem_shared>>
      tpu.enqueue_indirect_dma source(%arg14 : memref<125xf32, #tpu.memory_space<vmem>>) target(%dma_start3A_144 : memref<10112xf32, #tpu.memory_space<vmem_shared>>) offsets(%dma_start3A_142 : memref<125xi32, #tpu.memory_space<vmem>>) semaphore(%run_scoped3A_139 : memref<!tpu.dma_semaphore, #tpu.memory_space<semaphore_mem>>) {add = true}
      %dma_wait3A_145 = arith.constant 0 : i32
      %dma_wait3A_146 = tpu.memref_slice %arg10[%run_scoped3A_134, %dma_wait3A_145] : memref<40x125xi32, #tpu.memory_space<vmem>> -> memref<1x125xi32, #tpu.memory_space<vmem>>
      %dma_wait3A_147 = tpu.memref_squeeze %dma_wait3A_146 : memref<1x125xi32, #tpu.memory_space<vmem>> -> memref<125xi32, #tpu.memory_space<vmem>>
      %dma_wait3A_148 = arith.constant 0 : i32
      %dma_wait3A_149 = tpu.memref_slice %arg16[%dma_wait3A_148] : memref<10112xf32, #tpu.memory_space<vmem_shared>> -> memref<10112xf32, #tpu.memory_space<vmem_shared>>
      tpu.wait_indirect_dma semaphore(%run_scoped3A_139 : memref<!tpu.dma_semaphore, #tpu.memory_space<semaphore_mem>>) src(%arg14 : memref<125xf32, #tpu.memory_space<vmem>>) dst(%dma_wait3A_149 : memref<10112xf32, #tpu.memory_space<vmem_shared>>)
      tpu.yield
    }) : () -> ()
    %barrier3A_135 = arith.constant 0 : index
    tpu.barrier barrier_id(%barrier3A_135)
    "tpu.region"() ({
      %run_scoped3A_139 = tpu.sem_alloc : memref<!tpu.dma_semaphore, #tpu.memory_space<semaphore_mem>>
      %dma_start3A_140 = arith.constant 0 : i32
      %dma_start3A_141 = tpu.memref_slice %arg7[%arg0, %mul3A_2, %dma_start3A_140] : memref<2x10112x128xf32, #tpu.memory_space<hbm>> -> memref<1x632x128xf32, #tpu.memory_space<hbm>>
      %dma_start3A_142 = tpu.memref_squeeze %dma_start3A_141 : memref<1x632x128xf32, #tpu.memory_space<hbm>> -> memref<632x128xf32, #tpu.memory_space<hbm>>
      %dma_start3A_143 = arith.constant 0 : i32
      %dma_start3A_144 = tpu.memref_slice %arg12[%mul3A_2, %dma_start3A_143] : memref<10112x128xf32, #tpu.memory_space<vmem_shared>> -> memref<632x128xf32, #tpu.memory_space<vmem_shared>>
      tpu.enqueue_dma source(%dma_start3A_144 : memref<632x128xf32, #tpu.memory_space<vmem_shared>>) target(%dma_start3A_142 : memref<632x128xf32, #tpu.memory_space<hbm>>) target_semaphore(%run_scoped3A_139 : memref<!tpu.dma_semaphore, #tpu.memory_space<semaphore_mem>>)
      %dma_wait3A_145 = arith.constant 0 : i32
      %dma_wait3A_146 = tpu.memref_slice %arg7[%arg0, %mul3A_2, %dma_wait3A_145] : memref<2x10112x128xf32, #tpu.memory_space<hbm>> -> memref<1x632x128xf32, #tpu.memory_space<hbm>>
      %dma_wait3A_147 = tpu.memref_squeeze %dma_wait3A_146 : memref<1x632x128xf32, #tpu.memory_space<hbm>> -> memref<632x128xf32, #tpu.memory_space<hbm>>
      %dma_wait3A_148 = arith.constant 0 : i32
      %dma_wait3A_149 = tpu.memref_slice %arg12[%mul3A_2, %dma_wait3A_148] : memref<10112x128xf32, #tpu.memory_space<vmem_shared>> -> memref<632x128xf32, #tpu.memory_space<vmem_shared>>
      tpu.wait_dma2 semaphore(%run_scoped3A_139 : memref<!tpu.dma_semaphore, #tpu.memory_space<semaphore_mem>>) src(%dma_wait3A_149 : memref<632x128xf32, #tpu.memory_space<vmem_shared>>) dst(%dma_wait3A_147 : memref<632x128xf32, #tpu.memory_space<hbm>>)
      tpu.yield
    }) : () -> ()
    "tpu.region"() ({
      %run_scoped3A_139 = tpu.sem_alloc : memref<!tpu.dma_semaphore, #tpu.memory_space<semaphore_mem>>
      %dma_start3A_140 = tpu.memref_slice %arg16[%mul3A_2] : memref<10112xf32, #tpu.memory_space<vmem_shared>> -> memref<632xf32, #tpu.memory_space<vmem_shared>>
      %dma_start3A_141 = tpu.memref_slice %arg16[%mul3A_2] : memref<10112xf32, #tpu.memory_space<vmem_shared>> -> memref<632xf32, #tpu.memory_space<vmem_shared>>
      tpu.enqueue_dma source(%dma_start3A_141 : memref<632xf32, #tpu.memory_space<vmem_shared>>) target(%arg15 : memref<632xf32, #tpu.memory_space<vmem>>) target_semaphore(%run_scoped3A_139 : memref<!tpu.dma_semaphore, #tpu.memory_space<semaphore_mem>>)
      %dma_wait3A_142 = tpu.memref_slice %arg16[%mul3A_2] : memref<10112xf32, #tpu.memory_space<vmem_shared>> -> memref<632xf32, #tpu.memory_space<vmem_shared>>
      %dma_wait3A_143 = tpu.memref_slice %arg16[%mul3A_2] : memref<10112xf32, #tpu.memory_space<vmem_shared>> -> memref<632xf32, #tpu.memory_space<vmem_shared>>
      tpu.wait_dma2 semaphore(%run_scoped3A_139 : memref<!tpu.dma_semaphore, #tpu.memory_space<semaphore_mem>>) src(%dma_wait3A_143 : memref<632xf32, #tpu.memory_space<vmem_shared>>) dst(%arg15 : memref<632xf32, #tpu.memory_space<vmem>>)
      tpu.yield
    }) : () -> ()
    %mul3A_136 = arith.constant 10112 : i32
    %mul3A_137 = arith.muli %arg0, %mul3A_136 : i32
    %add3A_138 = arith.addi %mul3A_137, %mul3A_2 : i32
    "tpu.region"() ({
      %run_scoped3A_139 = tpu.sem_alloc : memref<!tpu.dma_semaphore, #tpu.memory_space<semaphore_mem>>
      %dma_start3A_140 = tpu.memref_slice %arg8[%add3A_138] : memref<20224xf32, #tpu.memory_space<hbm>> -> memref<632xf32, #tpu.memory_space<hbm>>
      %dma_start3A_141 = tpu.memref_slice %arg8[%add3A_138] : memref<20224xf32, #tpu.memory_space<hbm>> -> memref<632xf32, #tpu.memory_space<hbm>>
      tpu.enqueue_dma source(%arg15 : memref<632xf32, #tpu.memory_space<vmem>>) target(%dma_start3A_141 : memref<632xf32, #tpu.memory_space<hbm>>) target_semaphore(%run_scoped3A_139 : memref<!tpu.dma_semaphore, #tpu.memory_space<semaphore_mem>>)
      %dma_wait3A_142 = tpu.memref_slice %arg8[%add3A_138] : memref<20224xf32, #tpu.memory_space<hbm>> -> memref<632xf32, #tpu.memory_space<hbm>>
      %dma_wait3A_143 = tpu.memref_slice %arg8[%add3A_138] : memref<20224xf32, #tpu.memory_space<hbm>> -> memref<632xf32, #tpu.memory_space<hbm>>
      tpu.wait_dma2 semaphore(%run_scoped3A_139 : memref<!tpu.dma_semaphore, #tpu.memory_space<semaphore_mem>>) src(%arg15 : memref<632xf32, #tpu.memory_space<vmem>>) dst(%dma_wait3A_143 : memref<632xf32, #tpu.memory_space<hbm>>)
      tpu.yield
    }) : () -> ()
    return
  }
}

#map = affine_map<(d0, d1) -> (0, 0)>
#map1 = affine_map<(d0, d1) -> (0, 0, 0)>
module attributes {stable_mosaic.version = 14 : i64} {
  func.func @body(%arg0: i32, %arg1: i32, %arg2: memref<10000x128xf32, #tpu.memory_space<hbm>>, %arg3: memref<32x80x125xi32, #tpu.memory_space<hbm>>, %arg4: memref<32x80x125xi32, #tpu.memory_space<hbm>>, %arg5: memref<2x10112x128xf32, #tpu.memory_space<hbm>>, %arg6: memref<40x125xi32, #tpu.memory_space<vmem>>, %arg7: memref<40x125xi32, #tpu.memory_space<vmem>>, %arg8: memref<2x125x128xf32, #tpu.memory_space<vmem>>, %arg9: memref<10112x128xf32, #tpu.memory_space<vmem_shared>>, %arg10: memref<!tpu.dma_semaphore, #tpu.memory_space<semaphore_mem>>) attributes {dimension_semantics = [#tpu.dimension_semantics<core_parallel>, #tpu.dimension_semantics<subcore_parallel>], iteration_bounds = array<i64: 2, 16>, scalar_prefetch = 0 : i64, scratch_operands = 5 : i64, tpu.core_type = #tpu.core_type<sc_vector_subcore>, window_params = [{transform_indices = #map}, {transform_indices = #map1}, {transform_indices = #map1}, {transform_indices = #map1}]} {
    %mul3A = arith.constant 2 : i32
    %mul3A_0 = arith.muli %arg1, %mul3A : i32
    %add3A = arith.addi %mul3A_0, %arg0 : i32
    %mul3A_1 = arith.constant 632 : i32
    %mul3A_2 = arith.muli %arg1, %mul3A_1 : i32
    %scan3A = arith.constant 0 : i32
    %scan3A_3 = arith.constant 0 : i32
    %scan3A_4 = arith.constant 8 : i32
    %scan3A_5 = arith.addi %scan3A_3, %scan3A_4 : i32
    %scan3A_6 = arith.constant 1 : i32
    %scan3A_7 = scf.for %scan3A_132 = %scan3A_3 to %scan3A_5 step %scan3A_6 iter_args(%scan3A_133 = %scan3A) -> (i32)  : i32 {
      %scan3A_134 = arith.constant 0 : i32
      %scan3A_135 = arith.constant 0 : i32
      %scan3A_136 = arith.constant 8 : i32
      %scan3A_137 = arith.addi %scan3A_135, %scan3A_136 : i32
      %scan3A_138 = arith.constant 1 : i32
      %scan3A_139 = scf.for %scan3A_141 = %scan3A_135 to %scan3A_137 step %scan3A_138 iter_args(%scan3A_142 = %scan3A_134) -> (i32)  : i32 {
        %broadcast_in_dim3A = arith.constant 0.000000e+00 : f32
        %broadcast_in_dim3A_143 = vector.broadcast %broadcast_in_dim3A : f32 to vector<16xf32>
        %mul3A_144 = arith.constant 16 : i32
        %mul3A_145 = arith.muli %scan3A_141, %mul3A_144 : i32
        %swap3A = arith.constant 0 : i32
        %swap3A_146 = arith.index_cast %swap3A : i32 to index
        %swap3A_147 = arith.index_cast %scan3A_132 : i32 to index
        %swap3A_148 = arith.index_cast %mul3A_145 : i32 to index
        %swap3A_149 = tpu.vector_load %arg8[%swap3A_146, %swap3A_147, %swap3A_148] {strides = array<i32>} : memref<2x125x128xf32, #tpu.memory_space<vmem>>, vector<1x1x16xf32>,
        %swap3A_150 = vector.shape_cast %swap3A_149 : vector<1x1x16xf32> to vector<16xf32>
        %swap3A_151 = vector.shape_cast %broadcast_in_dim3A_143 : vector<16xf32> to vector<1x1x16xf32>
        tpu.vector_store %arg8[%swap3A_146, %swap3A_147, %swap3A_148], %swap3A_151 {strides = array<i32>} : memref<2x125x128xf32, #tpu.memory_space<vmem>>, vector<1x1x16xf32>,
        %scan3A_152 = arith.constant 0 : i32
        scf.yield %scan3A_152 : i32
      }
      %scan3A_140 = arith.constant 8 : i32
      scf.yield %scan3A_139 : i32
    }
    %scan3A_8 = arith.constant 8 : i32
    %scan3A_9 = arith.constant 0 : i32
    %scan3A_10 = arith.constant 0 : i32
    %scan3A_11 = arith.constant 79 : i32
    %scan3A_12 = arith.addi %scan3A_10, %scan3A_11 : i32
    %scan3A_13 = arith.constant 1 : i32
    %scan3A_14 = scf.for %scan3A_132 = %scan3A_10 to %scan3A_12 step %scan3A_13 iter_args(%scan3A_133 = %scan3A_9) -> (i32)  : i32 {
      %mul3A_134 = arith.constant 8 : i32
      %mul3A_135 = arith.muli %scan3A_132, %mul3A_134 : i32
      %add3A_136 = arith.addi %mul3A_2, %mul3A_135 : i32
      %run_scoped3A_137 = arith.constant 0 : i32
      "tpu.region"() ({
        %run_scoped3A_139 = tpu.sem_alloc : memref<!tpu.dma_semaphore, #tpu.memory_space<semaphore_mem>>
        %dma_start3A_140 = arith.constant 0 : i32
        %dma_start3A_141 = arith.constant 0 : i32
        %dma_start3A_142 = tpu.memref_slice %arg8[%run_scoped3A_137, %dma_start3A_140, %dma_start3A_141] : memref<2x125x128xf32, #tpu.memory_space<vmem>> -> memref<1x8x128xf32, #tpu.memory_space<vmem>>
        %dma_start3A_143 = tpu.memref_squeeze %dma_start3A_142 : memref<1x8x128xf32, #tpu.memory_space<vmem>> -> memref<8x128xf32, #tpu.memory_space<vmem>>
        %dma_start3A_144 = arith.constant 0 : i32
        %dma_start3A_145 = tpu.memref_slice %arg9[%add3A_136, %dma_start3A_144] : memref<10112x128xf32, #tpu.memory_space<vmem_shared>> -> memref<8x128xf32, #tpu.memory_space<vmem_shared>>
        %dma_start3A_146 = arith.constant 0 : i32
        %dma_start3A_147 = tpu.memref_slice %arg9[%add3A_136, %dma_start3A_146] : memref<10112x128xf32, #tpu.memory_space<vmem_shared>> -> memref<8x128xf32, #tpu.memory_space<vmem_shared>>
        %dma_start3A_148 = arith.constant 0 : i32
        %dma_start3A_149 = arith.constant 0 : i32
        %dma_start3A_150 = tpu.memref_slice %arg8[%run_scoped3A_137, %dma_start3A_148, %dma_start3A_149] : memref<2x125x128xf32, #tpu.memory_space<vmem>> -> memref<1x8x128xf32, #tpu.memory_space<vmem>>
        %dma_start3A_151 = tpu.memref_squeeze %dma_start3A_150 : memref<1x8x128xf32, #tpu.memory_space<vmem>> -> memref<8x128xf32, #tpu.memory_space<vmem>>
        tpu.enqueue_dma source(%dma_start3A_151 : memref<8x128xf32, #tpu.memory_space<vmem>>) target(%dma_start3A_147 : memref<8x128xf32, #tpu.memory_space<vmem_shared>>) target_semaphore(%run_scoped3A_139 : memref<!tpu.dma_semaphore, #tpu.memory_space<semaphore_mem>>)
        %dma_wait3A_152 = arith.constant 0 : i32
        %dma_wait3A_153 = arith.constant 0 : i32
        %dma_wait3A_154 = tpu.memref_slice %arg8[%run_scoped3A_137, %dma_wait3A_152, %dma_wait3A_153] : memref<2x125x128xf32, #tpu.memory_space<vmem>> -> memref<1x8x128xf32, #tpu.memory_space<vmem>>
        %dma_wait3A_155 = tpu.memref_squeeze %dma_wait3A_154 : memref<1x8x128xf32, #tpu.memory_space<vmem>> -> memref<8x128xf32, #tpu.memory_space<vmem>>
        %dma_wait3A_156 = arith.constant 0 : i32
        %dma_wait3A_157 = tpu.memref_slice %arg9[%add3A_136, %dma_wait3A_156] : memref<10112x128xf32, #tpu.memory_space<vmem_shared>> -> memref<8x128xf32, #tpu.memory_space<vmem_shared>>
        %dma_wait3A_158 = arith.constant 0 : i32
        %dma_wait3A_159 = tpu.memref_slice %arg9[%add3A_136, %dma_wait3A_158] : memref<10112x128xf32, #tpu.memory_space<vmem_shared>> -> memref<8x128xf32, #tpu.memory_space<vmem_shared>>
        %dma_wait3A_160 = arith.constant 0 : i32
        %dma_wait3A_161 = arith.constant 0 : i32
        %dma_wait3A_162 = tpu.memref_slice %arg8[%run_scoped3A_137, %dma_wait3A_160, %dma_wait3A_161] : memref<2x125x128xf32, #tpu.memory_space<vmem>> -> memref<1x8x128xf32, #tpu.memory_space<vmem>>
        %dma_wait3A_163 = tpu.memref_squeeze %dma_wait3A_162 : memref<1x8x128xf32, #tpu.memory_space<vmem>> -> memref<8x128xf32, #tpu.memory_space<vmem>>
        tpu.wait_dma2 semaphore(%run_scoped3A_139 : memref<!tpu.dma_semaphore, #tpu.memory_space<semaphore_mem>>) src(%dma_wait3A_163 : memref<8x128xf32, #tpu.memory_space<vmem>>) dst(%dma_wait3A_159 : memref<8x128xf32, #tpu.memory_space<vmem_shared>>)
        tpu.yield
      }) : () -> ()
      %scan3A_138 = arith.constant 0 : i32
      scf.yield %scan3A_138 : i32
    }
    %scan3A_15 = arith.constant 79 : i32
    %barrier3A = arith.constant 0 : index
    tpu.barrier barrier_id(%barrier3A)
    "tpu.region"() ({
      %run_scoped3A_132 = tpu.sem_alloc : memref<!tpu.dma_semaphore, #tpu.memory_space<semaphore_mem>>
      %dma_start3A_133 = arith.constant 0 : i32
      %dma_start3A_134 = arith.constant 0 : i32
      %dma_start3A_135 = tpu.memref_slice %arg3[%add3A, %dma_start3A_133, %dma_start3A_134] : memref<32x80x125xi32, #tpu.memory_space<hbm>> -> memref<1x40x125xi32, #tpu.memory_space<hbm>>
      %dma_start3A_136 = tpu.memref_squeeze %dma_start3A_135 : memref<1x40x125xi32, #tpu.memory_space<hbm>> -> memref<40x125xi32, #tpu.memory_space<hbm>>
      %dma_start3A_137 = arith.constant 0 : i32
      %dma_start3A_138 = arith.constant 0 : i32
      %dma_start3A_139 = tpu.memref_slice %arg3[%add3A, %dma_start3A_137, %dma_start3A_138] : memref<32x80x125xi32, #tpu.memory_space<hbm>> -> memref<1x40x125xi32, #tpu.memory_space<hbm>>
      %dma_start3A_140 = tpu.memref_squeeze %dma_start3A_139 : memref<1x40x125xi32, #tpu.memory_space<hbm>> -> memref<40x125xi32, #tpu.memory_space<hbm>>
      tpu.enqueue_dma source(%dma_start3A_140 : memref<40x125xi32, #tpu.memory_space<hbm>>) target(%arg6 : memref<40x125xi32, #tpu.memory_space<vmem>>) target_semaphore(%run_scoped3A_132 : memref<!tpu.dma_semaphore, #tpu.memory_space<semaphore_mem>>)
      %dma_wait3A_141 = arith.constant 0 : i32
      %dma_wait3A_142 = arith.constant 0 : i32
      %dma_wait3A_143 = tpu.memref_slice %arg3[%add3A, %dma_wait3A_141, %dma_wait3A_142] : memref<32x80x125xi32, #tpu.memory_space<hbm>> -> memref<1x40x125xi32, #tpu.memory_space<hbm>>
      %dma_wait3A_144 = tpu.memref_squeeze %dma_wait3A_143 : memref<1x40x125xi32, #tpu.memory_space<hbm>> -> memref<40x125xi32, #tpu.memory_space<hbm>>
      %dma_wait3A_145 = arith.constant 0 : i32
      %dma_wait3A_146 = arith.constant 0 : i32
      %dma_wait3A_147 = tpu.memref_slice %arg3[%add3A, %dma_wait3A_145, %dma_wait3A_146] : memref<32x80x125xi32, #tpu.memory_space<hbm>> -> memref<1x40x125xi32, #tpu.memory_space<hbm>>
      %dma_wait3A_148 = tpu.memref_squeeze %dma_wait3A_147 : memref<1x40x125xi32, #tpu.memory_space<hbm>> -> memref<40x125xi32, #tpu.memory_space<hbm>>
      tpu.wait_dma2 semaphore(%run_scoped3A_132 : memref<!tpu.dma_semaphore, #tpu.memory_space<semaphore_mem>>) src(%dma_wait3A_148 : memref<40x125xi32, #tpu.memory_space<hbm>>) dst(%arg6 : memref<40x125xi32, #tpu.memory_space<vmem>>)
      tpu.yield
    }) : () -> ()
    "tpu.region"() ({
      %run_scoped3A_132 = tpu.sem_alloc : memref<!tpu.dma_semaphore, #tpu.memory_space<semaphore_mem>>
      %dma_start3A_133 = arith.constant 0 : i32
      %dma_start3A_134 = arith.constant 0 : i32
      %dma_start3A_135 = tpu.memref_slice %arg4[%add3A, %dma_start3A_133, %dma_start3A_134] : memref<32x80x125xi32, #tpu.memory_space<hbm>> -> memref<1x40x125xi32, #tpu.memory_space<hbm>>
      %dma_start3A_136 = tpu.memref_squeeze %dma_start3A_135 : memref<1x40x125xi32, #tpu.memory_space<hbm>> -> memref<40x125xi32, #tpu.memory_space<hbm>>
      %dma_start3A_137 = arith.constant 0 : i32
      %dma_start3A_138 = arith.constant 0 : i32
      %dma_start3A_139 = tpu.memref_slice %arg4[%add3A, %dma_start3A_137, %dma_start3A_138] : memref<32x80x125xi32, #tpu.memory_space<hbm>> -> memref<1x40x125xi32, #tpu.memory_space<hbm>>
      %dma_start3A_140 = tpu.memref_squeeze %dma_start3A_139 : memref<1x40x125xi32, #tpu.memory_space<hbm>> -> memref<40x125xi32, #tpu.memory_space<hbm>>
      tpu.enqueue_dma source(%dma_start3A_140 : memref<40x125xi32, #tpu.memory_space<hbm>>) target(%arg7 : memref<40x125xi32, #tpu.memory_space<vmem>>) target_semaphore(%run_scoped3A_132 : memref<!tpu.dma_semaphore, #tpu.memory_space<semaphore_mem>>)
      %dma_wait3A_141 = arith.constant 0 : i32
      %dma_wait3A_142 = arith.constant 0 : i32
      %dma_wait3A_143 = tpu.memref_slice %arg4[%add3A, %dma_wait3A_141, %dma_wait3A_142] : memref<32x80x125xi32, #tpu.memory_space<hbm>> -> memref<1x40x125xi32, #tpu.memory_space<hbm>>
      %dma_wait3A_144 = tpu.memref_squeeze %dma_wait3A_143 : memref<1x40x125xi32, #tpu.memory_space<hbm>> -> memref<40x125xi32, #tpu.memory_space<hbm>>
      %dma_wait3A_145 = arith.constant 0 : i32
      %dma_wait3A_146 = arith.constant 0 : i32
      %dma_wait3A_147 = tpu.memref_slice %arg4[%add3A, %dma_wait3A_145, %dma_wait3A_146] : memref<32x80x125xi32, #tpu.memory_space<hbm>> -> memref<1x40x125xi32, #tpu.memory_space<hbm>>
      %dma_wait3A_148 = tpu.memref_squeeze %dma_wait3A_147 : memref<1x40x125xi32, #tpu.memory_space<hbm>> -> memref<40x125xi32, #tpu.memory_space<hbm>>
      tpu.wait_dma2 semaphore(%run_scoped3A_132 : memref<!tpu.dma_semaphore, #tpu.memory_space<semaphore_mem>>) src(%dma_wait3A_148 : memref<40x125xi32, #tpu.memory_space<hbm>>) dst(%arg7 : memref<40x125xi32, #tpu.memory_space<vmem>>)
      tpu.yield
    }) : () -> ()
    %dma_start3A = arith.constant 0 : i32
    %dma_start3A_16 = arith.constant 0 : i32
    %dma_start3A_17 = arith.constant 0 : i32
    %dma_start3A_18 = arith.constant 0 : i32
    %dma_start3A_19 = tpu.memref_slice %arg8[%dma_start3A_16, %dma_start3A_17, %dma_start3A_18] : memref<2x125x128xf32, #tpu.memory_space<vmem>> -> memref<1x125x128xf32, #tpu.memory_space<vmem>>
    %dma_start3A_20 = tpu.memref_squeeze %dma_start3A_19 : memref<1x125x128xf32, #tpu.memory_space<vmem>> -> memref<125x128xf32, #tpu.memory_space<vmem>>
    %dma_start3A_21 = arith.constant 0 : i32
    %dma_start3A_22 = tpu.memref_slice %arg6[%dma_start3A, %dma_start3A_21] : memref<40x125xi32, #tpu.memory_space<vmem>> -> memref<1x125xi32, #tpu.memory_space<vmem>>
    %dma_start3A_23 = tpu.memref_squeeze %dma_start3A_22 : memref<1x125xi32, #tpu.memory_space<vmem>> -> memref<125xi32, #tpu.memory_space<vmem>>
    %dma_start3A_24 = arith.constant 0 : i32
    %dma_start3A_25 = arith.constant 0 : i32
    %dma_start3A_26 = tpu.memref_slice %arg2[%dma_start3A_24, %dma_start3A_25] : memref<10000x128xf32, #tpu.memory_space<hbm>> -> memref<10000x128xf32, #tpu.memory_space<hbm>>
    tpu.enqueue_indirect_dma source(%dma_start3A_26 : memref<10000x128xf32, #tpu.memory_space<hbm>>) target(%dma_start3A_20 : memref<125x128xf32, #tpu.memory_space<vmem>>) offsets(%dma_start3A_23 : memref<125xi32, #tpu.memory_space<vmem>>) semaphore(%arg10 : memref<!tpu.dma_semaphore, #tpu.memory_space<semaphore_mem>>)
    %scan3A_27 = arith.constant 0 : i32
    %scan3A_28 = arith.constant 0 : i32
    %scan3A_29 = arith.constant 19 : i32
    %scan3A_30 = arith.addi %scan3A_28, %scan3A_29 : i32
    %scan3A_31 = arith.constant 1 : i32
    %scan3A_32 = scf.for %scan3A_132 = %scan3A_28 to %scan3A_30 step %scan3A_31 iter_args(%scan3A_133 = %scan3A_27) -> (i32)  : i32 {
      %mul3A_134 = arith.constant 2 : i32
      %mul3A_135 = arith.muli %mul3A_134, %scan3A_132 : i32
      %dma_wait3A_136 = arith.constant 0 : i32
      %dma_wait3A_137 = arith.constant 0 : i32
      %dma_wait3A_138 = arith.constant 0 : i32
      %dma_wait3A_139 = tpu.memref_slice %arg8[%dma_wait3A_136, %dma_wait3A_137, %dma_wait3A_138] : memref<2x125x128xf32, #tpu.memory_space<vmem>> -> memref<1x125x128xf32, #tpu.memory_space<vmem>>
      %dma_wait3A_140 = tpu.memref_squeeze %dma_wait3A_139 : memref<1x125x128xf32, #tpu.memory_space<vmem>> -> memref<125x128xf32, #tpu.memory_space<vmem>>
      %dma_wait3A_141 = arith.constant 0 : i32
      %dma_wait3A_142 = tpu.memref_slice %arg6[%mul3A_135, %dma_wait3A_141] : memref<40x125xi32, #tpu.memory_space<vmem>> -> memref<1x125xi32, #tpu.memory_space<vmem>>
      %dma_wait3A_143 = tpu.memref_squeeze %dma_wait3A_142 : memref<1x125xi32, #tpu.memory_space<vmem>> -> memref<125xi32, #tpu.memory_space<vmem>>
      %dma_wait3A_144 = arith.constant 0 : i32
      %dma_wait3A_145 = arith.constant 0 : i32
      %dma_wait3A_146 = tpu.memref_slice %arg2[%dma_wait3A_144, %dma_wait3A_145] : memref<10000x128xf32, #tpu.memory_space<hbm>> -> memref<10000x128xf32, #tpu.memory_space<hbm>>
      tpu.wait_indirect_dma semaphore(%arg10 : memref<!tpu.dma_semaphore, #tpu.memory_space<semaphore_mem>>) src(%dma_wait3A_146 : memref<10000x128xf32, #tpu.memory_space<hbm>>) dst(%dma_wait3A_140 : memref<125x128xf32, #tpu.memory_space<vmem>>)
      %add3A_147 = arith.constant 1 : i32
      %add3A_148 = arith.addi %mul3A_135, %add3A_147 : i32
      %dma_start3A_149 = arith.constant 1 : i32
      %dma_start3A_150 = arith.constant 0 : i32
      %dma_start3A_151 = arith.constant 0 : i32
      %dma_start3A_152 = tpu.memref_slice %arg8[%dma_start3A_149, %dma_start3A_150, %dma_start3A_151] : memref<2x125x128xf32, #tpu.memory_space<vmem>> -> memref<1x125x128xf32, #tpu.memory_space<vmem>>
      %dma_start3A_153 = tpu.memref_squeeze %dma_start3A_152 : memref<1x125x128xf32, #tpu.memory_space<vmem>> -> memref<125x128xf32, #tpu.memory_space<vmem>>
      %dma_start3A_154 = arith.constant 0 : i32
      %dma_start3A_155 = tpu.memref_slice %arg6[%add3A_148, %dma_start3A_154] : memref<40x125xi32, #tpu.memory_space<vmem>> -> memref<1x125xi32, #tpu.memory_space<vmem>>
      %dma_start3A_156 = tpu.memref_squeeze %dma_start3A_155 : memref<1x125xi32, #tpu.memory_space<vmem>> -> memref<125xi32, #tpu.memory_space<vmem>>
      %dma_start3A_157 = arith.constant 0 : i32
      %dma_start3A_158 = arith.constant 0 : i32
      %dma_start3A_159 = tpu.memref_slice %arg2[%dma_start3A_157, %dma_start3A_158] : memref<10000x128xf32, #tpu.memory_space<hbm>> -> memref<10000x128xf32, #tpu.memory_space<hbm>>
      tpu.enqueue_indirect_dma source(%dma_start3A_159 : memref<10000x128xf32, #tpu.memory_space<hbm>>) target(%dma_start3A_153 : memref<125x128xf32, #tpu.memory_space<vmem>>) offsets(%dma_start3A_156 : memref<125xi32, #tpu.memory_space<vmem>>) semaphore(%arg10 : memref<!tpu.dma_semaphore, #tpu.memory_space<semaphore_mem>>)
      %run_scoped3A_160 = arith.constant 0 : i32
      "tpu.region"() ({
        %run_scoped3A_191 = tpu.sem_alloc : memref<!tpu.dma_semaphore, #tpu.memory_space<semaphore_mem>>
        %dma_start3A_192 = arith.constant 0 : i32
        %dma_start3A_193 = arith.constant 0 : i32
        %dma_start3A_194 = tpu.memref_slice %arg8[%run_scoped3A_160, %dma_start3A_192, %dma_start3A_193] : memref<2x125x128xf32, #tpu.memory_space<vmem>> -> memref<1x125x128xf32, #tpu.memory_space<vmem>>
        %dma_start3A_195 = tpu.memref_squeeze %dma_start3A_194 : memref<1x125x128xf32, #tpu.memory_space<vmem>> -> memref<125x128xf32, #tpu.memory_space<vmem>>
        %dma_start3A_196 = arith.constant 0 : i32
        %dma_start3A_197 = tpu.memref_slice %arg7[%mul3A_135, %dma_start3A_196] : memref<40x125xi32, #tpu.memory_space<vmem>> -> memref<1x125xi32, #tpu.memory_space<vmem>>
        %dma_start3A_198 = tpu.memref_squeeze %dma_start3A_197 : memref<1x125xi32, #tpu.memory_space<vmem>> -> memref<125xi32, #tpu.memory_space<vmem>>
        %dma_start3A_199 = arith.constant 0 : i32
        %dma_start3A_200 = arith.constant 0 : i32
        %dma_start3A_201 = tpu.memref_slice %arg9[%dma_start3A_199, %dma_start3A_200] : memref<10112x128xf32, #tpu.memory_space<vmem_shared>> -> memref<10112x128xf32, #tpu.memory_space<vmem_shared>>
        tpu.enqueue_indirect_dma source(%dma_start3A_195 : memref<125x128xf32, #tpu.memory_space<vmem>>) target(%dma_start3A_201 : memref<10112x128xf32, #tpu.memory_space<vmem_shared>>) offsets(%dma_start3A_198 : memref<125xi32, #tpu.memory_space<vmem>>) semaphore(%run_scoped3A_191 : memref<!tpu.dma_semaphore, #tpu.memory_space<semaphore_mem>>) {add = true}
        %dma_wait3A_202 = arith.constant 0 : i32
        %dma_wait3A_203 = arith.constant 0 : i32
        %dma_wait3A_204 = tpu.memref_slice %arg8[%run_scoped3A_160, %dma_wait3A_202, %dma_wait3A_203] : memref<2x125x128xf32, #tpu.memory_space<vmem>> -> memref<1x125x128xf32, #tpu.memory_space<vmem>>
        %dma_wait3A_205 = tpu.memref_squeeze %dma_wait3A_204 : memref<1x125x128xf32, #tpu.memory_space<vmem>> -> memref<125x128xf32, #tpu.memory_space<vmem>>
        %dma_wait3A_206 = arith.constant 0 : i32
        %dma_wait3A_207 = tpu.memref_slice %arg7[%mul3A_135, %dma_wait3A_206] : memref<40x125xi32, #tpu.memory_space<vmem>> -> memref<1x125xi32, #tpu.memory_space<vmem>>
        %dma_wait3A_208 = tpu.memref_squeeze %dma_wait3A_207 : memref<1x125xi32, #tpu.memory_space<vmem>> -> memref<125xi32, #tpu.memory_space<vmem>>
        %dma_wait3A_209 = arith.constant 0 : i32
        %dma_wait3A_210 = arith.constant 0 : i32
        %dma_wait3A_211 = tpu.memref_slice %arg9[%dma_wait3A_209, %dma_wait3A_210] : memref<10112x128xf32, #tpu.memory_space<vmem_shared>> -> memref<10112x128xf32, #tpu.memory_space<vmem_shared>>
        tpu.wait_indirect_dma semaphore(%run_scoped3A_191 : memref<!tpu.dma_semaphore, #tpu.memory_space<semaphore_mem>>) src(%dma_wait3A_205 : memref<125x128xf32, #tpu.memory_space<vmem>>) dst(%dma_wait3A_211 : memref<10112x128xf32, #tpu.memory_space<vmem_shared>>)
        tpu.yield
      }) : () -> ()
      %mul3A_161 = arith.constant 2 : i32
      %mul3A_162 = arith.muli %mul3A_161, %scan3A_132 : i32
      %add3A_163 = arith.constant 1 : i32
      %add3A_164 = arith.addi %mul3A_162, %add3A_163 : i32
      %dma_wait3A_165 = arith.constant 1 : i32
      %dma_wait3A_166 = arith.constant 0 : i32
      %dma_wait3A_167 = arith.constant 0 : i32
      %dma_wait3A_168 = tpu.memref_slice %arg8[%dma_wait3A_165, %dma_wait3A_166, %dma_wait3A_167] : memref<2x125x128xf32, #tpu.memory_space<vmem>> -> memref<1x125x128xf32, #tpu.memory_space<vmem>>
      %dma_wait3A_169 = tpu.memref_squeeze %dma_wait3A_168 : memref<1x125x128xf32, #tpu.memory_space<vmem>> -> memref<125x128xf32, #tpu.memory_space<vmem>>
      %dma_wait3A_170 = arith.constant 0 : i32
      %dma_wait3A_171 = tpu.memref_slice %arg6[%add3A_164, %dma_wait3A_170] : memref<40x125xi32, #tpu.memory_space<vmem>> -> memref<1x125xi32, #tpu.memory_space<vmem>>
      %dma_wait3A_172 = tpu.memref_squeeze %dma_wait3A_171 : memref<1x125xi32, #tpu.memory_space<vmem>> -> memref<125xi32, #tpu.memory_space<vmem>>
      %dma_wait3A_173 = arith.constant 0 : i32
      %dma_wait3A_174 = arith.constant 0 : i32
      %dma_wait3A_175 = tpu.memref_slice %arg2[%dma_wait3A_173, %dma_wait3A_174] : memref<10000x128xf32, #tpu.memory_space<hbm>> -> memref<10000x128xf32, #tpu.memory_space<hbm>>
      tpu.wait_indirect_dma semaphore(%arg10 : memref<!tpu.dma_semaphore, #tpu.memory_space<semaphore_mem>>) src(%dma_wait3A_175 : memref<10000x128xf32, #tpu.memory_space<hbm>>) dst(%dma_wait3A_169 : memref<125x128xf32, #tpu.memory_space<vmem>>)
      %add3A_176 = arith.constant 1 : i32
      %add3A_177 = arith.addi %add3A_164, %add3A_176 : i32
      %dma_start3A_178 = arith.constant 0 : i32
      %dma_start3A_179 = arith.constant 0 : i32
      %dma_start3A_180 = arith.constant 0 : i32
      %dma_start3A_181 = tpu.memref_slice %arg8[%dma_start3A_178, %dma_start3A_179, %dma_start3A_180] : memref<2x125x128xf32, #tpu.memory_space<vmem>> -> memref<1x125x128xf32, #tpu.memory_space<vmem>>
      %dma_start3A_182 = tpu.memref_squeeze %dma_start3A_181 : memref<1x125x128xf32, #tpu.memory_space<vmem>> -> memref<125x128xf32, #tpu.memory_space<vmem>>
      %dma_start3A_183 = arith.constant 0 : i32
      %dma_start3A_184 = tpu.memref_slice %arg6[%add3A_177, %dma_start3A_183] : memref<40x125xi32, #tpu.memory_space<vmem>> -> memref<1x125xi32, #tpu.memory_space<vmem>>
      %dma_start3A_185 = tpu.memref_squeeze %dma_start3A_184 : memref<1x125xi32, #tpu.memory_space<vmem>> -> memref<125xi32, #tpu.memory_space<vmem>>
      %dma_start3A_186 = arith.constant 0 : i32
      %dma_start3A_187 = arith.constant 0 : i32
      %dma_start3A_188 = tpu.memref_slice %arg2[%dma_start3A_186, %dma_start3A_187] : memref<10000x128xf32, #tpu.memory_space<hbm>> -> memref<10000x128xf32, #tpu.memory_space<hbm>>
      tpu.enqueue_indirect_dma source(%dma_start3A_188 : memref<10000x128xf32, #tpu.memory_space<hbm>>) target(%dma_start3A_182 : memref<125x128xf32, #tpu.memory_space<vmem>>) offsets(%dma_start3A_185 : memref<125xi32, #tpu.memory_space<vmem>>) semaphore(%arg10 : memref<!tpu.dma_semaphore, #tpu.memory_space<semaphore_mem>>)
      %run_scoped3A_189 = arith.constant 1 : i32
      "tpu.region"() ({
        %run_scoped3A_191 = tpu.sem_alloc : memref<!tpu.dma_semaphore, #tpu.memory_space<semaphore_mem>>
        %dma_start3A_192 = arith.constant 0 : i32
        %dma_start3A_193 = arith.constant 0 : i32
        %dma_start3A_194 = tpu.memref_slice %arg8[%run_scoped3A_189, %dma_start3A_192, %dma_start3A_193] : memref<2x125x128xf32, #tpu.memory_space<vmem>> -> memref<1x125x128xf32, #tpu.memory_space<vmem>>
        %dma_start3A_195 = tpu.memref_squeeze %dma_start3A_194 : memref<1x125x128xf32, #tpu.memory_space<vmem>> -> memref<125x128xf32, #tpu.memory_space<vmem>>
        %dma_start3A_196 = arith.constant 0 : i32
        %dma_start3A_197 = tpu.memref_slice %arg7[%add3A_164, %dma_start3A_196] : memref<40x125xi32, #tpu.memory_space<vmem>> -> memref<1x125xi32, #tpu.memory_space<vmem>>
        %dma_start3A_198 = tpu.memref_squeeze %dma_start3A_197 : memref<1x125xi32, #tpu.memory_space<vmem>> -> memref<125xi32, #tpu.memory_space<vmem>>
        %dma_start3A_199 = arith.constant 0 : i32
        %dma_start3A_200 = arith.constant 0 : i32
        %dma_start3A_201 = tpu.memref_slice %arg9[%dma_start3A_199, %dma_start3A_200] : memref<10112x128xf32, #tpu.memory_space<vmem_shared>> -> memref<10112x128xf32, #tpu.memory_space<vmem_shared>>
        tpu.enqueue_indirect_dma source(%dma_start3A_195 : memref<125x128xf32, #tpu.memory_space<vmem>>) target(%dma_start3A_201 : memref<10112x128xf32, #tpu.memory_space<vmem_shared>>) offsets(%dma_start3A_198 : memref<125xi32, #tpu.memory_space<vmem>>) semaphore(%run_scoped3A_191 : memref<!tpu.dma_semaphore, #tpu.memory_space<semaphore_mem>>) {add = true}
        %dma_wait3A_202 = arith.constant 0 : i32
        %dma_wait3A_203 = arith.constant 0 : i32
        %dma_wait3A_204 = tpu.memref_slice %arg8[%run_scoped3A_189, %dma_wait3A_202, %dma_wait3A_203] : memref<2x125x128xf32, #tpu.memory_space<vmem>> -> memref<1x125x128xf32, #tpu.memory_space<vmem>>
        %dma_wait3A_205 = tpu.memref_squeeze %dma_wait3A_204 : memref<1x125x128xf32, #tpu.memory_space<vmem>> -> memref<125x128xf32, #tpu.memory_space<vmem>>
        %dma_wait3A_206 = arith.constant 0 : i32
        %dma_wait3A_207 = tpu.memref_slice %arg7[%add3A_164, %dma_wait3A_206] : memref<40x125xi32, #tpu.memory_space<vmem>> -> memref<1x125xi32, #tpu.memory_space<vmem>>
        %dma_wait3A_208 = tpu.memref_squeeze %dma_wait3A_207 : memref<1x125xi32, #tpu.memory_space<vmem>> -> memref<125xi32, #tpu.memory_space<vmem>>
        %dma_wait3A_209 = arith.constant 0 : i32
        %dma_wait3A_210 = arith.constant 0 : i32
        %dma_wait3A_211 = tpu.memref_slice %arg9[%dma_wait3A_209, %dma_wait3A_210] : memref<10112x128xf32, #tpu.memory_space<vmem_shared>> -> memref<10112x128xf32, #tpu.memory_space<vmem_shared>>
        tpu.wait_indirect_dma semaphore(%run_scoped3A_191 : memref<!tpu.dma_semaphore, #tpu.memory_space<semaphore_mem>>) src(%dma_wait3A_205 : memref<125x128xf32, #tpu.memory_space<vmem>>) dst(%dma_wait3A_211 : memref<10112x128xf32, #tpu.memory_space<vmem_shared>>)
        tpu.yield
      }) : () -> ()
      %scan3A_190 = arith.constant 0 : i32
      scf.yield %scan3A_190 : i32
    }
    %scan3A_33 = arith.constant 19 : i32
    %dma_wait3A = arith.constant 38 : i32
    %dma_wait3A_34 = arith.constant 0 : i32
    %dma_wait3A_35 = arith.constant 0 : i32
    %dma_wait3A_36 = arith.constant 0 : i32
    %dma_wait3A_37 = tpu.memref_slice %arg8[%dma_wait3A_34, %dma_wait3A_35, %dma_wait3A_36] : memref<2x125x128xf32, #tpu.memory_space<vmem>> -> memref<1x125x128xf32, #tpu.memory_space<vmem>>
    %dma_wait3A_38 = tpu.memref_squeeze %dma_wait3A_37 : memref<1x125x128xf32, #tpu.memory_space<vmem>> -> memref<125x128xf32, #tpu.memory_space<vmem>>
    %dma_wait3A_39 = arith.constant 0 : i32
    %dma_wait3A_40 = tpu.memref_slice %arg6[%dma_wait3A, %dma_wait3A_39] : memref<40x125xi32, #tpu.memory_space<vmem>> -> memref<1x125xi32, #tpu.memory_space<vmem>>
    %dma_wait3A_41 = tpu.memref_squeeze %dma_wait3A_40 : memref<1x125xi32, #tpu.memory_space<vmem>> -> memref<125xi32, #tpu.memory_space<vmem>>
    %dma_wait3A_42 = arith.constant 0 : i32
    %dma_wait3A_43 = arith.constant 0 : i32
    %dma_wait3A_44 = tpu.memref_slice %arg2[%dma_wait3A_42, %dma_wait3A_43] : memref<10000x128xf32, #tpu.memory_space<hbm>> -> memref<10000x128xf32, #tpu.memory_space<hbm>>
    tpu.wait_indirect_dma semaphore(%arg10 : memref<!tpu.dma_semaphore, #tpu.memory_space<semaphore_mem>>) src(%dma_wait3A_44 : memref<10000x128xf32, #tpu.memory_space<hbm>>) dst(%dma_wait3A_38 : memref<125x128xf32, #tpu.memory_space<vmem>>)
    %dma_start3A_45 = arith.constant 39 : i32
    %dma_start3A_46 = arith.constant 1 : i32
    %dma_start3A_47 = arith.constant 0 : i32
    %dma_start3A_48 = arith.constant 0 : i32
    %dma_start3A_49 = tpu.memref_slice %arg8[%dma_start3A_46, %dma_start3A_47, %dma_start3A_48] : memref<2x125x128xf32, #tpu.memory_space<vmem>> -> memref<1x125x128xf32, #tpu.memory_space<vmem>>
    %dma_start3A_50 = tpu.memref_squeeze %dma_start3A_49 : memref<1x125x128xf32, #tpu.memory_space<vmem>> -> memref<125x128xf32, #tpu.memory_space<vmem>>
    %dma_start3A_51 = arith.constant 0 : i32
    %dma_start3A_52 = tpu.memref_slice %arg6[%dma_start3A_45, %dma_start3A_51] : memref<40x125xi32, #tpu.memory_space<vmem>> -> memref<1x125xi32, #tpu.memory_space<vmem>>
    %dma_start3A_53 = tpu.memref_squeeze %dma_start3A_52 : memref<1x125xi32, #tpu.memory_space<vmem>> -> memref<125xi32, #tpu.memory_space<vmem>>
    %dma_start3A_54 = arith.constant 0 : i32
    %dma_start3A_55 = arith.constant 0 : i32
    %dma_start3A_56 = tpu.memref_slice %arg2[%dma_start3A_54, %dma_start3A_55] : memref<10000x128xf32, #tpu.memory_space<hbm>> -> memref<10000x128xf32, #tpu.memory_space<hbm>>
    tpu.enqueue_indirect_dma source(%dma_start3A_56 : memref<10000x128xf32, #tpu.memory_space<hbm>>) target(%dma_start3A_50 : memref<125x128xf32, #tpu.memory_space<vmem>>) offsets(%dma_start3A_53 : memref<125xi32, #tpu.memory_space<vmem>>) semaphore(%arg10 : memref<!tpu.dma_semaphore, #tpu.memory_space<semaphore_mem>>)
    %run_scoped3A = arith.constant 0 : i32
    %run_scoped3A_57 = arith.constant 38 : i32
    "tpu.region"() ({
      %run_scoped3A_132 = tpu.sem_alloc : memref<!tpu.dma_semaphore, #tpu.memory_space<semaphore_mem>>
      %dma_start3A_133 = arith.constant 0 : i32
      %dma_start3A_134 = arith.constant 0 : i32
      %dma_start3A_135 = tpu.memref_slice %arg8[%run_scoped3A, %dma_start3A_133, %dma_start3A_134] : memref<2x125x128xf32, #tpu.memory_space<vmem>> -> memref<1x125x128xf32, #tpu.memory_space<vmem>>
      %dma_start3A_136 = tpu.memref_squeeze %dma_start3A_135 : memref<1x125x128xf32, #tpu.memory_space<vmem>> -> memref<125x128xf32, #tpu.memory_space<vmem>>
      %dma_start3A_137 = arith.constant 0 : i32
      %dma_start3A_138 = tpu.memref_slice %arg7[%run_scoped3A_57, %dma_start3A_137] : memref<40x125xi32, #tpu.memory_space<vmem>> -> memref<1x125xi32, #tpu.memory_space<vmem>>
      %dma_start3A_139 = tpu.memref_squeeze %dma_start3A_138 : memref<1x125xi32, #tpu.memory_space<vmem>> -> memref<125xi32, #tpu.memory_space<vmem>>
      %dma_start3A_140 = arith.constant 0 : i32
      %dma_start3A_141 = arith.constant 0 : i32
      %dma_start3A_142 = tpu.memref_slice %arg9[%dma_start3A_140, %dma_start3A_141] : memref<10112x128xf32, #tpu.memory_space<vmem_shared>> -> memref<10112x128xf32, #tpu.memory_space<vmem_shared>>
      tpu.enqueue_indirect_dma source(%dma_start3A_136 : memref<125x128xf32, #tpu.memory_space<vmem>>) target(%dma_start3A_142 : memref<10112x128xf32, #tpu.memory_space<vmem_shared>>) offsets(%dma_start3A_139 : memref<125xi32, #tpu.memory_space<vmem>>) semaphore(%run_scoped3A_132 : memref<!tpu.dma_semaphore, #tpu.memory_space<semaphore_mem>>) {add = true}
      %dma_wait3A_143 = arith.constant 0 : i32
      %dma_wait3A_144 = arith.constant 0 : i32
      %dma_wait3A_145 = tpu.memref_slice %arg8[%run_scoped3A, %dma_wait3A_143, %dma_wait3A_144] : memref<2x125x128xf32, #tpu.memory_space<vmem>> -> memref<1x125x128xf32, #tpu.memory_space<vmem>>
      %dma_wait3A_146 = tpu.memref_squeeze %dma_wait3A_145 : memref<1x125x128xf32, #tpu.memory_space<vmem>> -> memref<125x128xf32, #tpu.memory_space<vmem>>
      %dma_wait3A_147 = arith.constant 0 : i32
      %dma_wait3A_148 = tpu.memref_slice %arg7[%run_scoped3A_57, %dma_wait3A_147] : memref<40x125xi32, #tpu.memory_space<vmem>> -> memref<1x125xi32, #tpu.memory_space<vmem>>
      %dma_wait3A_149 = tpu.memref_squeeze %dma_wait3A_148 : memref<1x125xi32, #tpu.memory_space<vmem>> -> memref<125xi32, #tpu.memory_space<vmem>>
      %dma_wait3A_150 = arith.constant 0 : i32
      %dma_wait3A_151 = arith.constant 0 : i32
      %dma_wait3A_152 = tpu.memref_slice %arg9[%dma_wait3A_150, %dma_wait3A_151] : memref<10112x128xf32, #tpu.memory_space<vmem_shared>> -> memref<10112x128xf32, #tpu.memory_space<vmem_shared>>
      tpu.wait_indirect_dma semaphore(%run_scoped3A_132 : memref<!tpu.dma_semaphore, #tpu.memory_space<semaphore_mem>>) src(%dma_wait3A_146 : memref<125x128xf32, #tpu.memory_space<vmem>>) dst(%dma_wait3A_152 : memref<10112x128xf32, #tpu.memory_space<vmem_shared>>)
      tpu.yield
    }) : () -> ()
    %dma_wait3A_58 = arith.constant 39 : i32
    %dma_wait3A_59 = arith.constant 1 : i32
    %dma_wait3A_60 = arith.constant 0 : i32
    %dma_wait3A_61 = arith.constant 0 : i32
    %dma_wait3A_62 = tpu.memref_slice %arg8[%dma_wait3A_59, %dma_wait3A_60, %dma_wait3A_61] : memref<2x125x128xf32, #tpu.memory_space<vmem>> -> memref<1x125x128xf32, #tpu.memory_space<vmem>>
    %dma_wait3A_63 = tpu.memref_squeeze %dma_wait3A_62 : memref<1x125x128xf32, #tpu.memory_space<vmem>> -> memref<125x128xf32, #tpu.memory_space<vmem>>
    %dma_wait3A_64 = arith.constant 0 : i32
    %dma_wait3A_65 = tpu.memref_slice %arg6[%dma_wait3A_58, %dma_wait3A_64] : memref<40x125xi32, #tpu.memory_space<vmem>> -> memref<1x125xi32, #tpu.memory_space<vmem>>
    %dma_wait3A_66 = tpu.memref_squeeze %dma_wait3A_65 : memref<1x125xi32, #tpu.memory_space<vmem>> -> memref<125xi32, #tpu.memory_space<vmem>>
    %dma_wait3A_67 = arith.constant 0 : i32
    %dma_wait3A_68 = arith.constant 0 : i32
    %dma_wait3A_69 = tpu.memref_slice %arg2[%dma_wait3A_67, %dma_wait3A_68] : memref<10000x128xf32, #tpu.memory_space<hbm>> -> memref<10000x128xf32, #tpu.memory_space<hbm>>
    tpu.wait_indirect_dma semaphore(%arg10 : memref<!tpu.dma_semaphore, #tpu.memory_space<semaphore_mem>>) src(%dma_wait3A_69 : memref<10000x128xf32, #tpu.memory_space<hbm>>) dst(%dma_wait3A_63 : memref<125x128xf32, #tpu.memory_space<vmem>>)
    %run_scoped3A_70 = arith.constant 1 : i32
    %run_scoped3A_71 = arith.constant 39 : i32
    "tpu.region"() ({
      %run_scoped3A_132 = tpu.sem_alloc : memref<!tpu.dma_semaphore, #tpu.memory_space<semaphore_mem>>
      %dma_start3A_133 = arith.constant 0 : i32
      %dma_start3A_134 = arith.constant 0 : i32
      %dma_start3A_135 = tpu.memref_slice %arg8[%run_scoped3A_70, %dma_start3A_133, %dma_start3A_134] : memref<2x125x128xf32, #tpu.memory_space<vmem>> -> memref<1x125x128xf32, #tpu.memory_space<vmem>>
      %dma_start3A_136 = tpu.memref_squeeze %dma_start3A_135 : memref<1x125x128xf32, #tpu.memory_space<vmem>> -> memref<125x128xf32, #tpu.memory_space<vmem>>
      %dma_start3A_137 = arith.constant 0 : i32
      %dma_start3A_138 = tpu.memref_slice %arg7[%run_scoped3A_71, %dma_start3A_137] : memref<40x125xi32, #tpu.memory_space<vmem>> -> memref<1x125xi32, #tpu.memory_space<vmem>>
      %dma_start3A_139 = tpu.memref_squeeze %dma_start3A_138 : memref<1x125xi32, #tpu.memory_space<vmem>> -> memref<125xi32, #tpu.memory_space<vmem>>
      %dma_start3A_140 = arith.constant 0 : i32
      %dma_start3A_141 = arith.constant 0 : i32
      %dma_start3A_142 = tpu.memref_slice %arg9[%dma_start3A_140, %dma_start3A_141] : memref<10112x128xf32, #tpu.memory_space<vmem_shared>> -> memref<10112x128xf32, #tpu.memory_space<vmem_shared>>
      tpu.enqueue_indirect_dma source(%dma_start3A_136 : memref<125x128xf32, #tpu.memory_space<vmem>>) target(%dma_start3A_142 : memref<10112x128xf32, #tpu.memory_space<vmem_shared>>) offsets(%dma_start3A_139 : memref<125xi32, #tpu.memory_space<vmem>>) semaphore(%run_scoped3A_132 : memref<!tpu.dma_semaphore, #tpu.memory_space<semaphore_mem>>) {add = true}
      %dma_wait3A_143 = arith.constant 0 : i32
      %dma_wait3A_144 = arith.constant 0 : i32
      %dma_wait3A_145 = tpu.memref_slice %arg8[%run_scoped3A_70, %dma_wait3A_143, %dma_wait3A_144] : memref<2x125x128xf32, #tpu.memory_space<vmem>> -> memref<1x125x128xf32, #tpu.memory_space<vmem>>
      %dma_wait3A_146 = tpu.memref_squeeze %dma_wait3A_145 : memref<1x125x128xf32, #tpu.memory_space<vmem>> -> memref<125x128xf32, #tpu.memory_space<vmem>>
      %dma_wait3A_147 = arith.constant 0 : i32
      %dma_wait3A_148 = tpu.memref_slice %arg7[%run_scoped3A_71, %dma_wait3A_147] : memref<40x125xi32, #tpu.memory_space<vmem>> -> memref<1x125xi32, #tpu.memory_space<vmem>>
      %dma_wait3A_149 = tpu.memref_squeeze %dma_wait3A_148 : memref<1x125xi32, #tpu.memory_space<vmem>> -> memref<125xi32, #tpu.memory_space<vmem>>
      %dma_wait3A_150 = arith.constant 0 : i32
      %dma_wait3A_151 = arith.constant 0 : i32
      %dma_wait3A_152 = tpu.memref_slice %arg9[%dma_wait3A_150, %dma_wait3A_151] : memref<10112x128xf32, #tpu.memory_space<vmem_shared>> -> memref<10112x128xf32, #tpu.memory_space<vmem_shared>>
      tpu.wait_indirect_dma semaphore(%run_scoped3A_132 : memref<!tpu.dma_semaphore, #tpu.memory_space<semaphore_mem>>) src(%dma_wait3A_146 : memref<125x128xf32, #tpu.memory_space<vmem>>) dst(%dma_wait3A_152 : memref<10112x128xf32, #tpu.memory_space<vmem_shared>>)
      tpu.yield
    }) : () -> ()
    "tpu.region"() ({
      %run_scoped3A_132 = tpu.sem_alloc : memref<!tpu.dma_semaphore, #tpu.memory_space<semaphore_mem>>
      %dma_start3A_133 = arith.constant 40 : i32
      %dma_start3A_134 = arith.constant 0 : i32
      %dma_start3A_135 = tpu.memref_slice %arg3[%add3A, %dma_start3A_133, %dma_start3A_134] : memref<32x80x125xi32, #tpu.memory_space<hbm>> -> memref<1x40x125xi32, #tpu.memory_space<hbm>>
      %dma_start3A_136 = tpu.memref_squeeze %dma_start3A_135 : memref<1x40x125xi32, #tpu.memory_space<hbm>> -> memref<40x125xi32, #tpu.memory_space<hbm>>
      %dma_start3A_137 = arith.constant 40 : i32
      %dma_start3A_138 = arith.constant 0 : i32
      %dma_start3A_139 = tpu.memref_slice %arg3[%add3A, %dma_start3A_137, %dma_start3A_138] : memref<32x80x125xi32, #tpu.memory_space<hbm>> -> memref<1x40x125xi32, #tpu.memory_space<hbm>>
      %dma_start3A_140 = tpu.memref_squeeze %dma_start3A_139 : memref<1x40x125xi32, #tpu.memory_space<hbm>> -> memref<40x125xi32, #tpu.memory_space<hbm>>
      tpu.enqueue_dma source(%dma_start3A_140 : memref<40x125xi32, #tpu.memory_space<hbm>>) target(%arg6 : memref<40x125xi32, #tpu.memory_space<vmem>>) target_semaphore(%run_scoped3A_132 : memref<!tpu.dma_semaphore, #tpu.memory_space<semaphore_mem>>)
      %dma_wait3A_141 = arith.constant 40 : i32
      %dma_wait3A_142 = arith.constant 0 : i32
      %dma_wait3A_143 = tpu.memref_slice %arg3[%add3A, %dma_wait3A_141, %dma_wait3A_142] : memref<32x80x125xi32, #tpu.memory_space<hbm>> -> memref<1x40x125xi32, #tpu.memory_space<hbm>>
      %dma_wait3A_144 = tpu.memref_squeeze %dma_wait3A_143 : memref<1x40x125xi32, #tpu.memory_space<hbm>> -> memref<40x125xi32, #tpu.memory_space<hbm>>
      %dma_wait3A_145 = arith.constant 40 : i32
      %dma_wait3A_146 = arith.constant 0 : i32
      %dma_wait3A_147 = tpu.memref_slice %arg3[%add3A, %dma_wait3A_145, %dma_wait3A_146] : memref<32x80x125xi32, #tpu.memory_space<hbm>> -> memref<1x40x125xi32, #tpu.memory_space<hbm>>
      %dma_wait3A_148 = tpu.memref_squeeze %dma_wait3A_147 : memref<1x40x125xi32, #tpu.memory_space<hbm>> -> memref<40x125xi32, #tpu.memory_space<hbm>>
      tpu.wait_dma2 semaphore(%run_scoped3A_132 : memref<!tpu.dma_semaphore, #tpu.memory_space<semaphore_mem>>) src(%dma_wait3A_148 : memref<40x125xi32, #tpu.memory_space<hbm>>) dst(%arg6 : memref<40x125xi32, #tpu.memory_space<vmem>>)
      tpu.yield
    }) : () -> ()
    "tpu.region"() ({
      %run_scoped3A_132 = tpu.sem_alloc : memref<!tpu.dma_semaphore, #tpu.memory_space<semaphore_mem>>
      %dma_start3A_133 = arith.constant 40 : i32
      %dma_start3A_134 = arith.constant 0 : i32
      %dma_start3A_135 = tpu.memref_slice %arg4[%add3A, %dma_start3A_133, %dma_start3A_134] : memref<32x80x125xi32, #tpu.memory_space<hbm>> -> memref<1x40x125xi32, #tpu.memory_space<hbm>>
      %dma_start3A_136 = tpu.memref_squeeze %dma_start3A_135 : memref<1x40x125xi32, #tpu.memory_space<hbm>> -> memref<40x125xi32, #tpu.memory_space<hbm>>
      %dma_start3A_137 = arith.constant 40 : i32
      %dma_start3A_138 = arith.constant 0 : i32
      %dma_start3A_139 = tpu.memref_slice %arg4[%add3A, %dma_start3A_137, %dma_start3A_138] : memref<32x80x125xi32, #tpu.memory_space<hbm>> -> memref<1x40x125xi32, #tpu.memory_space<hbm>>
      %dma_start3A_140 = tpu.memref_squeeze %dma_start3A_139 : memref<1x40x125xi32, #tpu.memory_space<hbm>> -> memref<40x125xi32, #tpu.memory_space<hbm>>
      tpu.enqueue_dma source(%dma_start3A_140 : memref<40x125xi32, #tpu.memory_space<hbm>>) target(%arg7 : memref<40x125xi32, #tpu.memory_space<vmem>>) target_semaphore(%run_scoped3A_132 : memref<!tpu.dma_semaphore, #tpu.memory_space<semaphore_mem>>)
      %dma_wait3A_141 = arith.constant 40 : i32
      %dma_wait3A_142 = arith.constant 0 : i32
      %dma_wait3A_143 = tpu.memref_slice %arg4[%add3A, %dma_wait3A_141, %dma_wait3A_142] : memref<32x80x125xi32, #tpu.memory_space<hbm>> -> memref<1x40x125xi32, #tpu.memory_space<hbm>>
      %dma_wait3A_144 = tpu.memref_squeeze %dma_wait3A_143 : memref<1x40x125xi32, #tpu.memory_space<hbm>> -> memref<40x125xi32, #tpu.memory_space<hbm>>
      %dma_wait3A_145 = arith.constant 40 : i32
      %dma_wait3A_146 = arith.constant 0 : i32
      %dma_wait3A_147 = tpu.memref_slice %arg4[%add3A, %dma_wait3A_145, %dma_wait3A_146] : memref<32x80x125xi32, #tpu.memory_space<hbm>> -> memref<1x40x125xi32, #tpu.memory_space<hbm>>
      %dma_wait3A_148 = tpu.memref_squeeze %dma_wait3A_147 : memref<1x40x125xi32, #tpu.memory_space<hbm>> -> memref<40x125xi32, #tpu.memory_space<hbm>>
      tpu.wait_dma2 semaphore(%run_scoped3A_132 : memref<!tpu.dma_semaphore, #tpu.memory_space<semaphore_mem>>) src(%dma_wait3A_148 : memref<40x125xi32, #tpu.memory_space<hbm>>) dst(%arg7 : memref<40x125xi32, #tpu.memory_space<vmem>>)
      tpu.yield
    }) : () -> ()
    %dma_start3A_72 = arith.constant 0 : i32
    %dma_start3A_73 = arith.constant 0 : i32
    %dma_start3A_74 = arith.constant 0 : i32
    %dma_start3A_75 = arith.constant 0 : i32
    %dma_start3A_76 = tpu.memref_slice %arg8[%dma_start3A_73, %dma_start3A_74, %dma_start3A_75] : memref<2x125x128xf32, #tpu.memory_space<vmem>> -> memref<1x125x128xf32, #tpu.memory_space<vmem>>
    %dma_start3A_77 = tpu.memref_squeeze %dma_start3A_76 : memref<1x125x128xf32, #tpu.memory_space<vmem>> -> memref<125x128xf32, #tpu.memory_space<vmem>>
    %dma_start3A_78 = arith.constant 0 : i32
    %dma_start3A_79 = tpu.memref_slice %arg6[%dma_start3A_72, %dma_start3A_78] : memref<40x125xi32, #tpu.memory_space<vmem>> -> memref<1x125xi32, #tpu.memory_space<vmem>>
    %dma_start3A_80 = tpu.memref_squeeze %dma_start3A_79 : memref<1x125xi32, #tpu.memory_space<vmem>> -> memref<125xi32, #tpu.memory_space<vmem>>
    %dma_start3A_81 = arith.constant 0 : i32
    %dma_start3A_82 = arith.constant 0 : i32
    %dma_start3A_83 = tpu.memref_slice %arg2[%dma_start3A_81, %dma_start3A_82] : memref<10000x128xf32, #tpu.memory_space<hbm>> -> memref<10000x128xf32, #tpu.memory_space<hbm>>
    tpu.enqueue_indirect_dma source(%dma_start3A_83 : memref<10000x128xf32, #tpu.memory_space<hbm>>) target(%dma_start3A_77 : memref<125x128xf32, #tpu.memory_space<vmem>>) offsets(%dma_start3A_80 : memref<125xi32, #tpu.memory_space<vmem>>) semaphore(%arg10 : memref<!tpu.dma_semaphore, #tpu.memory_space<semaphore_mem>>)
    %scan3A_84 = arith.constant 0 : i32
    %scan3A_85 = arith.constant 0 : i32
    %scan3A_86 = arith.constant 19 : i32
    %scan3A_87 = arith.addi %scan3A_85, %scan3A_86 : i32
    %scan3A_88 = arith.constant 1 : i32
    %scan3A_89 = scf.for %scan3A_132 = %scan3A_85 to %scan3A_87 step %scan3A_88 iter_args(%scan3A_133 = %scan3A_84) -> (i32)  : i32 {
      %mul3A_134 = arith.constant 2 : i32
      %mul3A_135 = arith.muli %mul3A_134, %scan3A_132 : i32
      %dma_wait3A_136 = arith.constant 0 : i32
      %dma_wait3A_137 = arith.constant 0 : i32
      %dma_wait3A_138 = arith.constant 0 : i32
      %dma_wait3A_139 = tpu.memref_slice %arg8[%dma_wait3A_136, %dma_wait3A_137, %dma_wait3A_138] : memref<2x125x128xf32, #tpu.memory_space<vmem>> -> memref<1x125x128xf32, #tpu.memory_space<vmem>>
      %dma_wait3A_140 = tpu.memref_squeeze %dma_wait3A_139 : memref<1x125x128xf32, #tpu.memory_space<vmem>> -> memref<125x128xf32, #tpu.memory_space<vmem>>
      %dma_wait3A_141 = arith.constant 0 : i32
      %dma_wait3A_142 = tpu.memref_slice %arg6[%mul3A_135, %dma_wait3A_141] : memref<40x125xi32, #tpu.memory_space<vmem>> -> memref<1x125xi32, #tpu.memory_space<vmem>>
      %dma_wait3A_143 = tpu.memref_squeeze %dma_wait3A_142 : memref<1x125xi32, #tpu.memory_space<vmem>> -> memref<125xi32, #tpu.memory_space<vmem>>
      %dma_wait3A_144 = arith.constant 0 : i32
      %dma_wait3A_145 = arith.constant 0 : i32
      %dma_wait3A_146 = tpu.memref_slice %arg2[%dma_wait3A_144, %dma_wait3A_145] : memref<10000x128xf32, #tpu.memory_space<hbm>> -> memref<10000x128xf32, #tpu.memory_space<hbm>>
      tpu.wait_indirect_dma semaphore(%arg10 : memref<!tpu.dma_semaphore, #tpu.memory_space<semaphore_mem>>) src(%dma_wait3A_146 : memref<10000x128xf32, #tpu.memory_space<hbm>>) dst(%dma_wait3A_140 : memref<125x128xf32, #tpu.memory_space<vmem>>)
      %add3A_147 = arith.constant 1 : i32
      %add3A_148 = arith.addi %mul3A_135, %add3A_147 : i32
      %dma_start3A_149 = arith.constant 1 : i32
      %dma_start3A_150 = arith.constant 0 : i32
      %dma_start3A_151 = arith.constant 0 : i32
      %dma_start3A_152 = tpu.memref_slice %arg8[%dma_start3A_149, %dma_start3A_150, %dma_start3A_151] : memref<2x125x128xf32, #tpu.memory_space<vmem>> -> memref<1x125x128xf32, #tpu.memory_space<vmem>>
      %dma_start3A_153 = tpu.memref_squeeze %dma_start3A_152 : memref<1x125x128xf32, #tpu.memory_space<vmem>> -> memref<125x128xf32, #tpu.memory_space<vmem>>
      %dma_start3A_154 = arith.constant 0 : i32
      %dma_start3A_155 = tpu.memref_slice %arg6[%add3A_148, %dma_start3A_154] : memref<40x125xi32, #tpu.memory_space<vmem>> -> memref<1x125xi32, #tpu.memory_space<vmem>>
      %dma_start3A_156 = tpu.memref_squeeze %dma_start3A_155 : memref<1x125xi32, #tpu.memory_space<vmem>> -> memref<125xi32, #tpu.memory_space<vmem>>
      %dma_start3A_157 = arith.constant 0 : i32
      %dma_start3A_158 = arith.constant 0 : i32
      %dma_start3A_159 = tpu.memref_slice %arg2[%dma_start3A_157, %dma_start3A_158] : memref<10000x128xf32, #tpu.memory_space<hbm>> -> memref<10000x128xf32, #tpu.memory_space<hbm>>
      tpu.enqueue_indirect_dma source(%dma_start3A_159 : memref<10000x128xf32, #tpu.memory_space<hbm>>) target(%dma_start3A_153 : memref<125x128xf32, #tpu.memory_space<vmem>>) offsets(%dma_start3A_156 : memref<125xi32, #tpu.memory_space<vmem>>) semaphore(%arg10 : memref<!tpu.dma_semaphore, #tpu.memory_space<semaphore_mem>>)
      %run_scoped3A_160 = arith.constant 0 : i32
      "tpu.region"() ({
        %run_scoped3A_191 = tpu.sem_alloc : memref<!tpu.dma_semaphore, #tpu.memory_space<semaphore_mem>>
        %dma_start3A_192 = arith.constant 0 : i32
        %dma_start3A_193 = arith.constant 0 : i32
        %dma_start3A_194 = tpu.memref_slice %arg8[%run_scoped3A_160, %dma_start3A_192, %dma_start3A_193] : memref<2x125x128xf32, #tpu.memory_space<vmem>> -> memref<1x125x128xf32, #tpu.memory_space<vmem>>
        %dma_start3A_195 = tpu.memref_squeeze %dma_start3A_194 : memref<1x125x128xf32, #tpu.memory_space<vmem>> -> memref<125x128xf32, #tpu.memory_space<vmem>>
        %dma_start3A_196 = arith.constant 0 : i32
        %dma_start3A_197 = tpu.memref_slice %arg7[%mul3A_135, %dma_start3A_196] : memref<40x125xi32, #tpu.memory_space<vmem>> -> memref<1x125xi32, #tpu.memory_space<vmem>>
        %dma_start3A_198 = tpu.memref_squeeze %dma_start3A_197 : memref<1x125xi32, #tpu.memory_space<vmem>> -> memref<125xi32, #tpu.memory_space<vmem>>
        %dma_start3A_199 = arith.constant 0 : i32
        %dma_start3A_200 = arith.constant 0 : i32
        %dma_start3A_201 = tpu.memref_slice %arg9[%dma_start3A_199, %dma_start3A_200] : memref<10112x128xf32, #tpu.memory_space<vmem_shared>> -> memref<10112x128xf32, #tpu.memory_space<vmem_shared>>
        tpu.enqueue_indirect_dma source(%dma_start3A_195 : memref<125x128xf32, #tpu.memory_space<vmem>>) target(%dma_start3A_201 : memref<10112x128xf32, #tpu.memory_space<vmem_shared>>) offsets(%dma_start3A_198 : memref<125xi32, #tpu.memory_space<vmem>>) semaphore(%run_scoped3A_191 : memref<!tpu.dma_semaphore, #tpu.memory_space<semaphore_mem>>) {add = true}
        %dma_wait3A_202 = arith.constant 0 : i32
        %dma_wait3A_203 = arith.constant 0 : i32
        %dma_wait3A_204 = tpu.memref_slice %arg8[%run_scoped3A_160, %dma_wait3A_202, %dma_wait3A_203] : memref<2x125x128xf32, #tpu.memory_space<vmem>> -> memref<1x125x128xf32, #tpu.memory_space<vmem>>
        %dma_wait3A_205 = tpu.memref_squeeze %dma_wait3A_204 : memref<1x125x128xf32, #tpu.memory_space<vmem>> -> memref<125x128xf32, #tpu.memory_space<vmem>>
        %dma_wait3A_206 = arith.constant 0 : i32
        %dma_wait3A_207 = tpu.memref_slice %arg7[%mul3A_135, %dma_wait3A_206] : memref<40x125xi32, #tpu.memory_space<vmem>> -> memref<1x125xi32, #tpu.memory_space<vmem>>
        %dma_wait3A_208 = tpu.memref_squeeze %dma_wait3A_207 : memref<1x125xi32, #tpu.memory_space<vmem>> -> memref<125xi32, #tpu.memory_space<vmem>>
        %dma_wait3A_209 = arith.constant 0 : i32
        %dma_wait3A_210 = arith.constant 0 : i32
        %dma_wait3A_211 = tpu.memref_slice %arg9[%dma_wait3A_209, %dma_wait3A_210] : memref<10112x128xf32, #tpu.memory_space<vmem_shared>> -> memref<10112x128xf32, #tpu.memory_space<vmem_shared>>
        tpu.wait_indirect_dma semaphore(%run_scoped3A_191 : memref<!tpu.dma_semaphore, #tpu.memory_space<semaphore_mem>>) src(%dma_wait3A_205 : memref<125x128xf32, #tpu.memory_space<vmem>>) dst(%dma_wait3A_211 : memref<10112x128xf32, #tpu.memory_space<vmem_shared>>)
        tpu.yield
      }) : () -> ()
      %mul3A_161 = arith.constant 2 : i32
      %mul3A_162 = arith.muli %mul3A_161, %scan3A_132 : i32
      %add3A_163 = arith.constant 1 : i32
      %add3A_164 = arith.addi %mul3A_162, %add3A_163 : i32
      %dma_wait3A_165 = arith.constant 1 : i32
      %dma_wait3A_166 = arith.constant 0 : i32
      %dma_wait3A_167 = arith.constant 0 : i32
      %dma_wait3A_168 = tpu.memref_slice %arg8[%dma_wait3A_165, %dma_wait3A_166, %dma_wait3A_167] : memref<2x125x128xf32, #tpu.memory_space<vmem>> -> memref<1x125x128xf32, #tpu.memory_space<vmem>>
      %dma_wait3A_169 = tpu.memref_squeeze %dma_wait3A_168 : memref<1x125x128xf32, #tpu.memory_space<vmem>> -> memref<125x128xf32, #tpu.memory_space<vmem>>
      %dma_wait3A_170 = arith.constant 0 : i32
      %dma_wait3A_171 = tpu.memref_slice %arg6[%add3A_164, %dma_wait3A_170] : memref<40x125xi32, #tpu.memory_space<vmem>> -> memref<1x125xi32, #tpu.memory_space<vmem>>
      %dma_wait3A_172 = tpu.memref_squeeze %dma_wait3A_171 : memref<1x125xi32, #tpu.memory_space<vmem>> -> memref<125xi32, #tpu.memory_space<vmem>>
      %dma_wait3A_173 = arith.constant 0 : i32
      %dma_wait3A_174 = arith.constant 0 : i32
      %dma_wait3A_175 = tpu.memref_slice %arg2[%dma_wait3A_173, %dma_wait3A_174] : memref<10000x128xf32, #tpu.memory_space<hbm>> -> memref<10000x128xf32, #tpu.memory_space<hbm>>
      tpu.wait_indirect_dma semaphore(%arg10 : memref<!tpu.dma_semaphore, #tpu.memory_space<semaphore_mem>>) src(%dma_wait3A_175 : memref<10000x128xf32, #tpu.memory_space<hbm>>) dst(%dma_wait3A_169 : memref<125x128xf32, #tpu.memory_space<vmem>>)
      %add3A_176 = arith.constant 1 : i32
      %add3A_177 = arith.addi %add3A_164, %add3A_176 : i32
      %dma_start3A_178 = arith.constant 0 : i32
      %dma_start3A_179 = arith.constant 0 : i32
      %dma_start3A_180 = arith.constant 0 : i32
      %dma_start3A_181 = tpu.memref_slice %arg8[%dma_start3A_178, %dma_start3A_179, %dma_start3A_180] : memref<2x125x128xf32, #tpu.memory_space<vmem>> -> memref<1x125x128xf32, #tpu.memory_space<vmem>>
      %dma_start3A_182 = tpu.memref_squeeze %dma_start3A_181 : memref<1x125x128xf32, #tpu.memory_space<vmem>> -> memref<125x128xf32, #tpu.memory_space<vmem>>
      %dma_start3A_183 = arith.constant 0 : i32
      %dma_start3A_184 = tpu.memref_slice %arg6[%add3A_177, %dma_start3A_183] : memref<40x125xi32, #tpu.memory_space<vmem>> -> memref<1x125xi32, #tpu.memory_space<vmem>>
      %dma_start3A_185 = tpu.memref_squeeze %dma_start3A_184 : memref<1x125xi32, #tpu.memory_space<vmem>> -> memref<125xi32, #tpu.memory_space<vmem>>
      %dma_start3A_186 = arith.constant 0 : i32
      %dma_start3A_187 = arith.constant 0 : i32
      %dma_start3A_188 = tpu.memref_slice %arg2[%dma_start3A_186, %dma_start3A_187] : memref<10000x128xf32, #tpu.memory_space<hbm>> -> memref<10000x128xf32, #tpu.memory_space<hbm>>
      tpu.enqueue_indirect_dma source(%dma_start3A_188 : memref<10000x128xf32, #tpu.memory_space<hbm>>) target(%dma_start3A_182 : memref<125x128xf32, #tpu.memory_space<vmem>>) offsets(%dma_start3A_185 : memref<125xi32, #tpu.memory_space<vmem>>) semaphore(%arg10 : memref<!tpu.dma_semaphore, #tpu.memory_space<semaphore_mem>>)
      %run_scoped3A_189 = arith.constant 1 : i32
      "tpu.region"() ({
        %run_scoped3A_191 = tpu.sem_alloc : memref<!tpu.dma_semaphore, #tpu.memory_space<semaphore_mem>>
        %dma_start3A_192 = arith.constant 0 : i32
        %dma_start3A_193 = arith.constant 0 : i32
        %dma_start3A_194 = tpu.memref_slice %arg8[%run_scoped3A_189, %dma_start3A_192, %dma_start3A_193] : memref<2x125x128xf32, #tpu.memory_space<vmem>> -> memref<1x125x128xf32, #tpu.memory_space<vmem>>
        %dma_start3A_195 = tpu.memref_squeeze %dma_start3A_194 : memref<1x125x128xf32, #tpu.memory_space<vmem>> -> memref<125x128xf32, #tpu.memory_space<vmem>>
        %dma_start3A_196 = arith.constant 0 : i32
        %dma_start3A_197 = tpu.memref_slice %arg7[%add3A_164, %dma_start3A_196] : memref<40x125xi32, #tpu.memory_space<vmem>> -> memref<1x125xi32, #tpu.memory_space<vmem>>
        %dma_start3A_198 = tpu.memref_squeeze %dma_start3A_197 : memref<1x125xi32, #tpu.memory_space<vmem>> -> memref<125xi32, #tpu.memory_space<vmem>>
        %dma_start3A_199 = arith.constant 0 : i32
        %dma_start3A_200 = arith.constant 0 : i32
        %dma_start3A_201 = tpu.memref_slice %arg9[%dma_start3A_199, %dma_start3A_200] : memref<10112x128xf32, #tpu.memory_space<vmem_shared>> -> memref<10112x128xf32, #tpu.memory_space<vmem_shared>>
        tpu.enqueue_indirect_dma source(%dma_start3A_195 : memref<125x128xf32, #tpu.memory_space<vmem>>) target(%dma_start3A_201 : memref<10112x128xf32, #tpu.memory_space<vmem_shared>>) offsets(%dma_start3A_198 : memref<125xi32, #tpu.memory_space<vmem>>) semaphore(%run_scoped3A_191 : memref<!tpu.dma_semaphore, #tpu.memory_space<semaphore_mem>>) {add = true}
        %dma_wait3A_202 = arith.constant 0 : i32
        %dma_wait3A_203 = arith.constant 0 : i32
        %dma_wait3A_204 = tpu.memref_slice %arg8[%run_scoped3A_189, %dma_wait3A_202, %dma_wait3A_203] : memref<2x125x128xf32, #tpu.memory_space<vmem>> -> memref<1x125x128xf32, #tpu.memory_space<vmem>>
        %dma_wait3A_205 = tpu.memref_squeeze %dma_wait3A_204 : memref<1x125x128xf32, #tpu.memory_space<vmem>> -> memref<125x128xf32, #tpu.memory_space<vmem>>
        %dma_wait3A_206 = arith.constant 0 : i32
        %dma_wait3A_207 = tpu.memref_slice %arg7[%add3A_164, %dma_wait3A_206] : memref<40x125xi32, #tpu.memory_space<vmem>> -> memref<1x125xi32, #tpu.memory_space<vmem>>
        %dma_wait3A_208 = tpu.memref_squeeze %dma_wait3A_207 : memref<1x125xi32, #tpu.memory_space<vmem>> -> memref<125xi32, #tpu.memory_space<vmem>>
        %dma_wait3A_209 = arith.constant 0 : i32
        %dma_wait3A_210 = arith.constant 0 : i32
        %dma_wait3A_211 = tpu.memref_slice %arg9[%dma_wait3A_209, %dma_wait3A_210] : memref<10112x128xf32, #tpu.memory_space<vmem_shared>> -> memref<10112x128xf32, #tpu.memory_space<vmem_shared>>
        tpu.wait_indirect_dma semaphore(%run_scoped3A_191 : memref<!tpu.dma_semaphore, #tpu.memory_space<semaphore_mem>>) src(%dma_wait3A_205 : memref<125x128xf32, #tpu.memory_space<vmem>>) dst(%dma_wait3A_211 : memref<10112x128xf32, #tpu.memory_space<vmem_shared>>)
        tpu.yield
      }) : () -> ()
      %scan3A_190 = arith.constant 0 : i32
      scf.yield %scan3A_190 : i32
    }
    %scan3A_90 = arith.constant 19 : i32
    %dma_wait3A_91 = arith.constant 38 : i32
    %dma_wait3A_92 = arith.constant 0 : i32
    %dma_wait3A_93 = arith.constant 0 : i32
    %dma_wait3A_94 = arith.constant 0 : i32
    %dma_wait3A_95 = tpu.memref_slice %arg8[%dma_wait3A_92, %dma_wait3A_93, %dma_wait3A_94] : memref<2x125x128xf32, #tpu.memory_space<vmem>> -> memref<1x125x128xf32, #tpu.memory_space<vmem>>
    %dma_wait3A_96 = tpu.memref_squeeze %dma_wait3A_95 : memref<1x125x128xf32, #tpu.memory_space<vmem>> -> memref<125x128xf32, #tpu.memory_space<vmem>>
    %dma_wait3A_97 = arith.constant 0 : i32
    %dma_wait3A_98 = tpu.memref_slice %arg6[%dma_wait3A_91, %dma_wait3A_97] : memref<40x125xi32, #tpu.memory_space<vmem>> -> memref<1x125xi32, #tpu.memory_space<vmem>>
    %dma_wait3A_99 = tpu.memref_squeeze %dma_wait3A_98 : memref<1x125xi32, #tpu.memory_space<vmem>> -> memref<125xi32, #tpu.memory_space<vmem>>
    %dma_wait3A_100 = arith.constant 0 : i32
    %dma_wait3A_101 = arith.constant 0 : i32
    %dma_wait3A_102 = tpu.memref_slice %arg2[%dma_wait3A_100, %dma_wait3A_101] : memref<10000x128xf32, #tpu.memory_space<hbm>> -> memref<10000x128xf32, #tpu.memory_space<hbm>>
    tpu.wait_indirect_dma semaphore(%arg10 : memref<!tpu.dma_semaphore, #tpu.memory_space<semaphore_mem>>) src(%dma_wait3A_102 : memref<10000x128xf32, #tpu.memory_space<hbm>>) dst(%dma_wait3A_96 : memref<125x128xf32, #tpu.memory_space<vmem>>)
    %dma_start3A_103 = arith.constant 39 : i32
    %dma_start3A_104 = arith.constant 1 : i32
    %dma_start3A_105 = arith.constant 0 : i32
    %dma_start3A_106 = arith.constant 0 : i32
    %dma_start3A_107 = tpu.memref_slice %arg8[%dma_start3A_104, %dma_start3A_105, %dma_start3A_106] : memref<2x125x128xf32, #tpu.memory_space<vmem>> -> memref<1x125x128xf32, #tpu.memory_space<vmem>>
    %dma_start3A_108 = tpu.memref_squeeze %dma_start3A_107 : memref<1x125x128xf32, #tpu.memory_space<vmem>> -> memref<125x128xf32, #tpu.memory_space<vmem>>
    %dma_start3A_109 = arith.constant 0 : i32
    %dma_start3A_110 = tpu.memref_slice %arg6[%dma_start3A_103, %dma_start3A_109] : memref<40x125xi32, #tpu.memory_space<vmem>> -> memref<1x125xi32, #tpu.memory_space<vmem>>
    %dma_start3A_111 = tpu.memref_squeeze %dma_start3A_110 : memref<1x125xi32, #tpu.memory_space<vmem>> -> memref<125xi32, #tpu.memory_space<vmem>>
    %dma_start3A_112 = arith.constant 0 : i32
    %dma_start3A_113 = arith.constant 0 : i32
    %dma_start3A_114 = tpu.memref_slice %arg2[%dma_start3A_112, %dma_start3A_113] : memref<10000x128xf32, #tpu.memory_space<hbm>> -> memref<10000x128xf32, #tpu.memory_space<hbm>>
    tpu.enqueue_indirect_dma source(%dma_start3A_114 : memref<10000x128xf32, #tpu.memory_space<hbm>>) target(%dma_start3A_108 : memref<125x128xf32, #tpu.memory_space<vmem>>) offsets(%dma_start3A_111 : memref<125xi32, #tpu.memory_space<vmem>>) semaphore(%arg10 : memref<!tpu.dma_semaphore, #tpu.memory_space<semaphore_mem>>)
    %run_scoped3A_115 = arith.constant 0 : i32
    %run_scoped3A_116 = arith.constant 38 : i32
    "tpu.region"() ({
      %run_scoped3A_132 = tpu.sem_alloc : memref<!tpu.dma_semaphore, #tpu.memory_space<semaphore_mem>>
      %dma_start3A_133 = arith.constant 0 : i32
      %dma_start3A_134 = arith.constant 0 : i32
      %dma_start3A_135 = tpu.memref_slice %arg8[%run_scoped3A_115, %dma_start3A_133, %dma_start3A_134] : memref<2x125x128xf32, #tpu.memory_space<vmem>> -> memref<1x125x128xf32, #tpu.memory_space<vmem>>
      %dma_start3A_136 = tpu.memref_squeeze %dma_start3A_135 : memref<1x125x128xf32, #tpu.memory_space<vmem>> -> memref<125x128xf32, #tpu.memory_space<vmem>>
      %dma_start3A_137 = arith.constant 0 : i32
      %dma_start3A_138 = tpu.memref_slice %arg7[%run_scoped3A_116, %dma_start3A_137] : memref<40x125xi32, #tpu.memory_space<vmem>> -> memref<1x125xi32, #tpu.memory_space<vmem>>
      %dma_start3A_139 = tpu.memref_squeeze %dma_start3A_138 : memref<1x125xi32, #tpu.memory_space<vmem>> -> memref<125xi32, #tpu.memory_space<vmem>>
      %dma_start3A_140 = arith.constant 0 : i32
      %dma_start3A_141 = arith.constant 0 : i32
      %dma_start3A_142 = tpu.memref_slice %arg9[%dma_start3A_140, %dma_start3A_141] : memref<10112x128xf32, #tpu.memory_space<vmem_shared>> -> memref<10112x128xf32, #tpu.memory_space<vmem_shared>>
      tpu.enqueue_indirect_dma source(%dma_start3A_136 : memref<125x128xf32, #tpu.memory_space<vmem>>) target(%dma_start3A_142 : memref<10112x128xf32, #tpu.memory_space<vmem_shared>>) offsets(%dma_start3A_139 : memref<125xi32, #tpu.memory_space<vmem>>) semaphore(%run_scoped3A_132 : memref<!tpu.dma_semaphore, #tpu.memory_space<semaphore_mem>>) {add = true}
      %dma_wait3A_143 = arith.constant 0 : i32
      %dma_wait3A_144 = arith.constant 0 : i32
      %dma_wait3A_145 = tpu.memref_slice %arg8[%run_scoped3A_115, %dma_wait3A_143, %dma_wait3A_144] : memref<2x125x128xf32, #tpu.memory_space<vmem>> -> memref<1x125x128xf32, #tpu.memory_space<vmem>>
      %dma_wait3A_146 = tpu.memref_squeeze %dma_wait3A_145 : memref<1x125x128xf32, #tpu.memory_space<vmem>> -> memref<125x128xf32, #tpu.memory_space<vmem>>
      %dma_wait3A_147 = arith.constant 0 : i32
      %dma_wait3A_148 = tpu.memref_slice %arg7[%run_scoped3A_116, %dma_wait3A_147] : memref<40x125xi32, #tpu.memory_space<vmem>> -> memref<1x125xi32, #tpu.memory_space<vmem>>
      %dma_wait3A_149 = tpu.memref_squeeze %dma_wait3A_148 : memref<1x125xi32, #tpu.memory_space<vmem>> -> memref<125xi32, #tpu.memory_space<vmem>>
      %dma_wait3A_150 = arith.constant 0 : i32
      %dma_wait3A_151 = arith.constant 0 : i32
      %dma_wait3A_152 = tpu.memref_slice %arg9[%dma_wait3A_150, %dma_wait3A_151] : memref<10112x128xf32, #tpu.memory_space<vmem_shared>> -> memref<10112x128xf32, #tpu.memory_space<vmem_shared>>
      tpu.wait_indirect_dma semaphore(%run_scoped3A_132 : memref<!tpu.dma_semaphore, #tpu.memory_space<semaphore_mem>>) src(%dma_wait3A_146 : memref<125x128xf32, #tpu.memory_space<vmem>>) dst(%dma_wait3A_152 : memref<10112x128xf32, #tpu.memory_space<vmem_shared>>)
      tpu.yield
    }) : () -> ()
    %dma_wait3A_117 = arith.constant 39 : i32
    %dma_wait3A_118 = arith.constant 1 : i32
    %dma_wait3A_119 = arith.constant 0 : i32
    %dma_wait3A_120 = arith.constant 0 : i32
    %dma_wait3A_121 = tpu.memref_slice %arg8[%dma_wait3A_118, %dma_wait3A_119, %dma_wait3A_120] : memref<2x125x128xf32, #tpu.memory_space<vmem>> -> memref<1x125x128xf32, #tpu.memory_space<vmem>>
    %dma_wait3A_122 = tpu.memref_squeeze %dma_wait3A_121 : memref<1x125x128xf32, #tpu.memory_space<vmem>> -> memref<125x128xf32, #tpu.memory_space<vmem>>
    %dma_wait3A_123 = arith.constant 0 : i32
    %dma_wait3A_124 = tpu.memref_slice %arg6[%dma_wait3A_117, %dma_wait3A_123] : memref<40x125xi32, #tpu.memory_space<vmem>> -> memref<1x125xi32, #tpu.memory_space<vmem>>
    %dma_wait3A_125 = tpu.memref_squeeze %dma_wait3A_124 : memref<1x125xi32, #tpu.memory_space<vmem>> -> memref<125xi32, #tpu.memory_space<vmem>>
    %dma_wait3A_126 = arith.constant 0 : i32
    %dma_wait3A_127 = arith.constant 0 : i32
    %dma_wait3A_128 = tpu.memref_slice %arg2[%dma_wait3A_126, %dma_wait3A_127] : memref<10000x128xf32, #tpu.memory_space<hbm>> -> memref<10000x128xf32, #tpu.memory_space<hbm>>
    tpu.wait_indirect_dma semaphore(%arg10 : memref<!tpu.dma_semaphore, #tpu.memory_space<semaphore_mem>>) src(%dma_wait3A_128 : memref<10000x128xf32, #tpu.memory_space<hbm>>) dst(%dma_wait3A_122 : memref<125x128xf32, #tpu.memory_space<vmem>>)
    %run_scoped3A_129 = arith.constant 1 : i32
    %run_scoped3A_130 = arith.constant 39 : i32
    "tpu.region"() ({
      %run_scoped3A_132 = tpu.sem_alloc : memref<!tpu.dma_semaphore, #tpu.memory_space<semaphore_mem>>
      %dma_start3A_133 = arith.constant 0 : i32
      %dma_start3A_134 = arith.constant 0 : i32
      %dma_start3A_135 = tpu.memref_slice %arg8[%run_scoped3A_129, %dma_start3A_133, %dma_start3A_134] : memref<2x125x128xf32, #tpu.memory_space<vmem>> -> memref<1x125x128xf32, #tpu.memory_space<vmem>>
      %dma_start3A_136 = tpu.memref_squeeze %dma_start3A_135 : memref<1x125x128xf32, #tpu.memory_space<vmem>> -> memref<125x128xf32, #tpu.memory_space<vmem>>
      %dma_start3A_137 = arith.constant 0 : i32
      %dma_start3A_138 = tpu.memref_slice %arg7[%run_scoped3A_130, %dma_start3A_137] : memref<40x125xi32, #tpu.memory_space<vmem>> -> memref<1x125xi32, #tpu.memory_space<vmem>>
      %dma_start3A_139 = tpu.memref_squeeze %dma_start3A_138 : memref<1x125xi32, #tpu.memory_space<vmem>> -> memref<125xi32, #tpu.memory_space<vmem>>
      %dma_start3A_140 = arith.constant 0 : i32
      %dma_start3A_141 = arith.constant 0 : i32
      %dma_start3A_142 = tpu.memref_slice %arg9[%dma_start3A_140, %dma_start3A_141] : memref<10112x128xf32, #tpu.memory_space<vmem_shared>> -> memref<10112x128xf32, #tpu.memory_space<vmem_shared>>
      tpu.enqueue_indirect_dma source(%dma_start3A_136 : memref<125x128xf32, #tpu.memory_space<vmem>>) target(%dma_start3A_142 : memref<10112x128xf32, #tpu.memory_space<vmem_shared>>) offsets(%dma_start3A_139 : memref<125xi32, #tpu.memory_space<vmem>>) semaphore(%run_scoped3A_132 : memref<!tpu.dma_semaphore, #tpu.memory_space<semaphore_mem>>) {add = true}
      %dma_wait3A_143 = arith.constant 0 : i32
      %dma_wait3A_144 = arith.constant 0 : i32
      %dma_wait3A_145 = tpu.memref_slice %arg8[%run_scoped3A_129, %dma_wait3A_143, %dma_wait3A_144] : memref<2x125x128xf32, #tpu.memory_space<vmem>> -> memref<1x125x128xf32, #tpu.memory_space<vmem>>
      %dma_wait3A_146 = tpu.memref_squeeze %dma_wait3A_145 : memref<1x125x128xf32, #tpu.memory_space<vmem>> -> memref<125x128xf32, #tpu.memory_space<vmem>>
      %dma_wait3A_147 = arith.constant 0 : i32
      %dma_wait3A_148 = tpu.memref_slice %arg7[%run_scoped3A_130, %dma_wait3A_147] : memref<40x125xi32, #tpu.memory_space<vmem>> -> memref<1x125xi32, #tpu.memory_space<vmem>>
      %dma_wait3A_149 = tpu.memref_squeeze %dma_wait3A_148 : memref<1x125xi32, #tpu.memory_space<vmem>> -> memref<125xi32, #tpu.memory_space<vmem>>
      %dma_wait3A_150 = arith.constant 0 : i32
      %dma_wait3A_151 = arith.constant 0 : i32
      %dma_wait3A_152 = tpu.memref_slice %arg9[%dma_wait3A_150, %dma_wait3A_151] : memref<10112x128xf32, #tpu.memory_space<vmem_shared>> -> memref<10112x128xf32, #tpu.memory_space<vmem_shared>>
      tpu.wait_indirect_dma semaphore(%run_scoped3A_132 : memref<!tpu.dma_semaphore, #tpu.memory_space<semaphore_mem>>) src(%dma_wait3A_146 : memref<125x128xf32, #tpu.memory_space<vmem>>) dst(%dma_wait3A_152 : memref<10112x128xf32, #tpu.memory_space<vmem_shared>>)
      tpu.yield
    }) : () -> ()
    %barrier3A_131 = arith.constant 0 : index
    tpu.barrier barrier_id(%barrier3A_131)
    "tpu.region"() ({
      %run_scoped3A_132 = tpu.sem_alloc : memref<!tpu.dma_semaphore, #tpu.memory_space<semaphore_mem>>
      %dma_start3A_133 = arith.constant 0 : i32
      %dma_start3A_134 = tpu.memref_slice %arg5[%arg0, %mul3A_2, %dma_start3A_133] : memref<2x10112x128xf32, #tpu.memory_space<hbm>> -> memref<1x632x128xf32, #tpu.memory_space<hbm>>
      %dma_start3A_135 = tpu.memref_squeeze %dma_start3A_134 : memref<1x632x128xf32, #tpu.memory_space<hbm>> -> memref<632x128xf32, #tpu.memory_space<hbm>>
      %dma_start3A_136 = arith.constant 0 : i32
      %dma_start3A_137 = tpu.memref_slice %arg9[%mul3A_2, %dma_start3A_136] : memref<10112x128xf32, #tpu.memory_space<vmem_shared>> -> memref<632x128xf32, #tpu.memory_space<vmem_shared>>
      tpu.enqueue_dma source(%dma_start3A_137 : memref<632x128xf32, #tpu.memory_space<vmem_shared>>) target(%dma_start3A_135 : memref<632x128xf32, #tpu.memory_space<hbm>>) target_semaphore(%run_scoped3A_132 : memref<!tpu.dma_semaphore, #tpu.memory_space<semaphore_mem>>)
      %dma_wait3A_138 = arith.constant 0 : i32
      %dma_wait3A_139 = tpu.memref_slice %arg5[%arg0, %mul3A_2, %dma_wait3A_138] : memref<2x10112x128xf32, #tpu.memory_space<hbm>> -> memref<1x632x128xf32, #tpu.memory_space<hbm>>
      %dma_wait3A_140 = tpu.memref_squeeze %dma_wait3A_139 : memref<1x632x128xf32, #tpu.memory_space<hbm>> -> memref<632x128xf32, #tpu.memory_space<hbm>>
      %dma_wait3A_141 = arith.constant 0 : i32
      %dma_wait3A_142 = tpu.memref_slice %arg9[%mul3A_2, %dma_wait3A_141] : memref<10112x128xf32, #tpu.memory_space<vmem_shared>> -> memref<632x128xf32, #tpu.memory_space<vmem_shared>>
      tpu.wait_dma2 semaphore(%run_scoped3A_132 : memref<!tpu.dma_semaphore, #tpu.memory_space<semaphore_mem>>) src(%dma_wait3A_142 : memref<632x128xf32, #tpu.memory_space<vmem_shared>>) dst(%dma_wait3A_140 : memref<632x128xf32, #tpu.memory_space<hbm>>)
      tpu.yield
    }) : () -> ()
    return
  }
}

module attributes {stable_mosaic.version = 14 : i64} {
  func.func @_tc1_body(%arg0: i32, %arg1: memref<2x400x128xf32, #tpu.memory_space<vmem>>, %arg2: memref<2x400x1xf32, #tpu.memory_space<vmem>>, %arg3: memref<128x128xf32, #tpu.memory_space<vmem>>, %arg4: memref<1x128xf32, #tpu.memory_space<vmem>>, %arg5: memref<400x128xf32, #tpu.memory_space<vmem>>) attributes {dimension_semantics = [#tpu.dimension_semantics<arbitrary>], iteration_bounds = array<i64: 25>, scalar_prefetch = 0 : i64, scratch_operands = 0 : i64, tpu.core_type = #tpu.core_type<tc>, window_params = [{transform_indices = @transform_0, window_bounds = array<i64: 2, 400, 128>}, {transform_indices = @transform_1, window_bounds = array<i64: 2, 400, 1>}, {pipeline_mode = #tpu.pipeline_mode<synchronous>, transform_indices = @transform_2, window_bounds = array<i64: 128, 128>}, {pipeline_mode = #tpu.pipeline_mode<synchronous>, transform_indices = @transform_3, window_bounds = array<i64: 1, 128>}, {transform_indices = @transform_4, window_bounds = array<i64: 400, 128>}]} {
    %get3A = arith.constant 0 : index
    %get3A_0 = arith.constant 0 : index
    %get3A_1 = arith.constant 0 : index
    %get3A_2 = vector.load %arg1[%get3A, %get3A_0, %get3A_1] : memref<2x400x128xf32, #tpu.memory_space<vmem>>, vector<1x400x128xf32>
    %get3A_3 = vector.shape_cast %get3A_2 : vector<1x400x128xf32> to vector<400x128xf32>
    %get3A_4 = arith.constant 1 : index
    %get3A_5 = arith.constant 0 : index
    %get3A_6 = arith.constant 0 : index
    %get3A_7 = vector.load %arg1[%get3A_4, %get3A_5, %get3A_6] : memref<2x400x128xf32, #tpu.memory_space<vmem>>, vector<1x400x128xf32>
    %get3A_8 = vector.shape_cast %get3A_7 : vector<1x400x128xf32> to vector<400x128xf32>
    %add3A = arith.addf %get3A_3, %get3A_8 : vector<400x128xf32>
    %get3A_9 = arith.constant 0 : index
    %get3A_10 = arith.constant 0 : index
    %get3A_11 = arith.constant 0 : index
    %get3A_12 = vector.load %arg2[%get3A_9, %get3A_10, %get3A_11] : memref<2x400x1xf32, #tpu.memory_space<vmem>>, vector<1x400x1xf32>
    %get3A_13 = vector.shape_cast %get3A_12 : vector<1x400x1xf32> to vector<400x1xf32>
    %get3A_14 = arith.constant 1 : index
    %get3A_15 = arith.constant 0 : index
    %get3A_16 = arith.constant 0 : index
    %get3A_17 = vector.load %arg2[%get3A_14, %get3A_15, %get3A_16] : memref<2x400x1xf32, #tpu.memory_space<vmem>>, vector<1x400x1xf32>
    %get3A_18 = vector.shape_cast %get3A_17 : vector<1x400x1xf32> to vector<400x1xf32>
    %add3A_19 = arith.addf %get3A_13, %get3A_18 : vector<400x1xf32>
    %max3A = arith.constant 1.000000e+00 : f32
    %max3A_20 = vector.broadcast %max3A : f32 to vector<400x1xf32>
    %max3A_21 = arith.maximumf %add3A_19, %max3A_20 : vector<400x1xf32>
    %div3A = vector.broadcast %max3A_21 : vector<400x1xf32> to vector<400x128xf32>
    %div3A_22 = arith.divf %add3A, %div3A : vector<400x128xf32>
    %get3A_23 = arith.constant 0 : index
    %get3A_24 = arith.constant 0 : index
    %get3A_25 = vector.load %arg3[%get3A_23, %get3A_24] : memref<128x128xf32, #tpu.memory_space<vmem>>, vector<128x128xf32>
    %dot_general3A = arith.constant dense<0.000000e+00> : vector<400x128xf32>
    %dot_general3A_26 = tpu.matmul %div3A_22, %get3A_25, %dot_general3A {dimension_numbers = #tpu.dot_dimension_numbers<[1], [0], [0], [1], [0, 0, 1, 1], [], []>, transpose_lhs_hint = false} : vector<400x128xf32>, vector<128x128xf32>, vector<400x128xf32> -> vector<400x128xf32>
    %get3A_27 = arith.constant 0 : index
    %get3A_28 = arith.constant 0 : index
    %get3A_29 = vector.load %arg4[%get3A_27, %get3A_28] : memref<1x128xf32, #tpu.memory_space<vmem>>, vector<1x128xf32>
    %add3A_30 = vector.broadcast %get3A_29 : vector<1x128xf32> to vector<400x128xf32>
    %add3A_31 = arith.addf %dot_general3A_26, %add3A_30 : vector<400x128xf32>
    %max3A_32 = arith.constant 0.000000e+00 : f32
    %max3A_33 = vector.broadcast %max3A_32 : f32 to vector<400x128xf32>
    %max3A_34 = arith.maximumf %add3A_31, %max3A_33 : vector<400x128xf32>
    %swap3A = arith.constant 0 : index
    %swap3A_35 = arith.constant 0 : index
    %swap3A_36 = vector.load %arg5[%swap3A, %swap3A_35] : memref<400x128xf32, #tpu.memory_space<vmem>>, vector<400x128xf32>
    tpu.vector_store %arg5[%swap3A, %swap3A_35], %max3A_34 {strides = array<i32>} : memref<400x128xf32, #tpu.memory_space<vmem>>, vector<400x128xf32>,
    return
  }
  func.func @transform_0(%arg0: i32) -> (i32, i32, i32) {
    %c0_i32 = arith.constant 0 : i32
    %c0_i32_0 = arith.constant 0 : i32
    %c0_i32_1 = arith.constant 0 : i32
    return %c0_i32, %arg0, %c0_i32_0 : i32, i32, i32
  }
  func.func @transform_1(%arg0: i32) -> (i32, i32, i32) {
    %c0_i32 = arith.constant 0 : i32
    %c0_i32_0 = arith.constant 0 : i32
    %c0_i32_1 = arith.constant 0 : i32
    return %c0_i32, %arg0, %c0_i32_0 : i32, i32, i32
  }
  func.func @transform_2(%arg0: i32) -> (i32, i32) {
    %c0_i32 = arith.constant 0 : i32
    %c0_i32_0 = arith.constant 0 : i32
    %c0_i32_1 = arith.constant 0 : i32
    return %c0_i32, %c0_i32_0 : i32, i32
  }
  func.func @transform_3(%arg0: i32) -> (i32, i32) {
    %c0_i32 = arith.constant 0 : i32
    %c0_i32_0 = arith.constant 0 : i32
    %c0_i32_1 = arith.constant 0 : i32
    return %c0_i32, %c0_i32_0 : i32, i32
  }
  func.func @transform_4(%arg0: i32) -> (i32, i32) {
    %c0_i32 = arith.constant 0 : i32
    %c0_i32_0 = arith.constant 0 : i32
    return %arg0, %c0_i32 : i32, i32
  }
}

module attributes {stable_mosaic.version = 14 : i64} {
  func.func @_tc2_body(%arg0: i32, %arg1: memref<2x400x128xf32, #tpu.memory_space<vmem>>, %arg2: memref<2x400x1xf32, #tpu.memory_space<vmem>>, %arg3: memref<128x128xf32, #tpu.memory_space<vmem>>, %arg4: memref<1x128xf32, #tpu.memory_space<vmem>>, %arg5: memref<128x64xf32, #tpu.memory_space<vmem>>, %arg6: memref<1x64xf32, #tpu.memory_space<vmem>>, %arg7: memref<400x64xf32, #tpu.memory_space<vmem>>) attributes {dimension_semantics = [#tpu.dimension_semantics<arbitrary>], iteration_bounds = array<i64: 25>, scalar_prefetch = 0 : i64, scratch_operands = 0 : i64, tpu.core_type = #tpu.core_type<tc>, window_params = [{transform_indices = @transform_0, window_bounds = array<i64: 2, 400, 128>}, {transform_indices = @transform_1, window_bounds = array<i64: 2, 400, 1>}, {pipeline_mode = #tpu.pipeline_mode<synchronous>, transform_indices = @transform_2, window_bounds = array<i64: 128, 128>}, {pipeline_mode = #tpu.pipeline_mode<synchronous>, transform_indices = @transform_3, window_bounds = array<i64: 1, 128>}, {pipeline_mode = #tpu.pipeline_mode<synchronous>, transform_indices = @transform_4, window_bounds = array<i64: 128, 64>}, {pipeline_mode = #tpu.pipeline_mode<synchronous>, transform_indices = @transform_5, window_bounds = array<i64: 1, 64>}, {transform_indices = @transform_6, window_bounds = array<i64: 400, 64>}]} {
    %get3A = arith.constant 0 : index
    %get3A_0 = arith.constant 0 : index
    %get3A_1 = arith.constant 0 : index
    %get3A_2 = vector.load %arg1[%get3A, %get3A_0, %get3A_1] : memref<2x400x128xf32, #tpu.memory_space<vmem>>, vector<1x400x128xf32>
    %get3A_3 = vector.shape_cast %get3A_2 : vector<1x400x128xf32> to vector<400x128xf32>
    %get3A_4 = arith.constant 1 : index
    %get3A_5 = arith.constant 0 : index
    %get3A_6 = arith.constant 0 : index
    %get3A_7 = vector.load %arg1[%get3A_4, %get3A_5, %get3A_6] : memref<2x400x128xf32, #tpu.memory_space<vmem>>, vector<1x400x128xf32>
    %get3A_8 = vector.shape_cast %get3A_7 : vector<1x400x128xf32> to vector<400x128xf32>
    %add3A = arith.addf %get3A_3, %get3A_8 : vector<400x128xf32>
    %get3A_9 = arith.constant 0 : index
    %get3A_10 = arith.constant 0 : index
    %get3A_11 = arith.constant 0 : index
    %get3A_12 = vector.load %arg2[%get3A_9, %get3A_10, %get3A_11] : memref<2x400x1xf32, #tpu.memory_space<vmem>>, vector<1x400x1xf32>
    %get3A_13 = vector.shape_cast %get3A_12 : vector<1x400x1xf32> to vector<400x1xf32>
    %get3A_14 = arith.constant 1 : index
    %get3A_15 = arith.constant 0 : index
    %get3A_16 = arith.constant 0 : index
    %get3A_17 = vector.load %arg2[%get3A_14, %get3A_15, %get3A_16] : memref<2x400x1xf32, #tpu.memory_space<vmem>>, vector<1x400x1xf32>
    %get3A_18 = vector.shape_cast %get3A_17 : vector<1x400x1xf32> to vector<400x1xf32>
    %add3A_19 = arith.addf %get3A_13, %get3A_18 : vector<400x1xf32>
    %max3A = arith.constant 1.000000e+00 : f32
    %max3A_20 = vector.broadcast %max3A : f32 to vector<400x1xf32>
    %max3A_21 = arith.maximumf %add3A_19, %max3A_20 : vector<400x1xf32>
    %div3A = vector.broadcast %max3A_21 : vector<400x1xf32> to vector<400x128xf32>
    %div3A_22 = arith.divf %add3A, %div3A : vector<400x128xf32>
    %get3A_23 = arith.constant 0 : index
    %get3A_24 = arith.constant 0 : index
    %get3A_25 = vector.load %arg3[%get3A_23, %get3A_24] : memref<128x128xf32, #tpu.memory_space<vmem>>, vector<128x128xf32>
    %dot_general3A = arith.constant dense<0.000000e+00> : vector<400x128xf32>
    %dot_general3A_26 = tpu.matmul %div3A_22, %get3A_25, %dot_general3A {dimension_numbers = #tpu.dot_dimension_numbers<[1], [0], [0], [1], [0, 0, 1, 1], [], []>, transpose_lhs_hint = false} : vector<400x128xf32>, vector<128x128xf32>, vector<400x128xf32> -> vector<400x128xf32>
    %get3A_27 = arith.constant 0 : index
    %get3A_28 = arith.constant 0 : index
    %get3A_29 = vector.load %arg4[%get3A_27, %get3A_28] : memref<1x128xf32, #tpu.memory_space<vmem>>, vector<1x128xf32>
    %add3A_30 = vector.broadcast %get3A_29 : vector<1x128xf32> to vector<400x128xf32>
    %add3A_31 = arith.addf %dot_general3A_26, %add3A_30 : vector<400x128xf32>
    %max3A_32 = arith.constant 0.000000e+00 : f32
    %max3A_33 = vector.broadcast %max3A_32 : f32 to vector<400x128xf32>
    %max3A_34 = arith.maximumf %add3A_31, %max3A_33 : vector<400x128xf32>
    %get3A_35 = arith.constant 0 : index
    %get3A_36 = arith.constant 0 : index
    %get3A_37 = vector.load %arg5[%get3A_35, %get3A_36] : memref<128x64xf32, #tpu.memory_space<vmem>>, vector<128x64xf32>
    %dot_general3A_38 = arith.constant dense<0.000000e+00> : vector<400x64xf32>
    %dot_general3A_39 = tpu.matmul %max3A_34, %get3A_37, %dot_general3A_38 {dimension_numbers = #tpu.dot_dimension_numbers<[1], [0], [0], [1], [0, 0, 1, 1], [], []>, transpose_lhs_hint = false} : vector<400x128xf32>, vector<128x64xf32>, vector<400x64xf32> -> vector<400x64xf32>
    %get3A_40 = arith.constant 0 : index
    %get3A_41 = arith.constant 0 : index
    %get3A_42 = vector.load %arg6[%get3A_40, %get3A_41] : memref<1x64xf32, #tpu.memory_space<vmem>>, vector<1x64xf32>
    %add3A_43 = vector.broadcast %get3A_42 : vector<1x64xf32> to vector<400x64xf32>
    %add3A_44 = arith.addf %dot_general3A_39, %add3A_43 : vector<400x64xf32>
    %reduce_max3A = arith.constant dense<0xFF800000> : vector<400xf32>
    %reduce_max3A_45 = vector.multi_reduction <maximumf>, %add3A_44, %reduce_max3A [1] : vector<400x64xf32> to vector<400xf32>
    %broadcast_in_dim3A = vector.shape_cast %reduce_max3A_45 : vector<400xf32> to vector<400x1xf32>
    %sub3A = vector.broadcast %broadcast_in_dim3A : vector<400x1xf32> to vector<400x64xf32>
    %sub3A_46 = arith.subf %add3A_44, %sub3A : vector<400x64xf32>
    %exp3A = math.exp %sub3A_46 : vector<400x64xf32>
    %reduce_sum3A = arith.constant dense<0.000000e+00> : vector<400xf32>
    %reduce_sum3A_47 = vector.multi_reduction <add>, %exp3A, %reduce_sum3A [1] : vector<400x64xf32> to vector<400xf32>
    %broadcast_in_dim3A_48 = vector.shape_cast %reduce_sum3A_47 : vector<400xf32> to vector<400x1xf32>
    %div3A_49 = vector.broadcast %broadcast_in_dim3A_48 : vector<400x1xf32> to vector<400x64xf32>
    %div3A_50 = arith.divf %exp3A, %div3A_49 : vector<400x64xf32>
    %swap3A = arith.constant 0 : index
    %swap3A_51 = arith.constant 0 : index
    %swap3A_52 = vector.load %arg7[%swap3A, %swap3A_51] : memref<400x64xf32, #tpu.memory_space<vmem>>, vector<400x64xf32>
    tpu.vector_store %arg7[%swap3A, %swap3A_51], %div3A_50 {strides = array<i32>} : memref<400x64xf32, #tpu.memory_space<vmem>>, vector<400x64xf32>,
    return
  }
  func.func @transform_0(%arg0: i32) -> (i32, i32, i32) {
    %c0_i32 = arith.constant 0 : i32
    %c0_i32_0 = arith.constant 0 : i32
    %c0_i32_1 = arith.constant 0 : i32
    return %c0_i32, %arg0, %c0_i32_0 : i32, i32, i32
  }
  func.func @transform_1(%arg0: i32) -> (i32, i32, i32) {
    %c0_i32 = arith.constant 0 : i32
    %c0_i32_0 = arith.constant 0 : i32
    %c0_i32_1 = arith.constant 0 : i32
    return %c0_i32, %arg0, %c0_i32_0 : i32, i32, i32
  }
  func.func @transform_2(%arg0: i32) -> (i32, i32) {
    %c0_i32 = arith.constant 0 : i32
    %c0_i32_0 = arith.constant 0 : i32
    %c0_i32_1 = arith.constant 0 : i32
    return %c0_i32, %c0_i32_0 : i32, i32
  }
  func.func @transform_3(%arg0: i32) -> (i32, i32) {
    %c0_i32 = arith.constant 0 : i32
    %c0_i32_0 = arith.constant 0 : i32
    %c0_i32_1 = arith.constant 0 : i32
    return %c0_i32, %c0_i32_0 : i32, i32
  }
  func.func @transform_4(%arg0: i32) -> (i32, i32) {
    %c0_i32 = arith.constant 0 : i32
    %c0_i32_0 = arith.constant 0 : i32
    %c0_i32_1 = arith.constant 0 : i32
    return %c0_i32, %c0_i32_0 : i32, i32
  }
  func.func @transform_5(%arg0: i32) -> (i32, i32) {
    %c0_i32 = arith.constant 0 : i32
    %c0_i32_0 = arith.constant 0 : i32
    %c0_i32_1 = arith.constant 0 : i32
    return %c0_i32, %c0_i32_0 : i32, i32
  }
  func.func @transform_6(%arg0: i32) -> (i32, i32) {
    %c0_i32 = arith.constant 0 : i32
    %c0_i32_0 = arith.constant 0 : i32
    return %arg0, %c0_i32 : i32, i32
  }
}

</mosaic_0001>

<sc_bundles>
// kernel: kernel.6.cloned.1.call-start
scs
__scs_entry_jumppad:
0x0: {  	(pc) =	sbr.rel $0x88, $3  }
0x1: {  	(tag) =	ssettag $0x0;
	lr =	simm.s32 $0x1  }
0x2: {  	[smem:$0x3F99] =	sst lr;
	_ =	strace $0xD0000000  }
0x3: {  	_ = 	snop  }
0x4: {  	_ = 	snop  }
0x5: {  	_ = 	snop  }
0x6: {  	_ = 	snop  }
0x7: {  	_ = 	snop  }
__scs_overlays_trampoline_lowered:
0x8: {  	[smem:$0x3FA8] =	sst s0  }
0x9: {  	[smem:$0x3FA9] =	sst s1  }
0xa: {  	[smem:$0x3FAA] =	sst s2  }
0xb: {  	[smem:$0x3FAB] =	sst s3  }
0xc: {  	[smem:$0x3FAC] =	sst s4  }
0xd: {  	[smem:$0x3FAD] =	sst s5  }
0xe: {  	[smem:$0x3FAE] =	sst s6  }
0xf: {  	[smem:$0x3FAF] =	sst s7  }
0x10: {  	[smem:$0x3FB0] =	sst s8  }
0x11: {  	[smem:$0x3FB1] =	sst s9;
	s0 =	simm.s32 @!p0 $0x0  }
0x12: {  	s1 =	sld [smem:$0x3F97];
	s0 =	simm.s32 @p0 $0x1  }
0x13: {  	[smem:$0x3FB2] =	sst s0;
	s0 =	simm.s32 @!p1 $0x0  }
0x14: {  	s2 =	sld [smem:$0x3F96];
	s0 =	simm.s32 @p1 $0x1  }
0x15: {  	[smem:$0x3FB3] =	sst s0;
	s0 =	simm.s32 @!p2 $0x0  }
0x16: {  	s3 =	sld [smem:$0x3FDB];
	s0 =	simm.s32 @p2 $0x1  }
0x17: {  	s4 =	simm.s32 $0x1BF5;
	[smem:$0x3FB5] =	sst s0  }
0x18: {  	s0 =	sld [smem:$0x3F98];
	_ =	swait.ge [sflag:s4], $0x0  }
0x19: {  	s7 =	sld [smem:$0x3F99]  }
0x1a: {  	s8 =	sadd.s32 $0xFFFFE003, lr  }
0x1b: {  	s9 =	sadd.s32 $0xFFFFFEF7, lr;
	s5 =	simm.s32 $0xFFFFFFFF;
	p2 =	slt.u32 s8, $0xFFFFF086  }
0x1c: {  	p1 =	slt.u32 s9, $0xF7A;
	s5 =	simm.s32 @!p2 $0x0  }
0x1d: {  	s5 =	simm.s32 @p1 $0x1;
	p0 =	seq.s32 s7, s2  }
0x1e: {  	s7 =	smul.u32 @!p0 $0xF7A, s2;
	p2 =	seq.s32 @!p0 s5, $0x0  }
0x1f: {  	s9 =	smul.u32 $0xF7A, s1;
	s8 =	simm.s32 @!p0 $0x1BF5;
	p2 =	por !p2, p0  }
0x20: {  	[sflag:s8] =	ssyncset.s32 @!p0 $0xFFFFF086;
	s6 =	sadd.s32 @!p0 s3, s7;
	s7 =	simm.s32 @!p0 $0x108  }
0x21: {  	s3 =	sadd.s32 s3, s9;
	s6 =	sadd.s32 @!p0 $0x88, s6;
	s7 =	simm.s32 @p2 $0x1082  }
0x22: {  	[simem:s7], [sflag:s8] =	dma.local @!p0 [hbm:s6], $0xF7A  }
0x23: {  	s9 =	sor.u32 $0xD0000000, s2;
	s6 =	simm.s32 $0x108;
	_ =	swait.ge @!p0 [sflag:s8], $0x0  }
0x24: {  	s3 =	sadd.s32 $0x88, s3;
	s6 =	simm.s32 @!p1 $0x1082;
	[sflag:s4] =	ssyncset.s32 $0xFFFFF086  }
0x25: {  	[simem:s6], [sflag:s4] =	dma.local [hbm:s3], $0xF7A  }
0x26: {  	[smem:$0x3F99] =	sst s1;
	(tag) =	ssettag s2;
	_ =	strace s9  }
0x27: {  	s1 =	sld [smem:$0x3FA9]  }
0x28: {  	s2 =	sld [smem:$0x3FAA]  }
0x29: {  	s4 =	sld [smem:$0x3FAC]  }
0x2a: {  	p0 =	seq.s32 s5, $0x0;
	s5 =	sld [smem:$0x3FAD]  }
0x2b: {  	s6 =	sld [smem:$0x3FAE]  }
0x2c: {  	s7 =	sld [smem:$0x3FAF]  }
0x2d: {  	s3 =	simm.s32 $0x108;
	s8 =	sld [smem:$0x3FB0]  }
0x2e: {  	s3 =	simm.s32 @!p0 $0x1082;
	s9 =	sld [smem:$0x3FB1]  }
0x2f: {  	lr =	sadd.s32 s0, s3;
	s0 =	sld [smem:$0x3FA8]  }
0x30: {  	s3 =	sld [smem:$0x3FAB]  }
0x31: {  	[smem:$0x3FB4] =	sst s10  }
0x32: {  	s10 =	sld [smem:$0x3FB2];
	_ =	sdelay $0x3  }
0x33: {  	p0 =	seq.s32 s10, $0x1;
	s10 =	sld [smem:$0x3FB4];
	_ =	sdelay $0x3  }
0x34: {  	[smem:$0x3FB4] =	sst s10  }
0x35: {  	s10 =	sld [smem:$0x3FB3];
	_ =	sdelay $0x3  }
0x36: {  	p1 =	seq.s32 s10, $0x1;
	s10 =	sld [smem:$0x3FB4];
	_ =	sdelay $0x3  }
0x37: {  	[smem:$0x3FB4] =	sst s10  }
0x38: {  	s10 =	sld [smem:$0x3FB5]  }
0x39: {  	_ = 	snop;
	(pc) =	sbr.ind lr, $3  }
0x3a: {  	_ = 	snop  }
0x3b: {  	_ = 	snop  }
0x3c: {  	p2 =	seq.s32 s10, $0x1;
	s10 =	sld [smem:$0x3FB4]  }
0x3d: {  	_ =	shalt  }
0x3e: {  	_ =	shalt  }
0x3f: {  	_ =	shalt  }
0x40: {  	_ =	shalt  }
0x41: {  	_ =	shalt  }
0x42: {  	_ =	shalt  }
0x43: {  	_ =	shalt  }
0x44: {  	_ =	shalt  }
0x45: {  	_ =	shalt  }
0x46: {  	_ =	shalt  }
0x47: {  	_ =	shalt  }
0x48: {  	_ =	shalt  }
0x49: {  	_ =	shalt  }
0x4a: {  	_ =	shalt  }
0x4b: {  	_ =	shalt  }
0x4c: {  	_ =	shalt  }
0x4d: {  	_ =	shalt  }
0x4e: {  	_ =	shalt  }
0x4f: {  	_ =	shalt  }
0x50: {  	_ =	shalt  }
0x51: {  	_ =	shalt  }
0x52: {  	_ =	shalt  }
0x53: {  	_ =	shalt  }
0x54: {  	_ =	shalt  }
0x55: {  	_ =	shalt  }
0x56: {  	_ =	shalt  }
0x57: {  	_ =	shalt  }
0x58: {  	_ =	shalt  }
0x59: {  	_ =	shalt  }
0x5a: {  	_ =	shalt  }
0x5b: {  	_ =	shalt  }
0x5c: {  	_ =	shalt  }
0x5d: {  	_ =	shalt  }
0x5e: {  	_ =	shalt  }
0x5f: {  	_ =	shalt  }
0x60: {  	_ =	shalt  }
0x61: {  	_ =	shalt  }
0x62: {  	_ =	shalt  }
0x63: {  	_ =	shalt  }
0x64: {  	_ =	shalt  }
0x65: {  	_ =	shalt  }
0x66: {  	_ =	shalt  }
0x67: {  	_ =	shalt  }
0x68: {  	_ =	shalt  }
0x69: {  	_ =	shalt  }
0x6a: {  	_ =	shalt  }
0x6b: {  	_ =	shalt  }
0x6c: {  	_ =	shalt  }
0x6d: {  	_ =	shalt  }
0x6e: {  	_ =	shalt  }
0x6f: {  	_ =	shalt  }
0x70: {  	_ =	shalt  }
0x71: {  	_ =	shalt  }
0x72: {  	_ =	shalt  }
0x73: {  	_ =	shalt  }
0x74: {  	_ =	shalt  }
0x75: {  	_ =	shalt  }
0x76: {  	_ =	shalt  }
0x77: {  	_ =	shalt  }
0x78: {  	_ =	shalt  }
0x79: {  	_ =	shalt  }
0x7a: {  	_ =	shalt  }
0x7b: {  	_ =	shalt  }
0x7c: {  	_ =	shalt  }
0x7d: {  	_ =	shalt  }
0x7e: {  	_ =	shalt  }
0x7f: {  	_ =	shalt  }
0x80: {  	_ =	shalt  }
0x81: {  	_ =	shalt  }
0x82: {  	_ =	shalt  }
0x83: {  	_ =	shalt  }
0x84: {  	_ =	shalt  }
0x85: {  	_ =	shalt  }
0x86: {  	_ =	shalt  }
0x87: {  	_ =	shalt  }
.Lfunc_end0:
.L_simem_size_0:
called_computation_lowered:
.L_overlay_start_0:
0x88: {  	s2 =	sld [smem:$0x3FD9]  }
0x89: {  	s3 =	sld [smem:$0x3FFE];
	_ =	sdelay $0x1  }
0x8a: {  	s1 =	srdreg.scid  }
0x8b: {  	s0 =	sand.u32 $0x1, s1  }
0x8c: {  	s17 =	sshll.u32 s0, $0xA;
	s2 =	sadd.s32 s3, s2  }
0x8d: {  	s2 =	sadd.s32 s2, s17  }
0x8e: {  	[smem:$0x3FC0] =	sst s2  }
0x8f: {  	_ = 	snop  }
0x90: {  	s2 =	sld [smem:$0x3FC9]  }
0x91: {  	s18 =	sld [smem:$0x3FD0];
	(tm) =	ssettm $0x1  }
0x92: {  	s4 =	sld [smem:$0x3FFB];
	_ =	sdelay $0x3  }
0x93: {  	_ =	strace s4  }
0x94: {  	s4 =	sld [smem:$0x3FFC];
	_ =	sdelay $0x3  }
0x95: {  	_ =	strace s4  }
0x96: {  	s4 =	sld [smem:$0x3FFD];
	_ =	sdelay $0x3  }
0x97: {  	_ =	strace s4  }
0x98: {  	_ =	strace $0x8FFFFFFF  }
0x99: {  	s19 =	sld [smem:$0x3FDB];
	_ =	sdelay $0x1  }
0x9a: {  	s5 =	simm.s32 $_scs_section_size  }
0x9b: {  	s6 =	simm.s32 $_size__tile_overlayer_lowered;
	s7 =	simm.s32 $_tile_overlayer_lowered  }
0x9c: {  	s22 =	simm.s32 $0x1BFF;
	s21 =	sshll.u32 s7, $0x1;
	s4 =	sadd.s32 s5, s19  }
0x9d: {  	s8 =	simm.s32 $0x0;
	s20 =	sshll.u32 s6, $0x1;
	s6 =	sadd.s32 s21, s4  }
0x9e: {  	[timem:s8], [sflag:s22] =	dma.local [hbm:s6], s20  }
0x9f: {  	_ =	swait.ge [sflag:s22], s20  }
0xa0: {  	s5 =	ssub.s32 $0x0, s20;
	[sflag:s22] =	ssyncset.done $0x0  }
0xa1: {  	[sflag:s22] =	ssyncadd.s32 s5;
	_ =	sdelay $0x1  }
0xa2: {  	s23 =	simm.s32 $0x1B8B  }
0xa3: {  	_ =	swait.ge [sflag:s23], $0x1  }
0xa4: {  	[sflag:s23] =	ssyncset.done $0x0  }
0xa5: {  	s25 =	simm.s32 $0x1B8E;
	s24 =	sld [smem:$0x3FFE];
	[sflag:s23] =	ssyncadd.s32 $0xFFFFFFFF  }
0xa6: {  	s26 =	simm.s32 $execute0_lowered;
	[smem:$0x3FD2] =	sst s25  }
0xa7: {  	s6 =	sshll.u32 s26, $0x1;
	_ =	strace $0x80000046;
	[dreg:$0x1] =	wrdreg $0xFFFFFFFF  }
0xa8: {  	s28 =	simm.s32 $_size_execute0_lowered;
	s4 =	sadd.s32 s4, s6;
	[dreg:$0x0] =	wrdreg $0x0  }
0xa9: {  	s6 =	sshll.u32 s28, $0x1;
	[dreg:$0x2] =	wrdreg s4  }
0xaa: {  	[dreg:$0x3] =	wrdreg s6  }
0xab: {  	[dreg:$0x4] =	wrdreg $0xC0  }
0xac: {  	_ =	task [dreg:s8], $0x5FFFF  }
0xad: {  	[dreg:$0x1] =	wrdreg $0xFFFFFFFF  }
0xae: {  	[dreg:$0x0] =	wrdreg $0x60  }
0xaf: {  	[dreg:$0x2] =	wrdreg s2  }
0xb0: {  	[dreg:$0x3] =	wrdreg s18  }
0xb1: {  	[dreg:$0x4] =	wrdreg s24  }
0xb2: {  	[dreg:$0x5] =	wrdreg $0xA8000  }
0xb3: {  	[dreg:$0x6] =	wrdreg $0x1E7000  }
0xb4: {  	[dreg:$0x7] =	wrdreg $0x9  }
0xb5: {  	_ =	task.clear_ibuf [dreg:s8], $0x8FFFF;
	_ =	strace $0x90000046  }
0xb6: {  	s29 =	simm.s32 $0x9;
	_ =	strace $0x80000048  }
0xb7: {  	_ =	swait.ge [sflag:s29], $0x1  }
0xb8: {  	[sflag:s29] =	ssyncadd.s32 $0xFFFFFFFF  }
0xb9: {  	_ =	strace $0x90000048  }
0xba: {  	_ =	sfence  }
0xbb: {  	s30 =	sld [smem:$0x0];
	_ =	sdelay $0x2  }
0xbc: {  	s31 =	sshll.u32 s1, $0xD;
	s1 =	sshrl.u32 s1, $0x2  }
0xbd: {  	s3 =	sand.u32 $0x4000, s31;
	s1 =	sadd.s32 s1, s30  }
0xbe: {  	s0 =	sor.u32 s3, s0;
	s1 =	sshll.u32 s1, $0x11  }
0xbf: {  	s0 =	sor.u32 s1, s0  }
0xc0: {  	s0 =	sadd.s32 $0x8F2B, s0  }
0xc1: {  	[sflag:s0] =	ssyncadd.remote.s32 $0x1  }
0xc2: {  	_ =	sfence.sel $0xFFFF  }
0xc3: {  	[dreg:$0x0] =	wrdreg $0xFFFFFFFF;
	(pc) =	sbr.abs _section_cstart, $3  }
0xc4: {  	[dreg:$0x1] =	wrdreg $0xFFFFFFFF  }
0xc5: {  	_ =	task.clear_ibuf [dreg:s8], $0x2FFFF;
	_ =	strace $0x9FFFFFFF  }
0xc6: {  	(tm) =	ssettm $0x7FFFFFFF  }
0xc7: {  	_ =	shalt  }
tec
execute0_lowered:
.L_overlay_start_1:
0x0: {  	(tag) =	ssettag $0x1  }
0x1: {  	s1 =	rddreg [dreg:$0x0]  }
0x2: {  	s12 =	rddreg [dreg:$0x1]  }
0x3: {  	s8 =	rddreg [dreg:$0x2]  }
0x4: {  	s2 =	rddreg [dreg:$0x3]  }
0x5: {  	s3 =	rddreg [dreg:$0x4];
	s4 =	srdreg.scid;
	s5 =	simm.s32 $0x0  }
0x6: {  	s18 =	simm.s32 $0x2;
	s19 =	simm.s32 $0x1E400;
	s9 =	sand.u32 $0x1, s4  }
0x7: {  	s20 =	simm.s32 $0x1E480;
	s4 =	stileid.u32;
	s6 =	smul.u32 $0x13C000, s9  }
0x8: {  	s21 =	simm.s32 $0x1400;
	s22 =	simm.s32 $0x7D;
	s7 =	smul.u32 $0x13C00, s4  }
0x9: {  	s23 =	simm.s32 $0x1;
	s28 =	simm.s32 $0x2780;
	s10 =	smul.u32 $0x278, s4  }
0xa: {  	s29 =	simm.s32 $0x0;
	[smem:$0x7FF] =	sst s5;
	s14 =	smul.u32 $0x2780, s9  }
0xb: {  	s13 =	sadd.s32 $0x1600, s8;
	_ =	strace $0x80000047;
	s16 =	smul.u32 $0x4F000, s4  }
0xc: {  	s24 =	sshll.u32 s4, $0x1;
	s7 =	sadd.s32 s7, s6;
	s6 =	sadd.s32 $0xB600, s8  }
0xd: {  	s14 =	sadd.s32 s10, s14;
	s26 =	sshrl.u32 s16, $0x2;
	s11 =	sshrl.u32 s7, $0x3  }
0xe: {  	s7 =	sadd.s32 $0xB800, s8;
	s14 =	sshrl.u32 s14, $0x3;
	s15 =	sadd.s32 s11, s8  }
0xf: {  	s11 =	sor.u32 s9, s24;
	s9 =	ssub.s32 $0x2, s9;
	s17 =	sadd.s32 s14, s8  }
0x10: {  	s8 =	sadd.s32 s26, s2;
	s24 =	simm.s32 $0x6800;
	s26 =	simm.s32 $0x2700  }
0x11: {  	s11 =	smul.u32 $0x2800, s11;
	s25 =	sshrl.u32 s9, $0x1;
	s14 =	sadd.s32 $0xC400, s15  }
0x12: {  	s15 =	sadd.s32 $0xBA00, s17;
	s17 =	simm.s32 $0x2800;
	s30 =	ssub.s32 s9, s25  }
0x13: {  	s9 =	sadd.s32 s10, s3;
	s25 =	simm.s32 $0x1380;
	s11 =	sshrl.u32 s11, $0x3  }
0x14: {  	s16 =	smax.u32 s30, $0x1;
	s10 =	sadd.s32 s12, s11;
	s31 =	sadd.s32 $0x280, s11  }
0x15: {  	v0 =	vimm.f32 $0.0e+00;
	s11 =	sadd.s32 s13, s11;
	s12 =	sadd.s32 s12, s31;
	s13 =	sadd.s32 s13, s31  }
.LBB2_1:
0x16: {  	[tilespmem:$0x2800] =	vst v0  }
0x17: {  	[tilespmem:$0x2810] =	vst v0  }
0x18: {  	[tilespmem:$0x2820] =	vst v0  }
0x19: {  	[tilespmem:$0x2830] =	vst v0  }
0x1a: {  	[tilespmem:$0x2840] =	vst v0  }
0x1b: {  	[tilespmem:$0x2850] =	vst v0  }
0x1c: {  	[tilespmem:$0x2860] =	vst v0  }
0x1d: {  	[tilespmem:$0x2870] =	vst v0  }
0x1e: {  	[tilespmem:$0x2880] =	vst v0  }
0x1f: {  	[tilespmem:$0x2890] =	vst v0  }
0x20: {  	[tilespmem:$0x28A0] =	vst v0  }
0x21: {  	[tilespmem:$0x28B0] =	vst v0  }
0x22: {  	[tilespmem:$0x28C0] =	vst v0  }
0x23: {  	[tilespmem:$0x28D0] =	vst v0  }
0x24: {  	[tilespmem:$0x28E0] =	vst v0  }
0x25: {  	[tilespmem:$0x28F0] =	vst v0  }
0x26: {  	[tilespmem:$0x2900] =	vst v0  }
0x27: {  	[tilespmem:$0x2910] =	vst v0  }
0x28: {  	[tilespmem:$0x2920] =	vst v0  }
0x29: {  	[tilespmem:$0x2930] =	vst v0  }
0x2a: {  	[tilespmem:$0x2940] =	vst v0  }
0x2b: {  	[tilespmem:$0x2950] =	vst v0  }
0x2c: {  	[tilespmem:$0x2960] =	vst v0  }
0x2d: {  	[tilespmem:$0x2970] =	vst v0  }
0x2e: {  	[tilespmem:$0x2980] =	vst v0  }
0x2f: {  	[tilespmem:$0x2990] =	vst v0  }
0x30: {  	[tilespmem:$0x29A0] =	vst v0  }
0x31: {  	[tilespmem:$0x29B0] =	vst v0  }
0x32: {  	[tilespmem:$0x29C0] =	vst v0  }
0x33: {  	[tilespmem:$0x29D0] =	vst v0  }
0x34: {  	[tilespmem:$0x29E0] =	vst v0  }
0x35: {  	[tilespmem:$0x29F0] =	vst v0  }
0x36: {  	[tilespmem:$0x2A00] =	vst v0  }
0x37: {  	[tilespmem:$0x2A10] =	vst v0  }
0x38: {  	[tilespmem:$0x2A20] =	vst v0  }
0x39: {  	[tilespmem:$0x2A30] =	vst v0  }
0x3a: {  	[tilespmem:$0x2A40] =	vst v0  }
0x3b: {  	[tilespmem:$0x2A50] =	vst v0  }
0x3c: {  	[tilespmem:$0x2A60] =	vst v0  }
0x3d: {  	[tilespmem:$0x2A70] =	vst v0  }
0x3e: {  	[tilespmem:$0x2A80] =	vst v0  }
0x3f: {  	[tilespmem:$0x2A90] =	vst v0  }
0x40: {  	[tilespmem:$0x2AA0] =	vst v0  }
0x41: {  	[tilespmem:$0x2AB0] =	vst v0  }
0x42: {  	[tilespmem:$0x2AC0] =	vst v0  }
0x43: {  	[tilespmem:$0x2AD0] =	vst v0  }
0x44: {  	[tilespmem:$0x2AE0] =	vst v0  }
0x45: {  	[tilespmem:$0x2AF0] =	vst v0  }
0x46: {  	[tilespmem:$0x2B00] =	vst v0  }
0x47: {  	[tilespmem:$0x2B10] =	vst v0  }
0x48: {  	[tilespmem:$0x2B20] =	vst v0  }
0x49: {  	[tilespmem:$0x2B30] =	vst v0  }
0x4a: {  	[tilespmem:$0x2B40] =	vst v0  }
0x4b: {  	[tilespmem:$0x2B50] =	vst v0  }
0x4c: {  	[tilespmem:$0x2B60] =	vst v0  }
0x4d: {  	[tilespmem:$0x2B70] =	vst v0  }
0x4e: {  	[tilespmem:$0x2B80] =	vst v0  }
0x4f: {  	[tilespmem:$0x2B90] =	vst v0  }
0x50: {  	[tilespmem:$0x2BA0] =	vst v0  }
0x51: {  	[tilespmem:$0x2BB0] =	vst v0  }
0x52: {  	[tilespmem:$0x2BC0] =	vst v0  }
0x53: {  	[tilespmem:$0x2BD0] =	vst v0  }
0x54: {  	[tilespmem:$0x2BE0] =	vst v0  }
0x55: {  	[tilespmem:$0x2BF0] =	vst v0;
	s30 =	sadd.s32 $0x0, s8  }
0x56: {  	[spmem:s30] =	stream.linear.scatter [tilespmem:s17], [sflag:$0x2], $0x400, $0x38;
	[tilespmem:$0x1E978] =	vst v63  }
0x57: {  	s30 =	simm.s32 $0x1000;
	_ =	swait.ge [sflag:s18], $0x400  }
.LBB2_2:
0x58: {  	s31 =	sshra.s32 s30, $0x2;
	[sflag:s18] =	ssyncset.done $0x0;
	p0 =	sne.s32 s30, $0x4E000  }
.Ltmp0:
0x59: {  	s31 =	sadd.s32 s31, s8;
	[sflag:s18] =	ssyncadd.s32 $0xFFFFFC00;
	(pc) =	sbr.rel @p0 .LBB2_2-.Ltmp0, $3  }
0x5a: {  	[spmem:s31] =	stream.linear.scatter [tilespmem:s17], [sflag:$0x2], $0x400, $0x38;
	[tilespmem:$0x1E978] =	vst v63  }
0x5b: {  	s30 =	sadd.s32 $0x1000, s30;
	_ =	sdelay $0x1  }
0x5c: {  	_ =	swait.ge [sflag:s18], $0x400  }
0x5d: {  	[sflag:s18] =	ssyncset.done $0x0  }
0x5e: {  	s30 =	simm.s32 $0x0;
	[sflag:s18] =	ssyncadd.s32 $0xFFFFFC00  }
0x5f: {  	[tilespmem:s19], [sflag:$0x2] =	stream.linear.gather [hbm4b:s7+s30], $0x80, $0x38;
	[tilespmem:$0x1E978] =	vst v63  }
0x60: {  	_ =	swait.ge [sflag:s18], $0x80  }
0x61: {  	[sflag:s18] =	ssyncset.done $0x0  }
0x62: {  	[sflag:s18] =	ssyncadd.s32 $0xFFFFFF80  }
0x63: {  	[tilespmem:s20], [sflag:$0x2] =	stream.linear.gather [hbm4b:s6+s30], $0x280, $0x38;
	[tilespmem:$0x1E978] =	vst v63  }
0x64: {  	_ =	swait.ge [sflag:s18], $0x280  }
0x65: {  	[sflag:s18] =	ssyncset.done $0x0  }
0x66: {  	[sflag:s18] =	ssyncadd.s32 $0xFFFFFD80  }
0x67: {  	[spmem:s9] =	stream.linear.scatter [tilespmem:s20], [sflag:$0x2], $0x278, $0x38;
	[tilespmem:$0x1E978] =	vst v63  }
0x68: {  	_ =	swait.ge [sflag:s18], $0x278  }
0x69: {  	[sflag:s18] =	ssyncset.done $0x0  }
0x6a: {  	[sflag:s18] =	ssyncadd.s32 $0xFFFFFD88  }
0x6b: {  	[bflag:$0x0] =	sbarrier.arrive $0xFFFF  }
0x6c: {  	[tilespmem:s30], [sflag:$0x2] =	stream.linear.gather [hbm4b:s10+s30], $0x1400, $0x38;
	[tilespmem:$0x1E978] =	vst v63  }
0x6d: {  	_ =	swait.ge [sflag:s18], $0x1400  }
0x6e: {  	[sflag:s18] =	ssyncset.done $0x0  }
0x6f: {  	[sflag:s18] =	ssyncadd.s32 $0xFFFFEC00  }
0x70: {  	[tilespmem:s21], [sflag:$0x2] =	stream.linear.gather [hbm4b:s11+s30], $0x1400, $0x38;
	[tilespmem:$0x1E978] =	vst v63  }
0x71: {  	_ =	swait.ge [sflag:s18], $0x1400  }
0x72: {  	[sflag:s18] =	ssyncset.done $0x0  }
0x73: {  	[sflag:s18] =	ssyncadd.s32 $0xFFFFEC00  }
0x74: {  	[tilespmem:s17], [sflag:$0x1] =	stream.indirect.gather [hbm4b:s1+s22], $0x80, s30, s22, $0xb8;
	[tilespmem:$0x1E978] =	vst v63  }
0x75: {  	_ =	swait.ge [sflag:s23], $0x3E80  }
0x76: {  	[sflag:s23] =	ssyncset.done $0x0  }
0x77: {  	s30 =	simm.s32 $0x80;
	[sflag:s23] =	ssyncadd.s32 $0xFFFFC180  }
0x78: {  	[tilespmem:s24], [sflag:$0x1] =	stream.indirect.gather [hbm4b:s1+s22], $0x80, s30, s22, $0xb8;
	[tilespmem:$0x1E978] =	vst v63  }
0x79: {  	s30 =	simm.s32 $0x1400  }
0x7a: {  	[spmem:s2] =	stream.indirect.scatter.add.f32 [tilespmem:s17], [sflag:$0x2], $0x80, s30, s22, $0xb8;
	[tilespmem:$0x1E978] =	vst v63  }
0x7b: {  	_ =	swait.ge [sflag:s18], $0x3E80  }
0x7c: {  	[sflag:s18] =	ssyncset.done $0x0  }
0x7d: {  	[sflag:s18] =	ssyncadd.s32 $0xFFFFC180  }
0x7e: {  	[spmem:s3] =	stream.indirect.scatter.add.f32 [tilespmem:s19], [sflag:$0x2], $0x1, s30, s22, $0xb8;
	[tilespmem:$0x1E978] =	vst v63  }
0x7f: {  	_ =	swait.ge [sflag:s18], $0x7D  }
0x80: {  	[sflag:s18] =	ssyncset.done $0x0  }
0x81: {  	[sflag:s18] =	ssyncadd.s32 $0xFFFFFF83  }
0x82: {  	_ =	swait.ge [sflag:s23], $0x3E80  }
0x83: {  	[sflag:s23] =	ssyncset.done $0x0  }
0x84: {  	s30 =	simm.s32 $0x100;
	[sflag:s23] =	ssyncadd.s32 $0xFFFFC180  }
0x85: {  	[tilespmem:s17], [sflag:$0x1] =	stream.indirect.gather [hbm4b:s1+s22], $0x80, s30, s22, $0xb8;
	[tilespmem:$0x1E978] =	vst v63  }
0x86: {  	s30 =	simm.s32 $0x1480  }
0x87: {  	[spmem:s2] =	stream.indirect.scatter.add.f32 [tilespmem:s24], [sflag:$0x2], $0x80, s30, s22, $0xb8;
	[tilespmem:$0x1E978] =	vst v63  }
0x88: {  	_ =	swait.ge [sflag:s18], $0x3E80  }
0x89: {  	[sflag:s18] =	ssyncset.done $0x0  }
0x8a: {  	[sflag:s18] =	ssyncadd.s32 $0xFFFFC180  }
0x8b: {  	[spmem:s3] =	stream.indirect.scatter.add.f32 [tilespmem:s19], [sflag:$0x2], $0x1, s30, s22, $0xb8;
	[tilespmem:$0x1E978] =	vst v63  }
0x8c: {  	_ =	swait.ge [sflag:s18], $0x7D  }
0x8d: {  	s30 =	simm.s32 $0x400;
	[sflag:s18] =	ssyncset.done $0x0  }
.LBB2_4:
0x8e: {  	p0 =	sne.s32 s30, $0x4800  }
0x8f: {  	[sflag:s18] =	ssyncadd.s32 $0xFFFFFF83;
	s31 =	smov.u32 s30;
	s30 =	sadd.s32 $0x400, s30  }
0x90: {  	_ =	swait.ge [sflag:s23], $0x3E80  }
0x91: {  	s31 =	sshra.s32 s31, $0x2;
	[sflag:s23] =	ssyncset.done $0x0  }
0x92: {  	s0 =	sadd.s32 $0x80, s31;
	[sflag:s23] =	ssyncadd.s32 $0xFFFFC180  }
0x93: {  	[tilespmem:s24], [sflag:$0x1] =	stream.indirect.gather [hbm4b:s1+s22], $0x80, s0, s22, $0xb8;
	[tilespmem:$0x1E978] =	vst v63  }
0x94: {  	s0 =	sadd.s32 $0x1400, s31  }
0x95: {  	[spmem:s2] =	stream.indirect.scatter.add.f32 [tilespmem:s17], [sflag:$0x2], $0x80, s0, s22, $0xb8;
	[tilespmem:$0x1E978] =	vst v63  }
0x96: {  	_ =	swait.ge [sflag:s18], $0x3E80  }
0x97: {  	[sflag:s18] =	ssyncset.done $0x0  }
0x98: {  	[sflag:s18] =	ssyncadd.s32 $0xFFFFC180  }
0x99: {  	[spmem:s3] =	stream.indirect.scatter.add.f32 [tilespmem:s19], [sflag:$0x2], $0x1, s0, s22, $0xb8;
	[tilespmem:$0x1E978] =	vst v63  }
0x9a: {  	_ =	swait.ge [sflag:s18], $0x7D  }
0x9b: {  	[sflag:s18] =	ssyncset.done $0x0  }
0x9c: {  	[sflag:s18] =	ssyncadd.s32 $0xFFFFFF83  }
0x9d: {  	_ =	swait.ge [sflag:s23], $0x3E80  }
0x9e: {  	[sflag:s23] =	ssyncset.done $0x0  }
0x9f: {  	s0 =	sadd.s32 $0x100, s31;
	[sflag:s23] =	ssyncadd.s32 $0xFFFFC180  }
0xa0: {  	[tilespmem:s17], [sflag:$0x1] =	stream.indirect.gather [hbm4b:s1+s22], $0x80, s0, s22, $0xb8;
	[tilespmem:$0x1E978] =	vst v63  }
0xa1: {  	s0 =	sadd.s32 $0x1480, s31  }
0xa2: {  	[spmem:s2] =	stream.indirect.scatter.add.f32 [tilespmem:s24], [sflag:$0x2], $0x80, s0, s22, $0xb8;
	[tilespmem:$0x1E978] =	vst v63  }
0xa3: {  	_ =	swait.ge [sflag:s18], $0x3E80  }
.Ltmp1:
0xa4: {  	[sflag:s18] =	ssyncset.done $0x0;
	(pc) =	sbr.rel @p0 .LBB2_4-.Ltmp1, $4  }
0xa5: {  	[sflag:s18] =	ssyncadd.s32 $0xFFFFC180  }
0xa6: {  	[spmem:s3] =	stream.indirect.scatter.add.f32 [tilespmem:s19], [sflag:$0x2], $0x1, s0, s22, $0xb8;
	[tilespmem:$0x1E978] =	vst v63  }
0xa7: {  	_ =	swait.ge [sflag:s18], $0x7D  }
0xa8: {  	[sflag:s18] =	ssyncset.done $0x0  }
0xa9: {  	[sflag:s18] =	ssyncadd.s32 $0xFFFFFF83  }
0xaa: {  	_ =	swait.ge [sflag:s23], $0x3E80  }
0xab: {  	[sflag:s23] =	ssyncset.done $0x0  }
0xac: {  	[sflag:s23] =	ssyncadd.s32 $0xFFFFC180  }
0xad: {  	[tilespmem:s24], [sflag:$0x1] =	stream.indirect.gather [hbm4b:s1+s22], $0x80, s25, s22, $0xb8;
	[tilespmem:$0x1E978] =	vst v63  }
0xae: {  	_ = 	snop  }
0xaf: {  	[spmem:s2] =	stream.indirect.scatter.add.f32 [tilespmem:s17], [sflag:$0x2], $0x80, s26, s22, $0xb8;
	[tilespmem:$0x1E978] =	vst v63  }
0xb0: {  	_ =	swait.ge [sflag:s18], $0x3E80  }
0xb1: {  	[sflag:s18] =	ssyncset.done $0x0  }
0xb2: {  	[sflag:s18] =	ssyncadd.s32 $0xFFFFC180  }
0xb3: {  	[spmem:s3] =	stream.indirect.scatter.add.f32 [tilespmem:s19], [sflag:$0x2], $0x1, s26, s22, $0xb8;
	[tilespmem:$0x1E978] =	vst v63  }
0xb4: {  	_ =	swait.ge [sflag:s18], $0x7D  }
0xb5: {  	[sflag:s18] =	ssyncset.done $0x0  }
0xb6: {  	[sflag:s18] =	ssyncadd.s32 $0xFFFFFF83  }
0xb7: {  	_ =	swait.ge [sflag:s23], $0x3E80  }
0xb8: {  	[sflag:s23] =	ssyncset.done $0x0  }
0xb9: {  	[sflag:s23] =	ssyncadd.s32 $0xFFFFC180  }
0xba: {  	[spmem:s2] =	stream.indirect.scatter.add.f32 [tilespmem:s24], [sflag:$0x2], $0x80, s28, s22, $0xb8;
	[tilespmem:$0x1E978] =	vst v63  }
0xbb: {  	_ =	swait.ge [sflag:s18], $0x3E80  }
0xbc: {  	[sflag:s18] =	ssyncset.done $0x0  }
0xbd: {  	[sflag:s18] =	ssyncadd.s32 $0xFFFFC180  }
0xbe: {  	[spmem:s3] =	stream.indirect.scatter.add.f32 [tilespmem:s19], [sflag:$0x2], $0x1, s28, s22, $0xb8;
	[tilespmem:$0x1E978] =	vst v63  }
0xbf: {  	_ =	swait.ge [sflag:s18], $0x7D  }
0xc0: {  	[sflag:s18] =	ssyncset.done $0x0  }
0xc1: {  	s0 =	simm.s32 $0x0;
	[sflag:s18] =	ssyncadd.s32 $0xFFFFFF83  }
0xc2: {  	[tilespmem:s0], [sflag:$0x2] =	stream.linear.gather [hbm4b:s12+s0], $0x1400, $0x38;
	[tilespmem:$0x1E978] =	vst v63  }
0xc3: {  	_ =	swait.ge [sflag:s18], $0x1400  }
0xc4: {  	[sflag:s18] =	ssyncset.done $0x0  }
0xc5: {  	[sflag:s18] =	ssyncadd.s32 $0xFFFFEC00  }
0xc6: {  	[tilespmem:s21], [sflag:$0x2] =	stream.linear.gather [hbm4b:s13+s0], $0x1400, $0x38;
	[tilespmem:$0x1E978] =	vst v63  }
0xc7: {  	_ =	swait.ge [sflag:s18], $0x1400  }
0xc8: {  	[sflag:s18] =	ssyncset.done $0x0  }
0xc9: {  	[sflag:s18] =	ssyncadd.s32 $0xFFFFEC00  }
0xca: {  	[tilespmem:s17], [sflag:$0x1] =	stream.indirect.gather [hbm4b:s1+s22], $0x80, s0, s22, $0xb8;
	[tilespmem:$0x1E978] =	vst v63  }
0xcb: {  	_ =	swait.ge [sflag:s23], $0x3E80  }
0xcc: {  	[sflag:s23] =	ssyncset.done $0x0  }
0xcd: {  	s31 =	simm.s32 $0x80;
	[sflag:s23] =	ssyncadd.s32 $0xFFFFC180  }
0xce: {  	[tilespmem:s24], [sflag:$0x1] =	stream.indirect.gather [hbm4b:s1+s22], $0x80, s31, s22, $0xb8;
	[tilespmem:$0x1E978] =	vst v63  }
0xcf: {  	s31 =	simm.s32 $0x1400  }
0xd0: {  	[spmem:s2] =	stream.indirect.scatter.add.f32 [tilespmem:s17], [sflag:$0x2], $0x80, s31, s22, $0xb8;
	[tilespmem:$0x1E978] =	vst v63  }
0xd1: {  	_ =	swait.ge [sflag:s18], $0x3E80  }
0xd2: {  	[sflag:s18] =	ssyncset.done $0x0  }
0xd3: {  	[sflag:s18] =	ssyncadd.s32 $0xFFFFC180  }
0xd4: {  	[spmem:s3] =	stream.indirect.scatter.add.f32 [tilespmem:s19], [sflag:$0x2], $0x1, s31, s22, $0xb8;
	[tilespmem:$0x1E978] =	vst v63  }
0xd5: {  	_ =	swait.ge [sflag:s18], $0x7D  }
0xd6: {  	[sflag:s18] =	ssyncset.done $0x0  }
0xd7: {  	[sflag:s18] =	ssyncadd.s32 $0xFFFFFF83  }
0xd8: {  	_ =	swait.ge [sflag:s23], $0x3E80  }
0xd9: {  	[sflag:s23] =	ssyncset.done $0x0  }
0xda: {  	s31 =	simm.s32 $0x100;
	[sflag:s23] =	ssyncadd.s32 $0xFFFFC180  }
0xdb: {  	[tilespmem:s17], [sflag:$0x1] =	stream.indirect.gather [hbm4b:s1+s22], $0x80, s31, s22, $0xb8;
	[tilespmem:$0x1E978] =	vst v63  }
0xdc: {  	s31 =	simm.s32 $0x1480  }
0xdd: {  	[spmem:s2] =	stream.indirect.scatter.add.f32 [tilespmem:s24], [sflag:$0x2], $0x80, s31, s22, $0xb8;
	[tilespmem:$0x1E978] =	vst v63  }
0xde: {  	_ =	swait.ge [sflag:s18], $0x3E80  }
0xdf: {  	[sflag:s18] =	ssyncset.done $0x0  }
0xe0: {  	[sflag:s18] =	ssyncadd.s32 $0xFFFFC180  }
0xe1: {  	[spmem:s3] =	stream.indirect.scatter.add.f32 [tilespmem:s19], [sflag:$0x2], $0x1, s31, s22, $0xb8;
	[tilespmem:$0x1E978] =	vst v63  }
0xe2: {  	_ =	swait.ge [sflag:s18], $0x7D  }
0xe3: {  	s30 =	simm.s32 $0x400;
	[sflag:s18] =	ssyncset.done $0x0  }
.LBB2_6:
0xe4: {  	p0 =	sne.s32 s30, $0x4800  }
0xe5: {  	[sflag:s18] =	ssyncadd.s32 $0xFFFFFF83;
	s0 =	smov.u32 s30;
	s30 =	sadd.s32 $0x400, s30  }
0xe6: {  	_ =	swait.ge [sflag:s23], $0x3E80  }
0xe7: {  	s0 =	sshra.s32 s0, $0x2;
	[sflag:s23] =	ssyncset.done $0x0  }
0xe8: {  	s31 =	sadd.s32 $0x80, s0;
	[sflag:s23] =	ssyncadd.s32 $0xFFFFC180  }
0xe9: {  	[tilespmem:s24], [sflag:$0x1] =	stream.indirect.gather [hbm4b:s1+s22], $0x80, s31, s22, $0xb8;
	[tilespmem:$0x1E978] =	vst v63  }
0xea: {  	s31 =	sadd.s32 $0x1400, s0  }
0xeb: {  	[spmem:s2] =	stream.indirect.scatter.add.f32 [tilespmem:s17], [sflag:$0x2], $0x80, s31, s22, $0xb8;
	[tilespmem:$0x1E978] =	vst v63  }
0xec: {  	_ =	swait.ge [sflag:s18], $0x3E80  }
0xed: {  	[sflag:s18] =	ssyncset.done $0x0  }
0xee: {  	[sflag:s18] =	ssyncadd.s32 $0xFFFFC180  }
0xef: {  	[spmem:s3] =	stream.indirect.scatter.add.f32 [tilespmem:s19], [sflag:$0x2], $0x1, s31, s22, $0xb8;
	[tilespmem:$0x1E978] =	vst v63  }
0xf0: {  	_ =	swait.ge [sflag:s18], $0x7D  }
0xf1: {  	[sflag:s18] =	ssyncset.done $0x0  }
0xf2: {  	[sflag:s18] =	ssyncadd.s32 $0xFFFFFF83  }
0xf3: {  	_ =	swait.ge [sflag:s23], $0x3E80  }
0xf4: {  	[sflag:s23] =	ssyncset.done $0x0  }
0xf5: {  	s31 =	sadd.s32 $0x100, s0;
	[sflag:s23] =	ssyncadd.s32 $0xFFFFC180  }
0xf6: {  	[tilespmem:s17], [sflag:$0x1] =	stream.indirect.gather [hbm4b:s1+s22], $0x80, s31, s22, $0xb8;
	[tilespmem:$0x1E978] =	vst v63  }
0xf7: {  	s0 =	sadd.s32 $0x1480, s0  }
0xf8: {  	[spmem:s2] =	stream.indirect.scatter.add.f32 [tilespmem:s24], [sflag:$0x2], $0x80, s0, s22, $0xb8;
	[tilespmem:$0x1E978] =	vst v63  }
0xf9: {  	_ =	swait.ge [sflag:s18], $0x3E80  }
.Ltmp2:
0xfa: {  	[sflag:s18] =	ssyncset.done $0x0;
	(pc) =	sbr.rel @p0 .LBB2_6-.Ltmp2, $4  }
0xfb: {  	[sflag:s18] =	ssyncadd.s32 $0xFFFFC180  }
0xfc: {  	[spmem:s3] =	stream.indirect.scatter.add.f32 [tilespmem:s19], [sflag:$0x2], $0x1, s0, s22, $0xb8;
	[tilespmem:$0x1E978] =	vst v63  }
0xfd: {  	_ =	swait.ge [sflag:s18], $0x7D  }
0xfe: {  	[sflag:s18] =	ssyncset.done $0x0  }
0xff: {  	[sflag:s18] =	ssyncadd.s32 $0xFFFFFF83  }
0x100: {  	_ =	swait.ge [sflag:s23], $0x3E80  }
0x101: {  	[sflag:s23] =	ssyncset.done $0x0  }
0x102: {  	[sflag:s23] =	ssyncadd.s32 $0xFFFFC180  }
0x103: {  	[tilespmem:s24], [sflag:$0x1] =	stream.indirect.gather [hbm4b:s1+s22], $0x80, s25, s22, $0xb8;
	[tilespmem:$0x1E978] =	vst v63  }
0x104: {  	_ = 	snop  }
0x105: {  	[spmem:s2] =	stream.indirect.scatter.add.f32 [tilespmem:s17], [sflag:$0x2], $0x80, s26, s22, $0xb8;
	[tilespmem:$0x1E978] =	vst v63  }
0x106: {  	_ =	swait.ge [sflag:s18], $0x3E80  }
0x107: {  	[sflag:s18] =	ssyncset.done $0x0  }
0x108: {  	[sflag:s18] =	ssyncadd.s32 $0xFFFFC180  }
0x109: {  	[spmem:s3] =	stream.indirect.scatter.add.f32 [tilespmem:s19], [sflag:$0x2], $0x1, s26, s22, $0xb8;
	[tilespmem:$0x1E978] =	vst v63  }
0x10a: {  	_ =	swait.ge [sflag:s18], $0x7D  }
0x10b: {  	[sflag:s18] =	ssyncset.done $0x0  }
0x10c: {  	[sflag:s18] =	ssyncadd.s32 $0xFFFFFF83  }
0x10d: {  	_ =	swait.ge [sflag:s23], $0x3E80  }
0x10e: {  	[sflag:s23] =	ssyncset.done $0x0  }
0x10f: {  	[sflag:s23] =	ssyncadd.s32 $0xFFFFC180  }
0x110: {  	[spmem:s2] =	stream.indirect.scatter.add.f32 [tilespmem:s24], [sflag:$0x2], $0x80, s28, s22, $0xb8;
	[tilespmem:$0x1E978] =	vst v63  }
0x111: {  	_ =	swait.ge [sflag:s18], $0x3E80  }
0x112: {  	[sflag:s18] =	ssyncset.done $0x0  }
0x113: {  	[sflag:s18] =	ssyncadd.s32 $0xFFFFC180  }
0x114: {  	[spmem:s3] =	stream.indirect.scatter.add.f32 [tilespmem:s19], [sflag:$0x2], $0x1, s28, s22, $0xb8;
	[tilespmem:$0x1E978] =	vst v63  }
0x115: {  	_ =	swait.ge [sflag:s18], $0x7D  }
0x116: {  	[sflag:s18] =	ssyncset.done $0x0  }
0x117: {  	s0 =	sshll.u32 s4, $0x6;
	[sflag:s18] =	ssyncadd.s32 $0xFFFFFF83  }
0x118: {  	s30 =	sshrl.u32 s8, $0x3;
	s0 =	sor.u32 $0x1C02, s0;
	[bflag:$0x0] =	sbarrier.arrive $0xFFFF  }
0x119: {  	[hbm:s14], [sflag:s0] =	dma.local [spmem:s30], $0x2780  }
0x11a: {  	_ =	swait.ge [sflag:s18], $0x2780  }
0x11b: {  	[sflag:s18] =	ssyncset.done $0x0  }
0x11c: {  	[sflag:s18] =	ssyncadd.s32 $0xFFFFD880  }
0x11d: {  	[tilespmem:s20], [sflag:$0x2] =	stream.linear.gather [spmem:s9], $0x278, $0x38;
	[tilespmem:$0x1E978] =	vst v63  }
0x11e: {  	s29 =	sadd.s32 $0x1, s29;
	_ =	swait.ge [sflag:s18], $0x278  }
0x11f: {  	p0 =	sne.s32 s29, s16;
	[sflag:s18] =	ssyncset.done $0x0  }
.Ltmp3:
0x120: {  	[sflag:s18] =	ssyncadd.s32 $0xFFFFFD88;
	(pc) =	sbr.rel @p0 .LBB2_1-.Ltmp3, $4  }
0x121: {  	[hbm4b:s15+s5] =	stream.linear.scatter [tilespmem:s20], [sflag:$0x2], $0x278, $0x38;
	[tilespmem:$0x1E978] =	vst v63  }
0x122: {  	_ =	swait.ge [sflag:s18], $0x278  }
0x123: {  	[sflag:s18] =	ssyncset.done $0x0  }
0x124: {  	[sflag:s18] =	ssyncadd.s32 $0xFFFFFD88  }
0x125: {  	_ =	sfence.sel $0x180000  }
0x126: {  	[bflag:$0x0] =	sbarrier.arrive $0xFFFF  }
0x127: {  	_ =	strace $0x90000047  }
0x128: {  	[bflag:$0x2] =	sbarrier.arrive $0xFFFF  }
0x129: {  	p0 =	sne.s32 s4, $0x0;
	s0 =	rddreg [dreg:$0x5]  }
0x12a: {  	s0 =	sadd.s32 @!p0 $0x100000, s0  }
0x12b: {  	[sflag:s0] =	ssyncadd.tile.s32 @!p0 $0x1;
	_ =	shalt  }
.Lfunc_end2:
_tile_overlayer_lowered:
.L_overlay_start_2:
0x12c: {  	(tag) =	ssettag $0x2  }
0x12d: {  	s0 =	rddreg [dreg:$0x0];
	s2 =	stileid.u32  }
0x12e: {  	s1 =	rddreg [dreg:$0x1];
	p0 =	sne.s32 s2, $0x0  }
0x12f: {  	s3 =	rddreg [dreg:$0x2];
	[bflag:$0x3] =	sbarrier.arrive $0xFFFF;
	s2 =	simm.s32 @!p0 $0x1C02  }
0x130: {  	[timem:s3], [sflag:s2] =	dma.local @!p0 [hbm:s0], s1  }
0x131: {  	s0 =	simm.s32 @!p0 $0x2  }
0x132: {  	_ =	swait.ge @!p0 [sflag:s0], s1  }
0x133: {  	s1 =	ssub.s32 @!p0 $0x0, s1;
	[sflag:s0] =	ssyncset.done @!p0 $0x0  }
0x134: {  	[sflag:s0] =	ssyncadd.s32 @!p0 s1  }
0x135: {  	[bflag:$0x3] =	sbarrier.arrive $0xFFFF  }
0x136: {  	_ =	shalt  }

// kernel: kernel.9.cloned.1.call-start
scs
__scs_entry_jumppad:
0x0: {  	(pc) =	sbr.rel $0x88, $3  }
0x1: {  	(tag) =	ssettag $0x0;
	lr =	simm.s32 $0x1  }
0x2: {  	[smem:$0x3F99] =	sst lr;
	_ =	strace $0xD0000000  }
0x3: {  	_ = 	snop  }
0x4: {  	_ = 	snop  }
0x5: {  	_ = 	snop  }
0x6: {  	_ = 	snop  }
0x7: {  	_ = 	snop  }
__scs_overlays_trampoline_lowered:
0x8: {  	[smem:$0x3FA8] =	sst s0  }
0x9: {  	[smem:$0x3FA9] =	sst s1  }
0xa: {  	[smem:$0x3FAA] =	sst s2  }
0xb: {  	[smem:$0x3FAB] =	sst s3  }
0xc: {  	[smem:$0x3FAC] =	sst s4  }
0xd: {  	[smem:$0x3FAD] =	sst s5  }
0xe: {  	[smem:$0x3FAE] =	sst s6  }
0xf: {  	[smem:$0x3FAF] =	sst s7  }
0x10: {  	[smem:$0x3FB0] =	sst s8  }
0x11: {  	[smem:$0x3FB1] =	sst s9;
	s0 =	simm.s32 @!p0 $0x0  }
0x12: {  	s1 =	sld [smem:$0x3F97];
	s0 =	simm.s32 @p0 $0x1  }
0x13: {  	[smem:$0x3FB2] =	sst s0;
	s0 =	simm.s32 @!p1 $0x0  }
0x14: {  	s2 =	sld [smem:$0x3F96];
	s0 =	simm.s32 @p1 $0x1  }
0x15: {  	[smem:$0x3FB3] =	sst s0;
	s0 =	simm.s32 @!p2 $0x0  }
0x16: {  	s3 =	sld [smem:$0x3FDB];
	s0 =	simm.s32 @p2 $0x1  }
0x17: {  	s4 =	simm.s32 $0x1BF5;
	[smem:$0x3FB5] =	sst s0  }
0x18: {  	s0 =	sld [smem:$0x3F98];
	_ =	swait.ge [sflag:s4], $0x0  }
0x19: {  	s7 =	sld [smem:$0x3F99]  }
0x1a: {  	s8 =	sadd.s32 $0xFFFFE003, lr  }
0x1b: {  	s9 =	sadd.s32 $0xFFFFFEF7, lr;
	s5 =	simm.s32 $0xFFFFFFFF;
	p2 =	slt.u32 s8, $0xFFFFF086  }
0x1c: {  	p1 =	slt.u32 s9, $0xF7A;
	s5 =	simm.s32 @!p2 $0x0  }
0x1d: {  	s5 =	simm.s32 @p1 $0x1;
	p0 =	seq.s32 s7, s2  }
0x1e: {  	s7 =	smul.u32 @!p0 $0xF7A, s2;
	p2 =	seq.s32 @!p0 s5, $0x0  }
0x1f: {  	s9 =	smul.u32 $0xF7A, s1;
	s8 =	simm.s32 @!p0 $0x1BF5;
	p2 =	por !p2, p0  }
0x20: {  	[sflag:s8] =	ssyncset.s32 @!p0 $0xFFFFF086;
	s6 =	sadd.s32 @!p0 s3, s7;
	s7 =	simm.s32 @!p0 $0x108  }
0x21: {  	s3 =	sadd.s32 s3, s9;
	s6 =	sadd.s32 @!p0 $0x88, s6;
	s7 =	simm.s32 @p2 $0x1082  }
0x22: {  	[simem:s7], [sflag:s8] =	dma.local @!p0 [hbm:s6], $0xF7A  }
0x23: {  	s9 =	sor.u32 $0xD0000000, s2;
	s6 =	simm.s32 $0x108;
	_ =	swait.ge @!p0 [sflag:s8], $0x0  }
0x24: {  	s3 =	sadd.s32 $0x88, s3;
	s6 =	simm.s32 @!p1 $0x1082;
	[sflag:s4] =	ssyncset.s32 $0xFFFFF086  }
0x25: {  	[simem:s6], [sflag:s4] =	dma.local [hbm:s3], $0xF7A  }
0x26: {  	[smem:$0x3F99] =	sst s1;
	(tag) =	ssettag s2;
	_ =	strace s9  }
0x27: {  	s1 =	sld [smem:$0x3FA9]  }
0x28: {  	s2 =	sld [smem:$0x3FAA]  }
0x29: {  	s4 =	sld [smem:$0x3FAC]  }
0x2a: {  	p0 =	seq.s32 s5, $0x0;
	s5 =	sld [smem:$0x3FAD]  }
0x2b: {  	s6 =	sld [smem:$0x3FAE]  }
0x2c: {  	s7 =	sld [smem:$0x3FAF]  }
0x2d: {  	s3 =	simm.s32 $0x108;
	s8 =	sld [smem:$0x3FB0]  }
0x2e: {  	s3 =	simm.s32 @!p0 $0x1082;
	s9 =	sld [smem:$0x3FB1]  }
0x2f: {  	lr =	sadd.s32 s0, s3;
	s0 =	sld [smem:$0x3FA8]  }
0x30: {  	s3 =	sld [smem:$0x3FAB]  }
0x31: {  	[smem:$0x3FB4] =	sst s10  }
0x32: {  	s10 =	sld [smem:$0x3FB2];
	_ =	sdelay $0x3  }
0x33: {  	p0 =	seq.s32 s10, $0x1;
	s10 =	sld [smem:$0x3FB4];
	_ =	sdelay $0x3  }
0x34: {  	[smem:$0x3FB4] =	sst s10  }
0x35: {  	s10 =	sld [smem:$0x3FB3];
	_ =	sdelay $0x3  }
0x36: {  	p1 =	seq.s32 s10, $0x1;
	s10 =	sld [smem:$0x3FB4];
	_ =	sdelay $0x3  }
0x37: {  	[smem:$0x3FB4] =	sst s10  }
0x38: {  	s10 =	sld [smem:$0x3FB5]  }
0x39: {  	_ = 	snop;
	(pc) =	sbr.ind lr, $3  }
0x3a: {  	_ = 	snop  }
0x3b: {  	_ = 	snop  }
0x3c: {  	p2 =	seq.s32 s10, $0x1;
	s10 =	sld [smem:$0x3FB4]  }
0x3d: {  	_ =	shalt  }
0x3e: {  	_ =	shalt  }
0x3f: {  	_ =	shalt  }
0x40: {  	_ =	shalt  }
0x41: {  	_ =	shalt  }
0x42: {  	_ =	shalt  }
0x43: {  	_ =	shalt  }
0x44: {  	_ =	shalt  }
0x45: {  	_ =	shalt  }
0x46: {  	_ =	shalt  }
0x47: {  	_ =	shalt  }
0x48: {  	_ =	shalt  }
0x49: {  	_ =	shalt  }
0x4a: {  	_ =	shalt  }
0x4b: {  	_ =	shalt  }
0x4c: {  	_ =	shalt  }
0x4d: {  	_ =	shalt  }
0x4e: {  	_ =	shalt  }
0x4f: {  	_ =	shalt  }
0x50: {  	_ =	shalt  }
0x51: {  	_ =	shalt  }
0x52: {  	_ =	shalt  }
0x53: {  	_ =	shalt  }
0x54: {  	_ =	shalt  }
0x55: {  	_ =	shalt  }
0x56: {  	_ =	shalt  }
0x57: {  	_ =	shalt  }
0x58: {  	_ =	shalt  }
0x59: {  	_ =	shalt  }
0x5a: {  	_ =	shalt  }
0x5b: {  	_ =	shalt  }
0x5c: {  	_ =	shalt  }
0x5d: {  	_ =	shalt  }
0x5e: {  	_ =	shalt  }
0x5f: {  	_ =	shalt  }
0x60: {  	_ =	shalt  }
0x61: {  	_ =	shalt  }
0x62: {  	_ =	shalt  }
0x63: {  	_ =	shalt  }
0x64: {  	_ =	shalt  }
0x65: {  	_ =	shalt  }
0x66: {  	_ =	shalt  }
0x67: {  	_ =	shalt  }
0x68: {  	_ =	shalt  }
0x69: {  	_ =	shalt  }
0x6a: {  	_ =	shalt  }
0x6b: {  	_ =	shalt  }
0x6c: {  	_ =	shalt  }
0x6d: {  	_ =	shalt  }
0x6e: {  	_ =	shalt  }
0x6f: {  	_ =	shalt  }
0x70: {  	_ =	shalt  }
0x71: {  	_ =	shalt  }
0x72: {  	_ =	shalt  }
0x73: {  	_ =	shalt  }
0x74: {  	_ =	shalt  }
0x75: {  	_ =	shalt  }
0x76: {  	_ =	shalt  }
0x77: {  	_ =	shalt  }
0x78: {  	_ =	shalt  }
0x79: {  	_ =	shalt  }
0x7a: {  	_ =	shalt  }
0x7b: {  	_ =	shalt  }
0x7c: {  	_ =	shalt  }
0x7d: {  	_ =	shalt  }
0x7e: {  	_ =	shalt  }
0x7f: {  	_ =	shalt  }
0x80: {  	_ =	shalt  }
0x81: {  	_ =	shalt  }
0x82: {  	_ =	shalt  }
0x83: {  	_ =	shalt  }
0x84: {  	_ =	shalt  }
0x85: {  	_ =	shalt  }
0x86: {  	_ =	shalt  }
0x87: {  	_ =	shalt  }
.Lfunc_end0:
.L_simem_size_0:
called_computation.1_lowered:
.L_overlay_start_0:
0x88: {  	s2 =	sld [smem:$0x3FD9]  }
0x89: {  	s3 =	sld [smem:$0x3FFE];
	_ =	sdelay $0x1  }
0x8a: {  	s1 =	srdreg.scid  }
0x8b: {  	s0 =	sand.u32 $0x1, s1  }
0x8c: {  	s17 =	sshll.u32 s0, $0xA;
	s2 =	sadd.s32 s3, s2  }
0x8d: {  	s2 =	sadd.s32 s2, s17  }
0x8e: {  	[smem:$0x3FC0] =	sst s2  }
0x8f: {  	_ = 	snop  }
0x90: {  	s2 =	sld [smem:$0x3FD0];
	(tm) =	ssettm $0x1  }
0x91: {  	s18 =	sld [smem:$0x3FFB];
	_ =	sdelay $0x3  }
0x92: {  	_ =	strace s18  }
0x93: {  	s3 =	sld [smem:$0x3FFC];
	_ =	sdelay $0x3  }
0x94: {  	_ =	strace s3  }
0x95: {  	s3 =	sld [smem:$0x3FFD];
	_ =	sdelay $0x3  }
0x96: {  	_ =	strace s3  }
0x97: {  	_ =	strace $0x8FFFFFFF  }
0x98: {  	s19 =	sld [smem:$0x3FDB];
	_ =	sdelay $0x1  }
0x99: {  	s4 =	simm.s32 $_scs_section_size  }
0x9a: {  	s5 =	simm.s32 $_size__tile_overlayer_lowered;
	s6 =	simm.s32 $_tile_overlayer_lowered  }
0x9b: {  	s22 =	simm.s32 $0x1BFF;
	s21 =	sshll.u32 s6, $0x1;
	s3 =	sadd.s32 s4, s19  }
0x9c: {  	s7 =	simm.s32 $0x0;
	s20 =	sshll.u32 s5, $0x1;
	s5 =	sadd.s32 s21, s3  }
0x9d: {  	[timem:s7], [sflag:s22] =	dma.local [hbm:s5], s20  }
0x9e: {  	_ =	swait.ge [sflag:s22], s20  }
0x9f: {  	s4 =	ssub.s32 $0x0, s20;
	[sflag:s22] =	ssyncset.done $0x0  }
0xa0: {  	[sflag:s22] =	ssyncadd.s32 s4;
	_ =	sdelay $0x1  }
0xa1: {  	s23 =	simm.s32 $0x1B8B  }
0xa2: {  	_ =	swait.ge [sflag:s23], $0x1  }
0xa3: {  	[sflag:s23] =	ssyncset.done $0x0  }
0xa4: {  	s25 =	simm.s32 $0x1B8E;
	s24 =	sld [smem:$0x3FFE];
	[sflag:s23] =	ssyncadd.s32 $0xFFFFFFFF  }
0xa5: {  	s26 =	simm.s32 $execute0_lowered;
	[smem:$0x3FD2] =	sst s25  }
0xa6: {  	s5 =	sshll.u32 s26, $0x1;
	_ =	strace $0x80000049;
	[dreg:$0x1] =	wrdreg $0xFFFFFFFF  }
0xa7: {  	s28 =	simm.s32 $_size_execute0_lowered;
	s3 =	sadd.s32 s3, s5;
	[dreg:$0x0] =	wrdreg $0x0  }
0xa8: {  	s5 =	sshll.u32 s28, $0x1;
	[dreg:$0x2] =	wrdreg s3  }
0xa9: {  	[dreg:$0x3] =	wrdreg s5  }
0xaa: {  	[dreg:$0x4] =	wrdreg $0xC0  }
0xab: {  	_ =	task [dreg:s7], $0x5FFFF  }
0xac: {  	[dreg:$0x1] =	wrdreg $0xFFFFFFFF  }
0xad: {  	[dreg:$0x0] =	wrdreg $0x60  }
0xae: {  	[dreg:$0x2] =	wrdreg s24  }
0xaf: {  	[dreg:$0x3] =	wrdreg s2  }
0xb0: {  	[dreg:$0x4] =	wrdreg $0xA8000  }
0xb1: {  	[dreg:$0x5] =	wrdreg $0x9  }
0xb2: {  	_ =	task.clear_ibuf [dreg:s7], $0x6FFFF;
	_ =	strace $0x90000049  }
0xb3: {  	s29 =	simm.s32 $0x9;
	_ =	strace $0x8000004B  }
0xb4: {  	_ =	swait.ge [sflag:s29], $0x1  }
0xb5: {  	[sflag:s29] =	ssyncadd.s32 $0xFFFFFFFF  }
0xb6: {  	_ =	strace $0x9000004B  }
0xb7: {  	_ =	sfence  }
0xb8: {  	s30 =	sld [smem:$0x0];
	_ =	sdelay $0x2  }
0xb9: {  	s31 =	sshll.u32 s1, $0xD;
	s1 =	sshrl.u32 s1, $0x2  }
0xba: {  	s3 =	sand.u32 $0x4000, s31;
	s1 =	sadd.s32 s1, s30  }
0xbb: {  	s0 =	sor.u32 s3, s0;
	s1 =	sshll.u32 s1, $0x11  }
0xbc: {  	s0 =	sor.u32 s1, s0  }
0xbd: {  	s0 =	sadd.s32 $0x8F2B, s0  }
0xbe: {  	[sflag:s0] =	ssyncadd.remote.s32 $0x1  }
0xbf: {  	_ =	sfence.sel $0xFFFF  }
0xc0: {  	[dreg:$0x0] =	wrdreg $0xFFFFFFFF;
	(pc) =	sbr.abs _section_cstart, $3  }
0xc1: {  	[dreg:$0x1] =	wrdreg $0xFFFFFFFF  }
0xc2: {  	_ =	task.clear_ibuf [dreg:s7], $0x2FFFF;
	_ =	strace $0x9FFFFFFF  }
0xc3: {  	(tm) =	ssettm $0x7FFFFFFF  }
tec
execute0_lowered:
.L_overlay_start_1:
0x0: {  	(tag) =	ssettag $0x1  }
0x1: {  	s5 =	rddreg [dreg:$0x0]  }
0x2: {  	s8 =	rddreg [dreg:$0x1]  }
0x3: {  	s1 =	rddreg [dreg:$0x2];
	s2 =	srdreg.scid  }
0x4: {  	s0 =	rddreg [dreg:$0x3];
	s3 =	simm.s32 $0x0;
	s14 =	simm.s32 $0x1400  }
0x5: {  	s15 =	simm.s32 $0x7D;
	s16 =	simm.s32 $0x1;
	s17 =	simm.s32 $0x6800  }
0x6: {  	s18 =	simm.s32 $0x1380;
	s19 =	simm.s32 $0x2700;
	s6 =	sand.u32 $0x1, s2  }
0x7: {  	s20 =	simm.s32 $0x2780;
	s2 =	stileid.u32;
	s4 =	smul.u32 $0x13C000, s6  }
0x8: {  	[smem:$0x7FF] =	sst s3;
	s11 =	sadd.s32 $0x1600, s5;
	s7 =	smul.u32 $0x13C00, s2  }
0x9: {  	_ =	strace $0x8000004A;
	s9 =	sshll.u32 s2, $0x1;
	s29 =	ssub.s32 $0x2, s6  }
0xa: {  	s10 =	smul.u32 $0x4F000, s2;
	s9 =	sor.u32 s6, s9;
	s6 =	sshrl.u32 s29, $0x1  }
0xb: {  	s7 =	sadd.s32 s7, s4;
	s4 =	sadd.s32 $0xB600, s5;
	s9 =	smul.u32 $0x2800, s9  }
0xc: {  	s30 =	sshrl.u32 s10, $0x2;
	s13 =	ssub.s32 s29, s6;
	s7 =	sshrl.u32 s7, $0x3  }
0xd: {  	s12 =	sadd.s32 s7, s5;
	s9 =	sshrl.u32 s9, $0x3;
	s5 =	sadd.s32 s30, s1  }
0xe: {  	s31 =	sadd.s32 $0x280, s9;
	s6 =	sadd.s32 s8, s9;
	s7 =	sadd.s32 s11, s9  }
0xf: {  	s10 =	sadd.s32 $0xAA400, s12;
	s12 =	simm.s32 $0x2800;
	s8 =	sadd.s32 s8, s31  }
0x10: {  	v0 =	vimm.f32 $0.0e+00;
	s9 =	sadd.s32 s11, s31;
	s11 =	smax.u32 s13, $0x1;
	s13 =	simm.s32 $0x2  }
.LBB2_1:
0x11: {  	[tilespmem:$0x2800] =	vst v0  }
0x12: {  	[tilespmem:$0x2810] =	vst v0  }
0x13: {  	[tilespmem:$0x2820] =	vst v0  }
0x14: {  	[tilespmem:$0x2830] =	vst v0  }
0x15: {  	[tilespmem:$0x2840] =	vst v0  }
0x16: {  	[tilespmem:$0x2850] =	vst v0  }
0x17: {  	[tilespmem:$0x2860] =	vst v0  }
0x18: {  	[tilespmem:$0x2870] =	vst v0  }
0x19: {  	[tilespmem:$0x2880] =	vst v0  }
0x1a: {  	[tilespmem:$0x2890] =	vst v0  }
0x1b: {  	[tilespmem:$0x28A0] =	vst v0  }
0x1c: {  	[tilespmem:$0x28B0] =	vst v0  }
0x1d: {  	[tilespmem:$0x28C0] =	vst v0  }
0x1e: {  	[tilespmem:$0x28D0] =	vst v0  }
0x1f: {  	[tilespmem:$0x28E0] =	vst v0  }
0x20: {  	[tilespmem:$0x28F0] =	vst v0  }
0x21: {  	[tilespmem:$0x2900] =	vst v0  }
0x22: {  	[tilespmem:$0x2910] =	vst v0  }
0x23: {  	[tilespmem:$0x2920] =	vst v0  }
0x24: {  	[tilespmem:$0x2930] =	vst v0  }
0x25: {  	[tilespmem:$0x2940] =	vst v0  }
0x26: {  	[tilespmem:$0x2950] =	vst v0  }
0x27: {  	[tilespmem:$0x2960] =	vst v0  }
0x28: {  	[tilespmem:$0x2970] =	vst v0  }
0x29: {  	[tilespmem:$0x2980] =	vst v0  }
0x2a: {  	[tilespmem:$0x2990] =	vst v0  }
0x2b: {  	[tilespmem:$0x29A0] =	vst v0  }
0x2c: {  	[tilespmem:$0x29B0] =	vst v0  }
0x2d: {  	[tilespmem:$0x29C0] =	vst v0  }
0x2e: {  	[tilespmem:$0x29D0] =	vst v0  }
0x2f: {  	[tilespmem:$0x29E0] =	vst v0  }
0x30: {  	[tilespmem:$0x29F0] =	vst v0  }
0x31: {  	[tilespmem:$0x2A00] =	vst v0  }
0x32: {  	[tilespmem:$0x2A10] =	vst v0  }
0x33: {  	[tilespmem:$0x2A20] =	vst v0  }
0x34: {  	[tilespmem:$0x2A30] =	vst v0  }
0x35: {  	[tilespmem:$0x2A40] =	vst v0  }
0x36: {  	[tilespmem:$0x2A50] =	vst v0  }
0x37: {  	[tilespmem:$0x2A60] =	vst v0  }
0x38: {  	[tilespmem:$0x2A70] =	vst v0  }
0x39: {  	[tilespmem:$0x2A80] =	vst v0  }
0x3a: {  	[tilespmem:$0x2A90] =	vst v0  }
0x3b: {  	[tilespmem:$0x2AA0] =	vst v0  }
0x3c: {  	[tilespmem:$0x2AB0] =	vst v0  }
0x3d: {  	[tilespmem:$0x2AC0] =	vst v0  }
0x3e: {  	[tilespmem:$0x2AD0] =	vst v0  }
0x3f: {  	[tilespmem:$0x2AE0] =	vst v0  }
0x40: {  	[tilespmem:$0x2AF0] =	vst v0  }
0x41: {  	[tilespmem:$0x2B00] =	vst v0  }
0x42: {  	[tilespmem:$0x2B10] =	vst v0  }
0x43: {  	[tilespmem:$0x2B20] =	vst v0  }
0x44: {  	[tilespmem:$0x2B30] =	vst v0  }
0x45: {  	[tilespmem:$0x2B40] =	vst v0  }
0x46: {  	[tilespmem:$0x2B50] =	vst v0  }
0x47: {  	[tilespmem:$0x2B60] =	vst v0  }
0x48: {  	[tilespmem:$0x2B70] =	vst v0  }
0x49: {  	[tilespmem:$0x2B80] =	vst v0  }
0x4a: {  	[tilespmem:$0x2B90] =	vst v0  }
0x4b: {  	[tilespmem:$0x2BA0] =	vst v0  }
0x4c: {  	[tilespmem:$0x2BB0] =	vst v0  }
0x4d: {  	[tilespmem:$0x2BC0] =	vst v0  }
0x4e: {  	[tilespmem:$0x2BD0] =	vst v0  }
0x4f: {  	[tilespmem:$0x2BE0] =	vst v0  }
0x50: {  	[tilespmem:$0x2BF0] =	vst v0;
	s21 =	sadd.s32 $0x0, s5  }
0x51: {  	[spmem:s21] =	stream.linear.scatter [tilespmem:s12], [sflag:$0x2], $0x400, $0x38;
	[tilespmem:$0x1E400] =	vst v63  }
0x52: {  	s21 =	simm.s32 $0x1000;
	_ =	swait.ge [sflag:s13], $0x400  }
.LBB2_2:
0x53: {  	s22 =	sshra.s32 s21, $0x2;
	[sflag:s13] =	ssyncset.done $0x0;
	p0 =	sne.s32 s21, $0x4E000  }
.Ltmp0:
0x54: {  	s22 =	sadd.s32 s22, s5;
	[sflag:s13] =	ssyncadd.s32 $0xFFFFFC00;
	(pc) =	sbr.rel @p0 .LBB2_2-.Ltmp0, $3  }
0x55: {  	[spmem:s22] =	stream.linear.scatter [tilespmem:s12], [sflag:$0x2], $0x400, $0x38;
	[tilespmem:$0x1E400] =	vst v63  }
0x56: {  	s21 =	sadd.s32 $0x1000, s21;
	_ =	sdelay $0x1  }
0x57: {  	_ =	swait.ge [sflag:s13], $0x400  }
0x58: {  	[sflag:s13] =	ssyncset.done $0x0  }
0x59: {  	[sflag:s13] =	ssyncadd.s32 $0xFFFFFC00  }
0x5a: {  	s21 =	simm.s32 $0x0;
	[bflag:$0x0] =	sbarrier.arrive $0xFFFF  }
0x5b: {  	[tilespmem:s21], [sflag:$0x2] =	stream.linear.gather [hbm4b:s6+s21], $0x1400, $0x38;
	[tilespmem:$0x1E400] =	vst v63  }
0x5c: {  	_ =	swait.ge [sflag:s13], $0x1400  }
0x5d: {  	[sflag:s13] =	ssyncset.done $0x0  }
0x5e: {  	[sflag:s13] =	ssyncadd.s32 $0xFFFFEC00  }
0x5f: {  	[tilespmem:s14], [sflag:$0x2] =	stream.linear.gather [hbm4b:s7+s21], $0x1400, $0x38;
	[tilespmem:$0x1E400] =	vst v63  }
0x60: {  	_ =	swait.ge [sflag:s13], $0x1400  }
0x61: {  	[sflag:s13] =	ssyncset.done $0x0  }
0x62: {  	[sflag:s13] =	ssyncadd.s32 $0xFFFFEC00  }
0x63: {  	[tilespmem:s12], [sflag:$0x1] =	stream.indirect.gather [hbm4b:s4+s15], $0x80, s21, s15, $0xb8;
	[tilespmem:$0x1E400] =	vst v63  }
0x64: {  	_ =	swait.ge [sflag:s16], $0x3E80  }
0x65: {  	[sflag:s16] =	ssyncset.done $0x0  }
0x66: {  	s28 =	simm.s32 $0x80;
	[sflag:s16] =	ssyncadd.s32 $0xFFFFC180  }
0x67: {  	[tilespmem:s17], [sflag:$0x1] =	stream.indirect.gather [hbm4b:s4+s15], $0x80, s28, s15, $0xb8;
	[tilespmem:$0x1E400] =	vst v63  }
0x68: {  	s29 =	simm.s32 $0x1400  }
0x69: {  	[spmem:s1] =	stream.indirect.scatter.add.f32 [tilespmem:s12], [sflag:$0x2], $0x80, s29, s15, $0xb8;
	[tilespmem:$0x1E400] =	vst v63  }
0x6a: {  	_ =	swait.ge [sflag:s13], $0x3E80  }
0x6b: {  	[sflag:s13] =	ssyncset.done $0x0  }
0x6c: {  	[sflag:s13] =	ssyncadd.s32 $0xFFFFC180  }
0x6d: {  	_ =	swait.ge [sflag:s16], $0x3E80  }
0x6e: {  	[sflag:s16] =	ssyncset.done $0x0  }
0x6f: {  	s30 =	simm.s32 $0x100;
	[sflag:s16] =	ssyncadd.s32 $0xFFFFC180  }
0x70: {  	[tilespmem:s12], [sflag:$0x1] =	stream.indirect.gather [hbm4b:s4+s15], $0x80, s30, s15, $0xb8;
	[tilespmem:$0x1E400] =	vst v63  }
0x71: {  	s31 =	simm.s32 $0x1480  }
0x72: {  	[spmem:s1] =	stream.indirect.scatter.add.f32 [tilespmem:s17], [sflag:$0x2], $0x80, s31, s15, $0xb8;
	[tilespmem:$0x1E400] =	vst v63  }
0x73: {  	_ =	swait.ge [sflag:s13], $0x3E80  }
0x74: {  	s21 =	simm.s32 $0x400;
	[sflag:s13] =	ssyncset.done $0x0  }
.LBB2_4:
0x75: {  	p0 =	sne.s32 s21, $0x4800  }
0x76: {  	[sflag:s13] =	ssyncadd.s32 $0xFFFFC180;
	s22 =	smov.u32 s21;
	s21 =	sadd.s32 $0x400, s21  }
0x77: {  	_ = 	snop  }
0x78: {  	_ =	swait.ge [sflag:s16], $0x3E80  }
0x79: {  	s22 =	sshra.s32 s22, $0x2;
	[sflag:s16] =	ssyncset.done $0x0  }
0x7a: {  	s23 =	sadd.s32 $0x80, s22;
	[sflag:s16] =	ssyncadd.s32 $0xFFFFC180  }
0x7b: {  	[tilespmem:s17], [sflag:$0x1] =	stream.indirect.gather [hbm4b:s4+s15], $0x80, s23, s15, $0xb8;
	[tilespmem:$0x1E400] =	vst v63  }
0x7c: {  	s23 =	sadd.s32 $0x1400, s22  }
0x7d: {  	[spmem:s1] =	stream.indirect.scatter.add.f32 [tilespmem:s12], [sflag:$0x2], $0x80, s23, s15, $0xb8;
	[tilespmem:$0x1E400] =	vst v63  }
0x7e: {  	_ =	swait.ge [sflag:s13], $0x3E80  }
0x7f: {  	[sflag:s13] =	ssyncset.done $0x0  }
0x80: {  	[sflag:s13] =	ssyncadd.s32 $0xFFFFC180  }
0x81: {  	_ =	swait.ge [sflag:s16], $0x3E80  }
0x82: {  	[sflag:s16] =	ssyncset.done $0x0  }
0x83: {  	s23 =	sadd.s32 $0x100, s22;
	[sflag:s16] =	ssyncadd.s32 $0xFFFFC180  }
0x84: {  	[tilespmem:s12], [sflag:$0x1] =	stream.indirect.gather [hbm4b:s4+s15], $0x80, s23, s15, $0xb8;
	[tilespmem:$0x1E400] =	vst v63  }
.Ltmp1:
0x85: {  	_ = 	snop;
	(pc) =	sbr.rel @p0 .LBB2_4-.Ltmp1, $4  }
0x86: {  	s22 =	sadd.s32 $0x1480, s22  }
0x87: {  	[spmem:s1] =	stream.indirect.scatter.add.f32 [tilespmem:s17], [sflag:$0x2], $0x80, s22, s15, $0xb8;
	[tilespmem:$0x1E400] =	vst v63  }
0x88: {  	_ =	swait.ge [sflag:s13], $0x3E80  }
0x89: {  	[sflag:s13] =	ssyncset.done $0x0  }
0x8a: {  	[sflag:s13] =	ssyncadd.s32 $0xFFFFC180  }
0x8b: {  	_ =	swait.ge [sflag:s16], $0x3E80  }
0x8c: {  	[sflag:s16] =	ssyncset.done $0x0  }
0x8d: {  	[sflag:s16] =	ssyncadd.s32 $0xFFFFC180  }
0x8e: {  	[tilespmem:s17], [sflag:$0x1] =	stream.indirect.gather [hbm4b:s4+s15], $0x80, s18, s15, $0xb8;
	[tilespmem:$0x1E400] =	vst v63  }
0x8f: {  	_ = 	snop  }
0x90: {  	[spmem:s1] =	stream.indirect.scatter.add.f32 [tilespmem:s12], [sflag:$0x2], $0x80, s19, s15, $0xb8;
	[tilespmem:$0x1E400] =	vst v63  }
0x91: {  	_ =	swait.ge [sflag:s13], $0x3E80  }
0x92: {  	[sflag:s13] =	ssyncset.done $0x0  }
0x93: {  	[sflag:s13] =	ssyncadd.s32 $0xFFFFC180  }
0x94: {  	_ =	swait.ge [sflag:s16], $0x3E80  }
0x95: {  	[sflag:s16] =	ssyncset.done $0x0  }
0x96: {  	[sflag:s16] =	ssyncadd.s32 $0xFFFFC180  }
0x97: {  	[spmem:s1] =	stream.indirect.scatter.add.f32 [tilespmem:s17], [sflag:$0x2], $0x80, s20, s15, $0xb8;
	[tilespmem:$0x1E400] =	vst v63  }
0x98: {  	_ =	swait.ge [sflag:s13], $0x3E80  }
0x99: {  	[sflag:s13] =	ssyncset.done $0x0  }
0x9a: {  	s21 =	simm.s32 $0x0;
	[sflag:s13] =	ssyncadd.s32 $0xFFFFC180  }
0x9b: {  	[tilespmem:s21], [sflag:$0x2] =	stream.linear.gather [hbm4b:s8+s21], $0x1400, $0x38;
	[tilespmem:$0x1E400] =	vst v63  }
0x9c: {  	_ =	swait.ge [sflag:s13], $0x1400  }
0x9d: {  	[sflag:s13] =	ssyncset.done $0x0  }
0x9e: {  	[sflag:s13] =	ssyncadd.s32 $0xFFFFEC00  }
0x9f: {  	[tilespmem:s14], [sflag:$0x2] =	stream.linear.gather [hbm4b:s9+s21], $0x1400, $0x38;
	[tilespmem:$0x1E400] =	vst v63  }
0xa0: {  	_ =	swait.ge [sflag:s13], $0x1400  }
0xa1: {  	[sflag:s13] =	ssyncset.done $0x0  }
0xa2: {  	[sflag:s13] =	ssyncadd.s32 $0xFFFFEC00  }
0xa3: {  	[tilespmem:s12], [sflag:$0x1] =	stream.indirect.gather [hbm4b:s4+s15], $0x80, s21, s15, $0xb8;
	[tilespmem:$0x1E400] =	vst v63  }
0xa4: {  	_ =	swait.ge [sflag:s16], $0x3E80  }
0xa5: {  	[sflag:s16] =	ssyncset.done $0x0  }
0xa6: {  	s28 =	simm.s32 $0x80;
	[sflag:s16] =	ssyncadd.s32 $0xFFFFC180  }
0xa7: {  	[tilespmem:s17], [sflag:$0x1] =	stream.indirect.gather [hbm4b:s4+s15], $0x80, s28, s15, $0xb8;
	[tilespmem:$0x1E400] =	vst v63  }
0xa8: {  	s29 =	simm.s32 $0x1400  }
0xa9: {  	[spmem:s1] =	stream.indirect.scatter.add.f32 [tilespmem:s12], [sflag:$0x2], $0x80, s29, s15, $0xb8;
	[tilespmem:$0x1E400] =	vst v63  }
0xaa: {  	_ =	swait.ge [sflag:s13], $0x3E80  }
0xab: {  	[sflag:s13] =	ssyncset.done $0x0  }
0xac: {  	[sflag:s13] =	ssyncadd.s32 $0xFFFFC180  }
0xad: {  	_ =	swait.ge [sflag:s16], $0x3E80  }
0xae: {  	[sflag:s16] =	ssyncset.done $0x0  }
0xaf: {  	s30 =	simm.s32 $0x100;
	[sflag:s16] =	ssyncadd.s32 $0xFFFFC180  }
0xb0: {  	[tilespmem:s12], [sflag:$0x1] =	stream.indirect.gather [hbm4b:s4+s15], $0x80, s30, s15, $0xb8;
	[tilespmem:$0x1E400] =	vst v63  }
0xb1: {  	s31 =	simm.s32 $0x1480  }
0xb2: {  	[spmem:s1] =	stream.indirect.scatter.add.f32 [tilespmem:s17], [sflag:$0x2], $0x80, s31, s15, $0xb8;
	[tilespmem:$0x1E400] =	vst v63  }
0xb3: {  	_ =	swait.ge [sflag:s13], $0x3E80  }
0xb4: {  	s21 =	simm.s32 $0x400;
	[sflag:s13] =	ssyncset.done $0x0  }
.LBB2_6:
0xb5: {  	p0 =	sne.s32 s21, $0x4800  }
0xb6: {  	[sflag:s13] =	ssyncadd.s32 $0xFFFFC180;
	s22 =	smov.u32 s21;
	s21 =	sadd.s32 $0x400, s21  }
0xb7: {  	_ = 	snop  }
0xb8: {  	_ =	swait.ge [sflag:s16], $0x3E80  }
0xb9: {  	s22 =	sshra.s32 s22, $0x2;
	[sflag:s16] =	ssyncset.done $0x0  }
0xba: {  	s23 =	sadd.s32 $0x80, s22;
	[sflag:s16] =	ssyncadd.s32 $0xFFFFC180  }
0xbb: {  	[tilespmem:s17], [sflag:$0x1] =	stream.indirect.gather [hbm4b:s4+s15], $0x80, s23, s15, $0xb8;
	[tilespmem:$0x1E400] =	vst v63  }
0xbc: {  	s23 =	sadd.s32 $0x1400, s22  }
0xbd: {  	[spmem:s1] =	stream.indirect.scatter.add.f32 [tilespmem:s12], [sflag:$0x2], $0x80, s23, s15, $0xb8;
	[tilespmem:$0x1E400] =	vst v63  }
0xbe: {  	_ =	swait.ge [sflag:s13], $0x3E80  }
0xbf: {  	[sflag:s13] =	ssyncset.done $0x0  }
0xc0: {  	[sflag:s13] =	ssyncadd.s32 $0xFFFFC180  }
0xc1: {  	_ =	swait.ge [sflag:s16], $0x3E80  }
0xc2: {  	[sflag:s16] =	ssyncset.done $0x0  }
0xc3: {  	s23 =	sadd.s32 $0x100, s22;
	[sflag:s16] =	ssyncadd.s32 $0xFFFFC180  }
0xc4: {  	[tilespmem:s12], [sflag:$0x1] =	stream.indirect.gather [hbm4b:s4+s15], $0x80, s23, s15, $0xb8;
	[tilespmem:$0x1E400] =	vst v63  }
.Ltmp2:
0xc5: {  	_ = 	snop;
	(pc) =	sbr.rel @p0 .LBB2_6-.Ltmp2, $4  }
0xc6: {  	s22 =	sadd.s32 $0x1480, s22  }
0xc7: {  	[spmem:s1] =	stream.indirect.scatter.add.f32 [tilespmem:s17], [sflag:$0x2], $0x80, s22, s15, $0xb8;
	[tilespmem:$0x1E400] =	vst v63  }
0xc8: {  	_ =	swait.ge [sflag:s13], $0x3E80  }
0xc9: {  	[sflag:s13] =	ssyncset.done $0x0  }
0xca: {  	[sflag:s13] =	ssyncadd.s32 $0xFFFFC180  }
0xcb: {  	_ =	swait.ge [sflag:s16], $0x3E80  }
0xcc: {  	[sflag:s16] =	ssyncset.done $0x0  }
0xcd: {  	[sflag:s16] =	ssyncadd.s32 $0xFFFFC180  }
0xce: {  	[tilespmem:s17], [sflag:$0x1] =	stream.indirect.gather [hbm4b:s4+s15], $0x80, s18, s15, $0xb8;
	[tilespmem:$0x1E400] =	vst v63  }
0xcf: {  	_ = 	snop  }
0xd0: {  	[spmem:s1] =	stream.indirect.scatter.add.f32 [tilespmem:s12], [sflag:$0x2], $0x80, s19, s15, $0xb8;
	[tilespmem:$0x1E400] =	vst v63  }
0xd1: {  	_ =	swait.ge [sflag:s13], $0x3E80  }
0xd2: {  	[sflag:s13] =	ssyncset.done $0x0  }
0xd3: {  	[sflag:s13] =	ssyncadd.s32 $0xFFFFC180  }
0xd4: {  	_ =	swait.ge [sflag:s16], $0x3E80  }
0xd5: {  	[sflag:s16] =	ssyncset.done $0x0  }
0xd6: {  	[sflag:s16] =	ssyncadd.s32 $0xFFFFC180  }
0xd7: {  	[spmem:s1] =	stream.indirect.scatter.add.f32 [tilespmem:s17], [sflag:$0x2], $0x80, s20, s15, $0xb8;
	[tilespmem:$0x1E400] =	vst v63  }
0xd8: {  	_ =	swait.ge [sflag:s13], $0x3E80  }
0xd9: {  	s21 =	sshll.u32 s2, $0x6;
	s3 =	sadd.s32 $0x1, s3;
	[sflag:s13] =	ssyncset.done $0x0  }
0xda: {  	s22 =	sshrl.u32 s5, $0x3;
	p0 =	sne.s32 s3, s11;
	[sflag:s13] =	ssyncadd.s32 $0xFFFFC180  }
.Ltmp3:
0xdb: {  	s21 =	sor.u32 $0x1C02, s21;
	[bflag:$0x0] =	sbarrier.arrive $0xFFFF;
	(pc) =	sbr.rel @p0 .LBB2_1-.Ltmp3, $4  }
0xdc: {  	[hbm:s10], [sflag:s21] =	dma.local [spmem:s22], $0x2780  }
0xdd: {  	_ =	swait.ge [sflag:s13], $0x2780  }
0xde: {  	[sflag:s13] =	ssyncset.done $0x0  }
0xdf: {  	[sflag:s13] =	ssyncadd.s32 $0xFFFFD880  }
0xe0: {  	_ =	sfence.sel $0x180000  }
0xe1: {  	[bflag:$0x0] =	sbarrier.arrive $0xFFFF  }
0xe2: {  	p0 =	sne.s32 s2, $0x0;
	_ =	strace $0x9000004A  }
0xe3: {  	s0 =	sadd.s32 @!p0 $0x100000, s0;
	[bflag:$0x2] =	sbarrier.arrive $0xFFFF  }
0xe4: {  	[sflag:s0] =	ssyncadd.tile.s32 @!p0 $0x1;
	_ =	shalt  }
.Lfunc_end2:
_tile_overlayer_lowered:
.L_overlay_start_2:
0xe5: {  	(tag) =	ssettag $0x2  }
0xe6: {  	s0 =	rddreg [dreg:$0x0];
	s2 =	stileid.u32  }
0xe7: {  	s1 =	rddreg [dreg:$0x1];
	p0 =	sne.s32 s2, $0x0  }
0xe8: {  	s3 =	rddreg [dreg:$0x2];
	[bflag:$0x3] =	sbarrier.arrive $0xFFFF;
	s2 =	simm.s32 @!p0 $0x1C02  }
0xe9: {  	[timem:s3], [sflag:s2] =	dma.local @!p0 [hbm:s0], s1  }
0xea: {  	s0 =	simm.s32 @!p0 $0x2  }
0xeb: {  	_ =	swait.ge @!p0 [sflag:s0], s1  }
0xec: {  	s1 =	ssub.s32 @!p0 $0x0, s1;
	[sflag:s0] =	ssyncset.done @!p0 $0x0  }
0xed: {  	[sflag:s0] =	ssyncadd.s32 @!p0 s1  }
0xee: {  	[bflag:$0x3] =	sbarrier.arrive $0xFFFF  }
0xef: {  	_ =	shalt  }

</sc_bundles>
